<compile_context>
chip_gen: v7x
topology: tpu7x:2x2x1
jax: 0.10.2.dev20260603
libtpu: 0.0.44.dev20260713+nightly
codegen_flags: <defaults>
</compile_context>

<pallas_src>
import functools

import jax
import jax.numpy as jnp
from jax import lax
from jax.experimental import pallas as pl
from jax.experimental.pallas import tpu as pltpu
from jax.experimental.pallas import tpu_sc as plsc

_EPS = 1e-3

_B = 16384
_EMB = 64
_FEAT = 32
_VOCAB = 1000000

_NC = 2
_NS = 16
_NW = _NC * _NS
_B_PER_W = _B // _NW
_CHUNK = 64
_NCHUNK = _B_PER_W // _CHUNK


def _gather_body(idx_hbm, table_hbm, out_hbm, idx_v, rows_v, sem):
    wid = lax.axis_index("s") * _NC + lax.axis_index("c")
    base = wid * _B_PER_W
    pltpu.sync_copy(idx_hbm.at[wid], idx_v)

    def chunk_body(k, carry):
        copies = []
        for g in range(_CHUNK // 16):
            vec = idx_v[pl.ds(k * _CHUNK + g * 16, 16)]
            for l in range(16):
                copies.append(pltpu.async_copy(
                    table_hbm.at[pl.ds(vec[l], 1)],
                    rows_v.at[pl.ds(g * 16 + l, 1)], sem))
        for c in copies:
            c.wait()
        pltpu.sync_copy(rows_v, out_hbm.at[pl.ds(base + k * _CHUNK, _CHUNK)])
        return carry

    lax.fori_loop(0, _NCHUNK, chunk_body, 0)


@functools.cache
def _sc_gather_fn():
    return pl.kernel(
        _gather_body,
        mesh=plsc.VectorSubcoreMesh(core_axis_name="c", subcore_axis_name="s"),
        compiler_params=pltpu.CompilerParams(use_tc_tiling_on_sc=True),
        out_type=jax.ShapeDtypeStruct((_B, _EMB), jnp.float32),
        scratch_types=[
            pltpu.VMEM((_B_PER_W,), jnp.int32),
            pltpu.VMEM((_CHUNK, _EMB), jnp.float32),
            pltpu.SemaphoreType.DMA,
        ],
    )


def _mlp_body(emb_ref, feat_ref, w1a_ref, w1b_ref, b1_ref, g1_ref, be1_ref,
              m1_ref, v1_ref, w2_ref, b2_ref, g2_ref, be2_ref, m2_ref,
              v2_ref, wo_ref, bo_ref, out_ref):
    emb = emb_ref[...]
    feat = feat_ref[...]
    h = jnp.dot(emb, w1a_ref[...], preferred_element_type=jnp.float32)
    h = h + jnp.dot(feat, w1b_ref[...], preferred_element_type=jnp.float32)
    h = jnp.maximum(h + b1_ref[...], 0.0)
    s1 = g1_ref[...] / jnp.sqrt(v1_ref[...] + _EPS)
    h = h * s1 + (be1_ref[...] - m1_ref[...] * s1)
    h = jnp.maximum(
        jnp.dot(h, w2_ref[...], preferred_element_type=jnp.float32)
        + b2_ref[...], 0.0)
    s2 = g2_ref[...] / jnp.sqrt(v2_ref[...] + _EPS)
    h = h * s2 + (be2_ref[...] - m2_ref[...] * s2)
    out_ref[...] = (
        jnp.dot(h, wo_ref[...], preferred_element_type=jnp.float32)
        + bo_ref[...])


def _mlp(emb, features, W1, b1, g1, be1, m1, v1, W2, b2, g2, be2, m2, v2,
         Wo, bo, block_b=2048):
    n_blocks = _B // block_b
    row = lambda a: a.reshape(1, -1)
    full = lambda a: pl.BlockSpec(a.shape, lambda i: (0, 0))
    w1a, w1b = W1[:_EMB], W1[_EMB:]
    args = (emb, features, w1a, w1b, row(b1), row(g1), row(be1), row(m1),
            row(v1), W2, row(b2), row(g2), row(be2), row(m2), row(v2),
            Wo, row(bo))
    in_specs = [
        pl.BlockSpec((block_b, _EMB), lambda i: (i, 0)),
        pl.BlockSpec((block_b, _FEAT), lambda i: (i, 0)),
    ] + [full(a) for a in args[2:]]
    return pl.pallas_call(
        _mlp_body,
        grid=(n_blocks,),
        in_specs=in_specs,
        out_specs=pl.BlockSpec((block_b, _EMB), lambda i: (i, 0)),
        out_shape=jax.ShapeDtypeStruct((_B, _EMB), jnp.float32),
    )(*args)


def kernel(user_id, features, table, W1, b1, g1, be1, m1, v1, W2, b2, g2,
           be2, m2, v2, Wo, bo):
    idx = user_id.astype(jnp.int32).reshape(_NW, _B_PER_W)
    emb = _sc_gather_fn()(idx, table)
    return _mlp(emb, features, W1, b1, g1, be1, m1, v1, W2, b2, g2, be2,
                m2, v2, Wo, bo)

# --- scband reference (transcript-rebuilt; emitter-appended) ---
"""Pipeline reference for scband-user-tower-52965536694692 (READ-ONLY COPY).

The authoritative reference and input builder live on the scoring server;
editing this copy changes nothing except your own understanding.
"""

import jax, jax.numpy as jnp
import numpy as np

VOCAB = 1000000
EMB = 64
B = 16384
FEAT = 32
EPS = 1e-3


def setup_inputs(seed: int = 0) -> dict:
    key = jax.random.key(seed)
    ks = jax.random.split(key, 12)
    user_id = jax.random.randint(ks[0], (B,), 0, VOCAB, dtype=jnp.int64 if jax.config.jax_enable_x64 else jnp.int32)
    features = jax.random.normal(ks[1], (B, FEAT), dtype=jnp.float32)
    table = jax.random.normal(ks[2], (VOCAB, EMB), dtype=jnp.float32) * 0.01
    d_in = EMB + FEAT
    W1 = jax.random.normal(ks[3], (d_in, 256), dtype=jnp.float32) * (1.0 / np.sqrt(d_in))
    b1 = jnp.zeros((256,), jnp.float32)
    g1 = jnp.ones((256,), jnp.float32)
    be1 = jnp.zeros((256,), jnp.float32)
    m1 = jnp.zeros((256,), jnp.float32)
    v1 = jnp.ones((256,), jnp.float32)
    W2 = jax.random.normal(ks[4], (256, 128), dtype=jnp.float32) * (1.0 / np.sqrt(256))
    b2 = jnp.zeros((128,), jnp.float32)
    g2 = jnp.ones((128,), jnp.float32)
    be2 = jnp.zeros((128,), jnp.float32)
    m2 = jnp.zeros((128,), jnp.float32)
    v2 = jnp.ones((128,), jnp.float32)
    Wo = jax.random.normal(ks[5], (128, EMB), dtype=jnp.float32) * (1.0 / np.sqrt(128))
    bo = jnp.zeros((EMB,), jnp.float32)
    return {"user_id": user_id, "features": features, "table": table,
            "W1": W1, "b1": b1, "g1": g1, "be1": be1, "m1": m1, "v1": v1,
            "W2": W2, "b2": b2, "g2": g2, "be2": be2, "m2": m2, "v2": v2,
            "Wo": Wo, "bo": bo}


def reference(user_id, features, table, W1, b1, g1, be1, m1, v1, W2, b2, g2, be2, m2, v2, Wo, bo):
    # embedding lookup (memory-bound gather over 1M x 64 table)
    emb = jnp.take(table, user_id, axis=0)
    x = jnp.concatenate([emb, features], axis=1)
    # dense block 1: Dense(relu) -> BatchNorm(inference) -> Dropout(identity at inference)
    x = jax.nn.relu(x @ W1 + b1)
    x = g1 * (x - m1) / jnp.sqrt(v1 + EPS) + be1
    # dense block 2
    x = jax.nn.relu(x @ W2 + b2)
    x = g2 * (x - m2) / jnp.sqrt(v2 + EPS) + be2
    # output projection back to embedding_dim
    return x @ Wo + bo

if __name__ == "__main__":
    import jax
    _d = setup_inputs()
    print(jax.jit(kernel)(*tuple(_d.values())))

</pallas_src>

<mosaic_0001>
#map = affine_map<(d0, d1) -> (0, 0)>
module attributes {stable_mosaic.version = 14 : i64} {
  func.func @_gather_body(%arg0: i32, %arg1: i32, %arg2: memref<32x512xi32, #tpu.memory_space<hbm>>, %arg3: memref<1000000x64xf32, #tpu.memory_space<hbm>>, %arg4: memref<16384x64xf32, #tpu.memory_space<hbm>>, %arg5: memref<512xi32, #tpu.memory_space<vmem>>, %arg6: memref<64x64xf32, #tpu.memory_space<vmem>>, %arg7: memref<!tpu.dma_semaphore, #tpu.memory_space<semaphore_mem>>) attributes {dimension_semantics = [#tpu.dimension_semantics<core_parallel>, #tpu.dimension_semantics<subcore_parallel>], iteration_bounds = array<i64: 2, 16>, scalar_prefetch = 0 : i64, scratch_operands = 3 : i64, tpu.core_type = #tpu.core_type<sc_vector_subcore>, window_params = [{transform_indices = #map}, {transform_indices = #map}, {transform_indices = #map}]} {
    %mul3A = arith.constant 2 : i32
    %mul3A_0 = arith.muli %arg1, %mul3A : i32
    %add3A = arith.addi %mul3A_0, %arg0 : i32
    %mul3A_1 = arith.constant 512 : i32
    %mul3A_2 = arith.muli %add3A, %mul3A_1 : i32
    "tpu.region"() ({
      %run_scoped3A = tpu.sem_alloc : memref<!tpu.dma_semaphore, #tpu.memory_space<semaphore_mem>>
      %dma_start3A = arith.constant 0 : i32
      %dma_start3A_8 = tpu.memref_slice %arg2[%add3A, %dma_start3A] : memref<32x512xi32, #tpu.memory_space<hbm>> -> memref<1x512xi32, #tpu.memory_space<hbm>>
      %dma_start3A_9 = tpu.memref_squeeze %dma_start3A_8 : memref<1x512xi32, #tpu.memory_space<hbm>> -> memref<512xi32, #tpu.memory_space<hbm>>
      %dma_start3A_10 = arith.constant 0 : i32
      %dma_start3A_11 = tpu.memref_slice %arg2[%add3A, %dma_start3A_10] : memref<32x512xi32, #tpu.memory_space<hbm>> -> memref<1x512xi32, #tpu.memory_space<hbm>>
      %dma_start3A_12 = tpu.memref_squeeze %dma_start3A_11 : memref<1x512xi32, #tpu.memory_space<hbm>> -> memref<512xi32, #tpu.memory_space<hbm>>
      tpu.enqueue_dma source(%dma_start3A_12 : memref<512xi32, #tpu.memory_space<hbm>>) target(%arg5 : memref<512xi32, #tpu.memory_space<vmem>>) target_semaphore(%run_scoped3A : memref<!tpu.dma_semaphore, #tpu.memory_space<semaphore_mem>>)
      %dma_wait3A = arith.constant 0 : i32
      %dma_wait3A_13 = tpu.memref_slice %arg2[%add3A, %dma_wait3A] : memref<32x512xi32, #tpu.memory_space<hbm>> -> memref<1x512xi32, #tpu.memory_space<hbm>>
      %dma_wait3A_14 = tpu.memref_squeeze %dma_wait3A_13 : memref<1x512xi32, #tpu.memory_space<hbm>> -> memref<512xi32, #tpu.memory_space<hbm>>
      %dma_wait3A_15 = arith.constant 0 : i32
      %dma_wait3A_16 = tpu.memref_slice %arg2[%add3A, %dma_wait3A_15] : memref<32x512xi32, #tpu.memory_space<hbm>> -> memref<1x512xi32, #tpu.memory_space<hbm>>
      %dma_wait3A_17 = tpu.memref_squeeze %dma_wait3A_16 : memref<1x512xi32, #tpu.memory_space<hbm>> -> memref<512xi32, #tpu.memory_space<hbm>>
      tpu.wait_dma2 semaphore(%run_scoped3A : memref<!tpu.dma_semaphore, #tpu.memory_space<semaphore_mem>>) src(%dma_wait3A_17 : memref<512xi32, #tpu.memory_space<hbm>>) dst(%arg5 : memref<512xi32, #tpu.memory_space<vmem>>)
      tpu.yield
    }) : () -> ()
    %scan3A = arith.constant 0 : i32
    %scan3A_3 = arith.constant 0 : i32
    %scan3A_4 = arith.constant 8 : i32
    %scan3A_5 = arith.addi %scan3A_3, %scan3A_4 : i32
    %scan3A_6 = arith.constant 1 : i32
    scf.for %scan3A_8 = %scan3A_3 to %scan3A_5 step %scan3A_6  : i32 {
      %mul3A_9 = arith.constant 64 : i32
      %mul3A_10 = arith.muli %scan3A_8, %mul3A_9 : i32
      %add3A_11 = arith.constant 0 : i32
      %add3A_12 = arith.addi %mul3A_10, %add3A_11 : i32
      %get3A = arith.index_cast %add3A_12 : i32 to index
      %get3A_13 = tpu.vector_load %arg5[%get3A] {strides = array<i32>} : memref<512xi32, #tpu.memory_space<vmem>>, vector<16xi32>,
      %get3A_14 = vector.shape_cast %get3A_13 : vector<16xi32> to vector<16xi32>
      %slice3A = vector.extract_strided_slice %get3A_14 {offsets = [0], sizes = [1], strides = [1]} : vector<16xi32> to vector<1xi32>
      %squeeze3A = vector.extract %slice3A[0] : i32 from vector<1xi32>
      %dma_start3A = arith.constant 0 : i32
      %dma_start3A_15 = arith.constant 0 : i32
      %dma_start3A_16 = tpu.memref_slice %arg6[%dma_start3A, %dma_start3A_15] : memref<64x64xf32, #tpu.memory_space<vmem>> -> memref<1x64xf32, #tpu.memory_space<vmem>>
      %dma_start3A_17 = arith.constant 0 : i32
      %dma_start3A_18 = tpu.memref_slice %arg3[%squeeze3A, %dma_start3A_17] : memref<1000000x64xf32, #tpu.memory_space<hbm>> -> memref<1x64xf32, #tpu.memory_space<hbm>>
      %dma_start3A_19 = arith.constant 0 : i32
      %dma_start3A_20 = arith.constant 0 : i32
      %dma_start3A_21 = tpu.memref_slice %arg6[%dma_start3A_19, %dma_start3A_20] : memref<64x64xf32, #tpu.memory_space<vmem>> -> memref<1x64xf32, #tpu.memory_space<vmem>>
      %dma_start3A_22 = arith.constant 0 : i32
      %dma_start3A_23 = tpu.memref_slice %arg3[%squeeze3A, %dma_start3A_22] : memref<1000000x64xf32, #tpu.memory_space<hbm>> -> memref<1x64xf32, #tpu.memory_space<hbm>>
      tpu.enqueue_dma source(%dma_start3A_23 : memref<1x64xf32, #tpu.memory_space<hbm>>) target(%dma_start3A_21 : memref<1x64xf32, #tpu.memory_space<vmem>>) target_semaphore(%arg7 : memref<!tpu.dma_semaphore, #tpu.memory_space<semaphore_mem>>)
      %slice3A_24 = vector.extract_strided_slice %get3A_14 {offsets = [1], sizes = [1], strides = [1]} : vector<16xi32> to vector<1xi32>
      %squeeze3A_25 = vector.extract %slice3A_24[0] : i32 from vector<1xi32>
      %dma_start3A_26 = arith.constant 1 : i32
      %dma_start3A_27 = arith.constant 0 : i32
      %dma_start3A_28 = tpu.memref_slice %arg6[%dma_start3A_26, %dma_start3A_27] : memref<64x64xf32, #tpu.memory_space<vmem>> -> memref<1x64xf32, #tpu.memory_space<vmem>>
      %dma_start3A_29 = arith.constant 0 : i32
      %dma_start3A_30 = tpu.memref_slice %arg3[%squeeze3A_25, %dma_start3A_29] : memref<1000000x64xf32, #tpu.memory_space<hbm>> -> memref<1x64xf32, #tpu.memory_space<hbm>>
      %dma_start3A_31 = arith.constant 1 : i32
      %dma_start3A_32 = arith.constant 0 : i32
      %dma_start3A_33 = tpu.memref_slice %arg6[%dma_start3A_31, %dma_start3A_32] : memref<64x64xf32, #tpu.memory_space<vmem>> -> memref<1x64xf32, #tpu.memory_space<vmem>>
      %dma_start3A_34 = arith.constant 0 : i32
      %dma_start3A_35 = tpu.memref_slice %arg3[%squeeze3A_25, %dma_start3A_34] : memref<1000000x64xf32, #tpu.memory_space<hbm>> -> memref<1x64xf32, #tpu.memory_space<hbm>>
      tpu.enqueue_dma source(%dma_start3A_35 : memref<1x64xf32, #tpu.memory_space<hbm>>) target(%dma_start3A_33 : memref<1x64xf32, #tpu.memory_space<vmem>>) target_semaphore(%arg7 : memref<!tpu.dma_semaphore, #tpu.memory_space<semaphore_mem>>)
      %slice3A_36 = vector.extract_strided_slice %get3A_14 {offsets = [2], sizes = [1], strides = [1]} : vector<16xi32> to vector<1xi32>
      %squeeze3A_37 = vector.extract %slice3A_36[0] : i32 from vector<1xi32>
      %dma_start3A_38 = arith.constant 2 : i32
      %dma_start3A_39 = arith.constant 0 : i32
      %dma_start3A_40 = tpu.memref_slice %arg6[%dma_start3A_38, %dma_start3A_39] : memref<64x64xf32, #tpu.memory_space<vmem>> -> memref<1x64xf32, #tpu.memory_space<vmem>>
      %dma_start3A_41 = arith.constant 0 : i32
      %dma_start3A_42 = tpu.memref_slice %arg3[%squeeze3A_37, %dma_start3A_41] : memref<1000000x64xf32, #tpu.memory_space<hbm>> -> memref<1x64xf32, #tpu.memory_space<hbm>>
      %dma_start3A_43 = arith.constant 2 : i32
      %dma_start3A_44 = arith.constant 0 : i32
      %dma_start3A_45 = tpu.memref_slice %arg6[%dma_start3A_43, %dma_start3A_44] : memref<64x64xf32, #tpu.memory_space<vmem>> -> memref<1x64xf32, #tpu.memory_space<vmem>>
      %dma_start3A_46 = arith.constant 0 : i32
      %dma_start3A_47 = tpu.memref_slice %arg3[%squeeze3A_37, %dma_start3A_46] : memref<1000000x64xf32, #tpu.memory_space<hbm>> -> memref<1x64xf32, #tpu.memory_space<hbm>>
      tpu.enqueue_dma source(%dma_start3A_47 : memref<1x64xf32, #tpu.memory_space<hbm>>) target(%dma_start3A_45 : memref<1x64xf32, #tpu.memory_space<vmem>>) target_semaphore(%arg7 : memref<!tpu.dma_semaphore, #tpu.memory_space<semaphore_mem>>)
      %slice3A_48 = vector.extract_strided_slice %get3A_14 {offsets = [3], sizes = [1], strides = [1]} : vector<16xi32> to vector<1xi32>
      %squeeze3A_49 = vector.extract %slice3A_48[0] : i32 from vector<1xi32>
      %dma_start3A_50 = arith.constant 3 : i32
      %dma_start3A_51 = arith.constant 0 : i32
      %dma_start3A_52 = tpu.memref_slice %arg6[%dma_start3A_50, %dma_start3A_51] : memref<64x64xf32, #tpu.memory_space<vmem>> -> memref<1x64xf32, #tpu.memory_space<vmem>>
      %dma_start3A_53 = arith.constant 0 : i32
      %dma_start3A_54 = tpu.memref_slice %arg3[%squeeze3A_49, %dma_start3A_53] : memref<1000000x64xf32, #tpu.memory_space<hbm>> -> memref<1x64xf32, #tpu.memory_space<hbm>>
      %dma_start3A_55 = arith.constant 3 : i32
      %dma_start3A_56 = arith.constant 0 : i32
      %dma_start3A_57 = tpu.memref_slice %arg6[%dma_start3A_55, %dma_start3A_56] : memref<64x64xf32, #tpu.memory_space<vmem>> -> memref<1x64xf32, #tpu.memory_space<vmem>>
      %dma_start3A_58 = arith.constant 0 : i32
      %dma_start3A_59 = tpu.memref_slice %arg3[%squeeze3A_49, %dma_start3A_58] : memref<1000000x64xf32, #tpu.memory_space<hbm>> -> memref<1x64xf32, #tpu.memory_space<hbm>>
      tpu.enqueue_dma source(%dma_start3A_59 : memref<1x64xf32, #tpu.memory_space<hbm>>) target(%dma_start3A_57 : memref<1x64xf32, #tpu.memory_space<vmem>>) target_semaphore(%arg7 : memref<!tpu.dma_semaphore, #tpu.memory_space<semaphore_mem>>)
      %slice3A_60 = vector.extract_strided_slice %get3A_14 {offsets = [4], sizes = [1], strides = [1]} : vector<16xi32> to vector<1xi32>
      %squeeze3A_61 = vector.extract %slice3A_60[0] : i32 from vector<1xi32>
      %dma_start3A_62 = arith.constant 4 : i32
      %dma_start3A_63 = arith.constant 0 : i32
      %dma_start3A_64 = tpu.memref_slice %arg6[%dma_start3A_62, %dma_start3A_63] : memref<64x64xf32, #tpu.memory_space<vmem>> -> memref<1x64xf32, #tpu.memory_space<vmem>>
      %dma_start3A_65 = arith.constant 0 : i32
      %dma_start3A_66 = tpu.memref_slice %arg3[%squeeze3A_61, %dma_start3A_65] : memref<1000000x64xf32, #tpu.memory_space<hbm>> -> memref<1x64xf32, #tpu.memory_space<hbm>>
      %dma_start3A_67 = arith.constant 4 : i32
      %dma_start3A_68 = arith.constant 0 : i32
      %dma_start3A_69 = tpu.memref_slice %arg6[%dma_start3A_67, %dma_start3A_68] : memref<64x64xf32, #tpu.memory_space<vmem>> -> memref<1x64xf32, #tpu.memory_space<vmem>>
      %dma_start3A_70 = arith.constant 0 : i32
      %dma_start3A_71 = tpu.memref_slice %arg3[%squeeze3A_61, %dma_start3A_70] : memref<1000000x64xf32, #tpu.memory_space<hbm>> -> memref<1x64xf32, #tpu.memory_space<hbm>>
      tpu.enqueue_dma source(%dma_start3A_71 : memref<1x64xf32, #tpu.memory_space<hbm>>) target(%dma_start3A_69 : memref<1x64xf32, #tpu.memory_space<vmem>>) target_semaphore(%arg7 : memref<!tpu.dma_semaphore, #tpu.memory_space<semaphore_mem>>)
      %slice3A_72 = vector.extract_strided_slice %get3A_14 {offsets = [5], sizes = [1], strides = [1]} : vector<16xi32> to vector<1xi32>
      %squeeze3A_73 = vector.extract %slice3A_72[0] : i32 from vector<1xi32>
      %dma_start3A_74 = arith.constant 5 : i32
      %dma_start3A_75 = arith.constant 0 : i32
      %dma_start3A_76 = tpu.memref_slice %arg6[%dma_start3A_74, %dma_start3A_75] : memref<64x64xf32, #tpu.memory_space<vmem>> -> memref<1x64xf32, #tpu.memory_space<vmem>>
      %dma_start3A_77 = arith.constant 0 : i32
      %dma_start3A_78 = tpu.memref_slice %arg3[%squeeze3A_73, %dma_start3A_77] : memref<1000000x64xf32, #tpu.memory_space<hbm>> -> memref<1x64xf32, #tpu.memory_space<hbm>>
      %dma_start3A_79 = arith.constant 5 : i32
      %dma_start3A_80 = arith.constant 0 : i32
      %dma_start3A_81 = tpu.memref_slice %arg6[%dma_start3A_79, %dma_start3A_80] : memref<64x64xf32, #tpu.memory_space<vmem>> -> memref<1x64xf32, #tpu.memory_space<vmem>>
      %dma_start3A_82 = arith.constant 0 : i32
      %dma_start3A_83 = tpu.memref_slice %arg3[%squeeze3A_73, %dma_start3A_82] : memref<1000000x64xf32, #tpu.memory_space<hbm>> -> memref<1x64xf32, #tpu.memory_space<hbm>>
      tpu.enqueue_dma source(%dma_start3A_83 : memref<1x64xf32, #tpu.memory_space<hbm>>) target(%dma_start3A_81 : memref<1x64xf32, #tpu.memory_space<vmem>>) target_semaphore(%arg7 : memref<!tpu.dma_semaphore, #tpu.memory_space<semaphore_mem>>)
      %slice3A_84 = vector.extract_strided_slice %get3A_14 {offsets = [6], sizes = [1], strides = [1]} : vector<16xi32> to vector<1xi32>
      %squeeze3A_85 = vector.extract %slice3A_84[0] : i32 from vector<1xi32>
      %dma_start3A_86 = arith.constant 6 : i32
      %dma_start3A_87 = arith.constant 0 : i32
      %dma_start3A_88 = tpu.memref_slice %arg6[%dma_start3A_86, %dma_start3A_87] : memref<64x64xf32, #tpu.memory_space<vmem>> -> memref<1x64xf32, #tpu.memory_space<vmem>>
      %dma_start3A_89 = arith.constant 0 : i32
      %dma_start3A_90 = tpu.memref_slice %arg3[%squeeze3A_85, %dma_start3A_89] : memref<1000000x64xf32, #tpu.memory_space<hbm>> -> memref<1x64xf32, #tpu.memory_space<hbm>>
      %dma_start3A_91 = arith.constant 6 : i32
      %dma_start3A_92 = arith.constant 0 : i32
      %dma_start3A_93 = tpu.memref_slice %arg6[%dma_start3A_91, %dma_start3A_92] : memref<64x64xf32, #tpu.memory_space<vmem>> -> memref<1x64xf32, #tpu.memory_space<vmem>>
      %dma_start3A_94 = arith.constant 0 : i32
      %dma_start3A_95 = tpu.memref_slice %arg3[%squeeze3A_85, %dma_start3A_94] : memref<1000000x64xf32, #tpu.memory_space<hbm>> -> memref<1x64xf32, #tpu.memory_space<hbm>>
      tpu.enqueue_dma source(%dma_start3A_95 : memref<1x64xf32, #tpu.memory_space<hbm>>) target(%dma_start3A_93 : memref<1x64xf32, #tpu.memory_space<vmem>>) target_semaphore(%arg7 : memref<!tpu.dma_semaphore, #tpu.memory_space<semaphore_mem>>)
      %slice3A_96 = vector.extract_strided_slice %get3A_14 {offsets = [7], sizes = [1], strides = [1]} : vector<16xi32> to vector<1xi32>
      %squeeze3A_97 = vector.extract %slice3A_96[0] : i32 from vector<1xi32>
      %dma_start3A_98 = arith.constant 7 : i32
      %dma_start3A_99 = arith.constant 0 : i32
      %dma_start3A_100 = tpu.memref_slice %arg6[%dma_start3A_98, %dma_start3A_99] : memref<64x64xf32, #tpu.memory_space<vmem>> -> memref<1x64xf32, #tpu.memory_space<vmem>>
      %dma_start3A_101 = arith.constant 0 : i32
      %dma_start3A_102 = tpu.memref_slice %arg3[%squeeze3A_97, %dma_start3A_101] : memref<1000000x64xf32, #tpu.memory_space<hbm>> -> memref<1x64xf32, #tpu.memory_space<hbm>>
      %dma_start3A_103 = arith.constant 7 : i32
      %dma_start3A_104 = arith.constant 0 : i32
      %dma_start3A_105 = tpu.memref_slice %arg6[%dma_start3A_103, %dma_start3A_104] : memref<64x64xf32, #tpu.memory_space<vmem>> -> memref<1x64xf32, #tpu.memory_space<vmem>>
      %dma_start3A_106 = arith.constant 0 : i32
      %dma_start3A_107 = tpu.memref_slice %arg3[%squeeze3A_97, %dma_start3A_106] : memref<1000000x64xf32, #tpu.memory_space<hbm>> -> memref<1x64xf32, #tpu.memory_space<hbm>>
      tpu.enqueue_dma source(%dma_start3A_107 : memref<1x64xf32, #tpu.memory_space<hbm>>) target(%dma_start3A_105 : memref<1x64xf32, #tpu.memory_space<vmem>>) target_semaphore(%arg7 : memref<!tpu.dma_semaphore, #tpu.memory_space<semaphore_mem>>)
      %slice3A_108 = vector.extract_strided_slice %get3A_14 {offsets = [8], sizes = [1], strides = [1]} : vector<16xi32> to vector<1xi32>
      %squeeze3A_109 = vector.extract %slice3A_108[0] : i32 from vector<1xi32>
      %dma_start3A_110 = arith.constant 8 : i32
      %dma_start3A_111 = arith.constant 0 : i32
      %dma_start3A_112 = tpu.memref_slice %arg6[%dma_start3A_110, %dma_start3A_111] : memref<64x64xf32, #tpu.memory_space<vmem>> -> memref<1x64xf32, #tpu.memory_space<vmem>>
      %dma_start3A_113 = arith.constant 0 : i32
      %dma_start3A_114 = tpu.memref_slice %arg3[%squeeze3A_109, %dma_start3A_113] : memref<1000000x64xf32, #tpu.memory_space<hbm>> -> memref<1x64xf32, #tpu.memory_space<hbm>>
      %dma_start3A_115 = arith.constant 8 : i32
      %dma_start3A_116 = arith.constant 0 : i32
      %dma_start3A_117 = tpu.memref_slice %arg6[%dma_start3A_115, %dma_start3A_116] : memref<64x64xf32, #tpu.memory_space<vmem>> -> memref<1x64xf32, #tpu.memory_space<vmem>>
      %dma_start3A_118 = arith.constant 0 : i32
      %dma_start3A_119 = tpu.memref_slice %arg3[%squeeze3A_109, %dma_start3A_118] : memref<1000000x64xf32, #tpu.memory_space<hbm>> -> memref<1x64xf32, #tpu.memory_space<hbm>>
      tpu.enqueue_dma source(%dma_start3A_119 : memref<1x64xf32, #tpu.memory_space<hbm>>) target(%dma_start3A_117 : memref<1x64xf32, #tpu.memory_space<vmem>>) target_semaphore(%arg7 : memref<!tpu.dma_semaphore, #tpu.memory_space<semaphore_mem>>)
      %slice3A_120 = vector.extract_strided_slice %get3A_14 {offsets = [9], sizes = [1], strides = [1]} : vector<16xi32> to vector<1xi32>
      %squeeze3A_121 = vector.extract %slice3A_120[0] : i32 from vector<1xi32>
      %dma_start3A_122 = arith.constant 9 : i32
      %dma_start3A_123 = arith.constant 0 : i32
      %dma_start3A_124 = tpu.memref_slice %arg6[%dma_start3A_122, %dma_start3A_123] : memref<64x64xf32, #tpu.memory_space<vmem>> -> memref<1x64xf32, #tpu.memory_space<vmem>>
      %dma_start3A_125 = arith.constant 0 : i32
      %dma_start3A_126 = tpu.memref_slice %arg3[%squeeze3A_121, %dma_start3A_125] : memref<1000000x64xf32, #tpu.memory_space<hbm>> -> memref<1x64xf32, #tpu.memory_space<hbm>>
      %dma_start3A_127 = arith.constant 9 : i32
      %dma_start3A_128 = arith.constant 0 : i32
      %dma_start3A_129 = tpu.memref_slice %arg6[%dma_start3A_127, %dma_start3A_128] : memref<64x64xf32, #tpu.memory_space<vmem>> -> memref<1x64xf32, #tpu.memory_space<vmem>>
      %dma_start3A_130 = arith.constant 0 : i32
      %dma_start3A_131 = tpu.memref_slice %arg3[%squeeze3A_121, %dma_start3A_130] : memref<1000000x64xf32, #tpu.memory_space<hbm>> -> memref<1x64xf32, #tpu.memory_space<hbm>>
      tpu.enqueue_dma source(%dma_start3A_131 : memref<1x64xf32, #tpu.memory_space<hbm>>) target(%dma_start3A_129 : memref<1x64xf32, #tpu.memory_space<vmem>>) target_semaphore(%arg7 : memref<!tpu.dma_semaphore, #tpu.memory_space<semaphore_mem>>)
      %slice3A_132 = vector.extract_strided_slice %get3A_14 {offsets = [10], sizes = [1], strides = [1]} : vector<16xi32> to vector<1xi32>
      %squeeze3A_133 = vector.extract %slice3A_132[0] : i32 from vector<1xi32>
      %dma_start3A_134 = arith.constant 10 : i32
      %dma_start3A_135 = arith.constant 0 : i32
      %dma_start3A_136 = tpu.memref_slice %arg6[%dma_start3A_134, %dma_start3A_135] : memref<64x64xf32, #tpu.memory_space<vmem>> -> memref<1x64xf32, #tpu.memory_space<vmem>>
      %dma_start3A_137 = arith.constant 0 : i32
      %dma_start3A_138 = tpu.memref_slice %arg3[%squeeze3A_133, %dma_start3A_137] : memref<1000000x64xf32, #tpu.memory_space<hbm>> -> memref<1x64xf32, #tpu.memory_space<hbm>>
      %dma_start3A_139 = arith.constant 10 : i32
      %dma_start3A_140 = arith.constant 0 : i32
      %dma_start3A_141 = tpu.memref_slice %arg6[%dma_start3A_139, %dma_start3A_140] : memref<64x64xf32, #tpu.memory_space<vmem>> -> memref<1x64xf32, #tpu.memory_space<vmem>>
      %dma_start3A_142 = arith.constant 0 : i32
      %dma_start3A_143 = tpu.memref_slice %arg3[%squeeze3A_133, %dma_start3A_142] : memref<1000000x64xf32, #tpu.memory_space<hbm>> -> memref<1x64xf32, #tpu.memory_space<hbm>>
      tpu.enqueue_dma source(%dma_start3A_143 : memref<1x64xf32, #tpu.memory_space<hbm>>) target(%dma_start3A_141 : memref<1x64xf32, #tpu.memory_space<vmem>>) target_semaphore(%arg7 : memref<!tpu.dma_semaphore, #tpu.memory_space<semaphore_mem>>)
      %slice3A_144 = vector.extract_strided_slice %get3A_14 {offsets = [11], sizes = [1], strides = [1]} : vector<16xi32> to vector<1xi32>
      %squeeze3A_145 = vector.extract %slice3A_144[0] : i32 from vector<1xi32>
      %dma_start3A_146 = arith.constant 11 : i32
      %dma_start3A_147 = arith.constant 0 : i32
      %dma_start3A_148 = tpu.memref_slice %arg6[%dma_start3A_146, %dma_start3A_147] : memref<64x64xf32, #tpu.memory_space<vmem>> -> memref<1x64xf32, #tpu.memory_space<vmem>>
      %dma_start3A_149 = arith.constant 0 : i32
      %dma_start3A_150 = tpu.memref_slice %arg3[%squeeze3A_145, %dma_start3A_149] : memref<1000000x64xf32, #tpu.memory_space<hbm>> -> memref<1x64xf32, #tpu.memory_space<hbm>>
      %dma_start3A_151 = arith.constant 11 : i32
      %dma_start3A_152 = arith.constant 0 : i32
      %dma_start3A_153 = tpu.memref_slice %arg6[%dma_start3A_151, %dma_start3A_152] : memref<64x64xf32, #tpu.memory_space<vmem>> -> memref<1x64xf32, #tpu.memory_space<vmem>>
      %dma_start3A_154 = arith.constant 0 : i32
      %dma_start3A_155 = tpu.memref_slice %arg3[%squeeze3A_145, %dma_start3A_154] : memref<1000000x64xf32, #tpu.memory_space<hbm>> -> memref<1x64xf32, #tpu.memory_space<hbm>>
      tpu.enqueue_dma source(%dma_start3A_155 : memref<1x64xf32, #tpu.memory_space<hbm>>) target(%dma_start3A_153 : memref<1x64xf32, #tpu.memory_space<vmem>>) target_semaphore(%arg7 : memref<!tpu.dma_semaphore, #tpu.memory_space<semaphore_mem>>)
      %slice3A_156 = vector.extract_strided_slice %get3A_14 {offsets = [12], sizes = [1], strides = [1]} : vector<16xi32> to vector<1xi32>
      %squeeze3A_157 = vector.extract %slice3A_156[0] : i32 from vector<1xi32>
      %dma_start3A_158 = arith.constant 12 : i32
      %dma_start3A_159 = arith.constant 0 : i32
      %dma_start3A_160 = tpu.memref_slice %arg6[%dma_start3A_158, %dma_start3A_159] : memref<64x64xf32, #tpu.memory_space<vmem>> -> memref<1x64xf32, #tpu.memory_space<vmem>>
      %dma_start3A_161 = arith.constant 0 : i32
      %dma_start3A_162 = tpu.memref_slice %arg3[%squeeze3A_157, %dma_start3A_161] : memref<1000000x64xf32, #tpu.memory_space<hbm>> -> memref<1x64xf32, #tpu.memory_space<hbm>>
      %dma_start3A_163 = arith.constant 12 : i32
      %dma_start3A_164 = arith.constant 0 : i32
      %dma_start3A_165 = tpu.memref_slice %arg6[%dma_start3A_163, %dma_start3A_164] : memref<64x64xf32, #tpu.memory_space<vmem>> -> memref<1x64xf32, #tpu.memory_space<vmem>>
      %dma_start3A_166 = arith.constant 0 : i32
      %dma_start3A_167 = tpu.memref_slice %arg3[%squeeze3A_157, %dma_start3A_166] : memref<1000000x64xf32, #tpu.memory_space<hbm>> -> memref<1x64xf32, #tpu.memory_space<hbm>>
      tpu.enqueue_dma source(%dma_start3A_167 : memref<1x64xf32, #tpu.memory_space<hbm>>) target(%dma_start3A_165 : memref<1x64xf32, #tpu.memory_space<vmem>>) target_semaphore(%arg7 : memref<!tpu.dma_semaphore, #tpu.memory_space<semaphore_mem>>)
      %slice3A_168 = vector.extract_strided_slice %get3A_14 {offsets = [13], sizes = [1], strides = [1]} : vector<16xi32> to vector<1xi32>
      %squeeze3A_169 = vector.extract %slice3A_168[0] : i32 from vector<1xi32>
      %dma_start3A_170 = arith.constant 13 : i32
      %dma_start3A_171 = arith.constant 0 : i32
      %dma_start3A_172 = tpu.memref_slice %arg6[%dma_start3A_170, %dma_start3A_171] : memref<64x64xf32, #tpu.memory_space<vmem>> -> memref<1x64xf32, #tpu.memory_space<vmem>>
      %dma_start3A_173 = arith.constant 0 : i32
      %dma_start3A_174 = tpu.memref_slice %arg3[%squeeze3A_169, %dma_start3A_173] : memref<1000000x64xf32, #tpu.memory_space<hbm>> -> memref<1x64xf32, #tpu.memory_space<hbm>>
      %dma_start3A_175 = arith.constant 13 : i32
      %dma_start3A_176 = arith.constant 0 : i32
      %dma_start3A_177 = tpu.memref_slice %arg6[%dma_start3A_175, %dma_start3A_176] : memref<64x64xf32, #tpu.memory_space<vmem>> -> memref<1x64xf32, #tpu.memory_space<vmem>>
      %dma_start3A_178 = arith.constant 0 : i32
      %dma_start3A_179 = tpu.memref_slice %arg3[%squeeze3A_169, %dma_start3A_178] : memref<1000000x64xf32, #tpu.memory_space<hbm>> -> memref<1x64xf32, #tpu.memory_space<hbm>>
      tpu.enqueue_dma source(%dma_start3A_179 : memref<1x64xf32, #tpu.memory_space<hbm>>) target(%dma_start3A_177 : memref<1x64xf32, #tpu.memory_space<vmem>>) target_semaphore(%arg7 : memref<!tpu.dma_semaphore, #tpu.memory_space<semaphore_mem>>)
      %slice3A_180 = vector.extract_strided_slice %get3A_14 {offsets = [14], sizes = [1], strides = [1]} : vector<16xi32> to vector<1xi32>
      %squeeze3A_181 = vector.extract %slice3A_180[0] : i32 from vector<1xi32>
      %dma_start3A_182 = arith.constant 14 : i32
      %dma_start3A_183 = arith.constant 0 : i32
      %dma_start3A_184 = tpu.memref_slice %arg6[%dma_start3A_182, %dma_start3A_183] : memref<64x64xf32, #tpu.memory_space<vmem>> -> memref<1x64xf32, #tpu.memory_space<vmem>>
      %dma_start3A_185 = arith.constant 0 : i32
      %dma_start3A_186 = tpu.memref_slice %arg3[%squeeze3A_181, %dma_start3A_185] : memref<1000000x64xf32, #tpu.memory_space<hbm>> -> memref<1x64xf32, #tpu.memory_space<hbm>>
      %dma_start3A_187 = arith.constant 14 : i32
      %dma_start3A_188 = arith.constant 0 : i32
      %dma_start3A_189 = tpu.memref_slice %arg6[%dma_start3A_187, %dma_start3A_188] : memref<64x64xf32, #tpu.memory_space<vmem>> -> memref<1x64xf32, #tpu.memory_space<vmem>>
      %dma_start3A_190 = arith.constant 0 : i32
      %dma_start3A_191 = tpu.memref_slice %arg3[%squeeze3A_181, %dma_start3A_190] : memref<1000000x64xf32, #tpu.memory_space<hbm>> -> memref<1x64xf32, #tpu.memory_space<hbm>>
      tpu.enqueue_dma source(%dma_start3A_191 : memref<1x64xf32, #tpu.memory_space<hbm>>) target(%dma_start3A_189 : memref<1x64xf32, #tpu.memory_space<vmem>>) target_semaphore(%arg7 : memref<!tpu.dma_semaphore, #tpu.memory_space<semaphore_mem>>)
      %slice3A_192 = vector.extract_strided_slice %get3A_14 {offsets = [15], sizes = [1], strides = [1]} : vector<16xi32> to vector<1xi32>
      %squeeze3A_193 = vector.extract %slice3A_192[0] : i32 from vector<1xi32>
      %dma_start3A_194 = arith.constant 15 : i32
      %dma_start3A_195 = arith.constant 0 : i32
      %dma_start3A_196 = tpu.memref_slice %arg6[%dma_start3A_194, %dma_start3A_195] : memref<64x64xf32, #tpu.memory_space<vmem>> -> memref<1x64xf32, #tpu.memory_space<vmem>>
      %dma_start3A_197 = arith.constant 0 : i32
      %dma_start3A_198 = tpu.memref_slice %arg3[%squeeze3A_193, %dma_start3A_197] : memref<1000000x64xf32, #tpu.memory_space<hbm>> -> memref<1x64xf32, #tpu.memory_space<hbm>>
      %dma_start3A_199 = arith.constant 15 : i32
      %dma_start3A_200 = arith.constant 0 : i32
      %dma_start3A_201 = tpu.memref_slice %arg6[%dma_start3A_199, %dma_start3A_200] : memref<64x64xf32, #tpu.memory_space<vmem>> -> memref<1x64xf32, #tpu.memory_space<vmem>>
      %dma_start3A_202 = arith.constant 0 : i32
      %dma_start3A_203 = tpu.memref_slice %arg3[%squeeze3A_193, %dma_start3A_202] : memref<1000000x64xf32, #tpu.memory_space<hbm>> -> memref<1x64xf32, #tpu.memory_space<hbm>>
      tpu.enqueue_dma source(%dma_start3A_203 : memref<1x64xf32, #tpu.memory_space<hbm>>) target(%dma_start3A_201 : memref<1x64xf32, #tpu.memory_space<vmem>>) target_semaphore(%arg7 : memref<!tpu.dma_semaphore, #tpu.memory_space<semaphore_mem>>)
      %mul3A_204 = arith.constant 64 : i32
      %mul3A_205 = arith.muli %scan3A_8, %mul3A_204 : i32
      %add3A_206 = arith.constant 16 : i32
      %add3A_207 = arith.addi %mul3A_205, %add3A_206 : i32
      %get3A_208 = arith.index_cast %add3A_207 : i32 to index
      %get3A_209 = tpu.vector_load %arg5[%get3A_208] {strides = array<i32>} : memref<512xi32, #tpu.memory_space<vmem>>, vector<16xi32>,
      %get3A_210 = vector.shape_cast %get3A_209 : vector<16xi32> to vector<16xi32>
      %slice3A_211 = vector.extract_strided_slice %get3A_210 {offsets = [0], sizes = [1], strides = [1]} : vector<16xi32> to vector<1xi32>
      %squeeze3A_212 = vector.extract %slice3A_211[0] : i32 from vector<1xi32>
      %dma_start3A_213 = arith.constant 16 : i32
      %dma_start3A_214 = arith.constant 0 : i32
      %dma_start3A_215 = tpu.memref_slice %arg6[%dma_start3A_213, %dma_start3A_214] : memref<64x64xf32, #tpu.memory_space<vmem>> -> memref<1x64xf32, #tpu.memory_space<vmem>>
      %dma_start3A_216 = arith.constant 0 : i32
      %dma_start3A_217 = tpu.memref_slice %arg3[%squeeze3A_212, %dma_start3A_216] : memref<1000000x64xf32, #tpu.memory_space<hbm>> -> memref<1x64xf32, #tpu.memory_space<hbm>>
      %dma_start3A_218 = arith.constant 16 : i32
      %dma_start3A_219 = arith.constant 0 : i32
      %dma_start3A_220 = tpu.memref_slice %arg6[%dma_start3A_218, %dma_start3A_219] : memref<64x64xf32, #tpu.memory_space<vmem>> -> memref<1x64xf32, #tpu.memory_space<vmem>>
      %dma_start3A_221 = arith.constant 0 : i32
      %dma_start3A_222 = tpu.memref_slice %arg3[%squeeze3A_212, %dma_start3A_221] : memref<1000000x64xf32, #tpu.memory_space<hbm>> -> memref<1x64xf32, #tpu.memory_space<hbm>>
      tpu.enqueue_dma source(%dma_start3A_222 : memref<1x64xf32, #tpu.memory_space<hbm>>) target(%dma_start3A_220 : memref<1x64xf32, #tpu.memory_space<vmem>>) target_semaphore(%arg7 : memref<!tpu.dma_semaphore, #tpu.memory_space<semaphore_mem>>)
      %slice3A_223 = vector.extract_strided_slice %get3A_210 {offsets = [1], sizes = [1], strides = [1]} : vector<16xi32> to vector<1xi32>
      %squeeze3A_224 = vector.extract %slice3A_223[0] : i32 from vector<1xi32>
      %dma_start3A_225 = arith.constant 17 : i32
      %dma_start3A_226 = arith.constant 0 : i32
      %dma_start3A_227 = tpu.memref_slice %arg6[%dma_start3A_225, %dma_start3A_226] : memref<64x64xf32, #tpu.memory_space<vmem>> -> memref<1x64xf32, #tpu.memory_space<vmem>>
      %dma_start3A_228 = arith.constant 0 : i32
      %dma_start3A_229 = tpu.memref_slice %arg3[%squeeze3A_224, %dma_start3A_228] : memref<1000000x64xf32, #tpu.memory_space<hbm>> -> memref<1x64xf32, #tpu.memory_space<hbm>>
      %dma_start3A_230 = arith.constant 17 : i32
      %dma_start3A_231 = arith.constant 0 : i32
      %dma_start3A_232 = tpu.memref_slice %arg6[%dma_start3A_230, %dma_start3A_231] : memref<64x64xf32, #tpu.memory_space<vmem>> -> memref<1x64xf32, #tpu.memory_space<vmem>>
      %dma_start3A_233 = arith.constant 0 : i32
      %dma_start3A_234 = tpu.memref_slice %arg3[%squeeze3A_224, %dma_start3A_233] : memref<1000000x64xf32, #tpu.memory_space<hbm>> -> memref<1x64xf32, #tpu.memory_space<hbm>>
      tpu.enqueue_dma source(%dma_start3A_234 : memref<1x64xf32, #tpu.memory_space<hbm>>) target(%dma_start3A_232 : memref<1x64xf32, #tpu.memory_space<vmem>>) target_semaphore(%arg7 : memref<!tpu.dma_semaphore, #tpu.memory_space<semaphore_mem>>)
      %slice3A_235 = vector.extract_strided_slice %get3A_210 {offsets = [2], sizes = [1], strides = [1]} : vector<16xi32> to vector<1xi32>
      %squeeze3A_236 = vector.extract %slice3A_235[0] : i32 from vector<1xi32>
      %dma_start3A_237 = arith.constant 18 : i32
      %dma_start3A_238 = arith.constant 0 : i32
      %dma_start3A_239 = tpu.memref_slice %arg6[%dma_start3A_237, %dma_start3A_238] : memref<64x64xf32, #tpu.memory_space<vmem>> -> memref<1x64xf32, #tpu.memory_space<vmem>>
      %dma_start3A_240 = arith.constant 0 : i32
      %dma_start3A_241 = tpu.memref_slice %arg3[%squeeze3A_236, %dma_start3A_240] : memref<1000000x64xf32, #tpu.memory_space<hbm>> -> memref<1x64xf32, #tpu.memory_space<hbm>>
      %dma_start3A_242 = arith.constant 18 : i32
      %dma_start3A_243 = arith.constant 0 : i32
      %dma_start3A_244 = tpu.memref_slice %arg6[%dma_start3A_242, %dma_start3A_243] : memref<64x64xf32, #tpu.memory_space<vmem>> -> memref<1x64xf32, #tpu.memory_space<vmem>>
      %dma_start3A_245 = arith.constant 0 : i32
      %dma_start3A_246 = tpu.memref_slice %arg3[%squeeze3A_236, %dma_start3A_245] : memref<1000000x64xf32, #tpu.memory_space<hbm>> -> memref<1x64xf32, #tpu.memory_space<hbm>>
      tpu.enqueue_dma source(%dma_start3A_246 : memref<1x64xf32, #tpu.memory_space<hbm>>) target(%dma_start3A_244 : memref<1x64xf32, #tpu.memory_space<vmem>>) target_semaphore(%arg7 : memref<!tpu.dma_semaphore, #tpu.memory_space<semaphore_mem>>)
      %slice3A_247 = vector.extract_strided_slice %get3A_210 {offsets = [3], sizes = [1], strides = [1]} : vector<16xi32> to vector<1xi32>
      %squeeze3A_248 = vector.extract %slice3A_247[0] : i32 from vector<1xi32>
      %dma_start3A_249 = arith.constant 19 : i32
      %dma_start3A_250 = arith.constant 0 : i32
      %dma_start3A_251 = tpu.memref_slice %arg6[%dma_start3A_249, %dma_start3A_250] : memref<64x64xf32, #tpu.memory_space<vmem>> -> memref<1x64xf32, #tpu.memory_space<vmem>>
      %dma_start3A_252 = arith.constant 0 : i32
      %dma_start3A_253 = tpu.memref_slice %arg3[%squeeze3A_248, %dma_start3A_252] : memref<1000000x64xf32, #tpu.memory_space<hbm>> -> memref<1x64xf32, #tpu.memory_space<hbm>>
      %dma_start3A_254 = arith.constant 19 : i32
      %dma_start3A_255 = arith.constant 0 : i32
      %dma_start3A_256 = tpu.memref_slice %arg6[%dma_start3A_254, %dma_start3A_255] : memref<64x64xf32, #tpu.memory_space<vmem>> -> memref<1x64xf32, #tpu.memory_space<vmem>>
      %dma_start3A_257 = arith.constant 0 : i32
      %dma_start3A_258 = tpu.memref_slice %arg3[%squeeze3A_248, %dma_start3A_257] : memref<1000000x64xf32, #tpu.memory_space<hbm>> -> memref<1x64xf32, #tpu.memory_space<hbm>>
      tpu.enqueue_dma source(%dma_start3A_258 : memref<1x64xf32, #tpu.memory_space<hbm>>) target(%dma_start3A_256 : memref<1x64xf32, #tpu.memory_space<vmem>>) target_semaphore(%arg7 : memref<!tpu.dma_semaphore, #tpu.memory_space<semaphore_mem>>)
      %slice3A_259 = vector.extract_strided_slice %get3A_210 {offsets = [4], sizes = [1], strides = [1]} : vector<16xi32> to vector<1xi32>
      %squeeze3A_260 = vector.extract %slice3A_259[0] : i32 from vector<1xi32>
      %dma_start3A_261 = arith.constant 20 : i32
      %dma_start3A_262 = arith.constant 0 : i32
      %dma_start3A_263 = tpu.memref_slice %arg6[%dma_start3A_261, %dma_start3A_262] : memref<64x64xf32, #tpu.memory_space<vmem>> -> memref<1x64xf32, #tpu.memory_space<vmem>>
      %dma_start3A_264 = arith.constant 0 : i32
      %dma_start3A_265 = tpu.memref_slice %arg3[%squeeze3A_260, %dma_start3A_264] : memref<1000000x64xf32, #tpu.memory_space<hbm>> -> memref<1x64xf32, #tpu.memory_space<hbm>>
      %dma_start3A_266 = arith.constant 20 : i32
      %dma_start3A_267 = arith.constant 0 : i32
      %dma_start3A_268 = tpu.memref_slice %arg6[%dma_start3A_266, %dma_start3A_267] : memref<64x64xf32, #tpu.memory_space<vmem>> -> memref<1x64xf32, #tpu.memory_space<vmem>>
      %dma_start3A_269 = arith.constant 0 : i32
      %dma_start3A_270 = tpu.memref_slice %arg3[%squeeze3A_260, %dma_start3A_269] : memref<1000000x64xf32, #tpu.memory_space<hbm>> -> memref<1x64xf32, #tpu.memory_space<hbm>>
      tpu.enqueue_dma source(%dma_start3A_270 : memref<1x64xf32, #tpu.memory_space<hbm>>) target(%dma_start3A_268 : memref<1x64xf32, #tpu.memory_space<vmem>>) target_semaphore(%arg7 : memref<!tpu.dma_semaphore, #tpu.memory_space<semaphore_mem>>)
      %slice3A_271 = vector.extract_strided_slice %get3A_210 {offsets = [5], sizes = [1], strides = [1]} : vector<16xi32> to vector<1xi32>
      %squeeze3A_272 = vector.extract %slice3A_271[0] : i32 from vector<1xi32>
      %dma_start3A_273 = arith.constant 21 : i32
      %dma_start3A_274 = arith.constant 0 : i32
      %dma_start3A_275 = tpu.memref_slice %arg6[%dma_start3A_273, %dma_start3A_274] : memref<64x64xf32, #tpu.memory_space<vmem>> -> memref<1x64xf32, #tpu.memory_space<vmem>>
      %dma_start3A_276 = arith.constant 0 : i32
      %dma_start3A_277 = tpu.memref_slice %arg3[%squeeze3A_272, %dma_start3A_276] : memref<1000000x64xf32, #tpu.memory_space<hbm>> -> memref<1x64xf32, #tpu.memory_space<hbm>>
      %dma_start3A_278 = arith.constant 21 : i32
      %dma_start3A_279 = arith.constant 0 : i32
      %dma_start3A_280 = tpu.memref_slice %arg6[%dma_start3A_278, %dma_start3A_279] : memref<64x64xf32, #tpu.memory_space<vmem>> -> memref<1x64xf32, #tpu.memory_space<vmem>>
      %dma_start3A_281 = arith.constant 0 : i32
      %dma_start3A_282 = tpu.memref_slice %arg3[%squeeze3A_272, %dma_start3A_281] : memref<1000000x64xf32, #tpu.memory_space<hbm>> -> memref<1x64xf32, #tpu.memory_space<hbm>>
      tpu.enqueue_dma source(%dma_start3A_282 : memref<1x64xf32, #tpu.memory_space<hbm>>) target(%dma_start3A_280 : memref<1x64xf32, #tpu.memory_space<vmem>>) target_semaphore(%arg7 : memref<!tpu.dma_semaphore, #tpu.memory_space<semaphore_mem>>)
      %slice3A_283 = vector.extract_strided_slice %get3A_210 {offsets = [6], sizes = [1], strides = [1]} : vector<16xi32> to vector<1xi32>
      %squeeze3A_284 = vector.extract %slice3A_283[0] : i32 from vector<1xi32>
      %dma_start3A_285 = arith.constant 22 : i32
      %dma_start3A_286 = arith.constant 0 : i32
      %dma_start3A_287 = tpu.memref_slice %arg6[%dma_start3A_285, %dma_start3A_286] : memref<64x64xf32, #tpu.memory_space<vmem>> -> memref<1x64xf32, #tpu.memory_space<vmem>>
      %dma_start3A_288 = arith.constant 0 : i32
      %dma_start3A_289 = tpu.memref_slice %arg3[%squeeze3A_284, %dma_start3A_288] : memref<1000000x64xf32, #tpu.memory_space<hbm>> -> memref<1x64xf32, #tpu.memory_space<hbm>>
      %dma_start3A_290 = arith.constant 22 : i32
      %dma_start3A_291 = arith.constant 0 : i32
      %dma_start3A_292 = tpu.memref_slice %arg6[%dma_start3A_290, %dma_start3A_291] : memref<64x64xf32, #tpu.memory_space<vmem>> -> memref<1x64xf32, #tpu.memory_space<vmem>>
      %dma_start3A_293 = arith.constant 0 : i32
      %dma_start3A_294 = tpu.memref_slice %arg3[%squeeze3A_284, %dma_start3A_293] : memref<1000000x64xf32, #tpu.memory_space<hbm>> -> memref<1x64xf32, #tpu.memory_space<hbm>>
      tpu.enqueue_dma source(%dma_start3A_294 : memref<1x64xf32, #tpu.memory_space<hbm>>) target(%dma_start3A_292 : memref<1x64xf32, #tpu.memory_space<vmem>>) target_semaphore(%arg7 : memref<!tpu.dma_semaphore, #tpu.memory_space<semaphore_mem>>)
      %slice3A_295 = vector.extract_strided_slice %get3A_210 {offsets = [7], sizes = [1], strides = [1]} : vector<16xi32> to vector<1xi32>
      %squeeze3A_296 = vector.extract %slice3A_295[0] : i32 from vector<1xi32>
      %dma_start3A_297 = arith.constant 23 : i32
      %dma_start3A_298 = arith.constant 0 : i32
      %dma_start3A_299 = tpu.memref_slice %arg6[%dma_start3A_297, %dma_start3A_298] : memref<64x64xf32, #tpu.memory_space<vmem>> -> memref<1x64xf32, #tpu.memory_space<vmem>>
      %dma_start3A_300 = arith.constant 0 : i32
      %dma_start3A_301 = tpu.memref_slice %arg3[%squeeze3A_296, %dma_start3A_300] : memref<1000000x64xf32, #tpu.memory_space<hbm>> -> memref<1x64xf32, #tpu.memory_space<hbm>>
      %dma_start3A_302 = arith.constant 23 : i32
      %dma_start3A_303 = arith.constant 0 : i32
      %dma_start3A_304 = tpu.memref_slice %arg6[%dma_start3A_302, %dma_start3A_303] : memref<64x64xf32, #tpu.memory_space<vmem>> -> memref<1x64xf32, #tpu.memory_space<vmem>>
      %dma_start3A_305 = arith.constant 0 : i32
      %dma_start3A_306 = tpu.memref_slice %arg3[%squeeze3A_296, %dma_start3A_305] : memref<1000000x64xf32, #tpu.memory_space<hbm>> -> memref<1x64xf32, #tpu.memory_space<hbm>>
      tpu.enqueue_dma source(%dma_start3A_306 : memref<1x64xf32, #tpu.memory_space<hbm>>) target(%dma_start3A_304 : memref<1x64xf32, #tpu.memory_space<vmem>>) target_semaphore(%arg7 : memref<!tpu.dma_semaphore, #tpu.memory_space<semaphore_mem>>)
      %slice3A_307 = vector.extract_strided_slice %get3A_210 {offsets = [8], sizes = [1], strides = [1]} : vector<16xi32> to vector<1xi32>
      %squeeze3A_308 = vector.extract %slice3A_307[0] : i32 from vector<1xi32>
      %dma_start3A_309 = arith.constant 24 : i32
      %dma_start3A_310 = arith.constant 0 : i32
      %dma_start3A_311 = tpu.memref_slice %arg6[%dma_start3A_309, %dma_start3A_310] : memref<64x64xf32, #tpu.memory_space<vmem>> -> memref<1x64xf32, #tpu.memory_space<vmem>>
      %dma_start3A_312 = arith.constant 0 : i32
      %dma_start3A_313 = tpu.memref_slice %arg3[%squeeze3A_308, %dma_start3A_312] : memref<1000000x64xf32, #tpu.memory_space<hbm>> -> memref<1x64xf32, #tpu.memory_space<hbm>>
      %dma_start3A_314 = arith.constant 24 : i32
      %dma_start3A_315 = arith.constant 0 : i32
      %dma_start3A_316 = tpu.memref_slice %arg6[%dma_start3A_314, %dma_start3A_315] : memref<64x64xf32, #tpu.memory_space<vmem>> -> memref<1x64xf32, #tpu.memory_space<vmem>>
      %dma_start3A_317 = arith.constant 0 : i32
      %dma_start3A_318 = tpu.memref_slice %arg3[%squeeze3A_308, %dma_start3A_317] : memref<1000000x64xf32, #tpu.memory_space<hbm>> -> memref<1x64xf32, #tpu.memory_space<hbm>>
      tpu.enqueue_dma source(%dma_start3A_318 : memref<1x64xf32, #tpu.memory_space<hbm>>) target(%dma_start3A_316 : memref<1x64xf32, #tpu.memory_space<vmem>>) target_semaphore(%arg7 : memref<!tpu.dma_semaphore, #tpu.memory_space<semaphore_mem>>)
      %slice3A_319 = vector.extract_strided_slice %get3A_210 {offsets = [9], sizes = [1], strides = [1]} : vector<16xi32> to vector<1xi32>
      %squeeze3A_320 = vector.extract %slice3A_319[0] : i32 from vector<1xi32>
      %dma_start3A_321 = arith.constant 25 : i32
      %dma_start3A_322 = arith.constant 0 : i32
      %dma_start3A_323 = tpu.memref_slice %arg6[%dma_start3A_321, %dma_start3A_322] : memref<64x64xf32, #tpu.memory_space<vmem>> -> memref<1x64xf32, #tpu.memory_space<vmem>>
      %dma_start3A_324 = arith.constant 0 : i32
      %dma_start3A_325 = tpu.memref_slice %arg3[%squeeze3A_320, %dma_start3A_324] : memref<1000000x64xf32, #tpu.memory_space<hbm>> -> memref<1x64xf32, #tpu.memory_space<hbm>>
      %dma_start3A_326 = arith.constant 25 : i32
      %dma_start3A_327 = arith.constant 0 : i32
      %dma_start3A_328 = tpu.memref_slice %arg6[%dma_start3A_326, %dma_start3A_327] : memref<64x64xf32, #tpu.memory_space<vmem>> -> memref<1x64xf32, #tpu.memory_space<vmem>>
      %dma_start3A_329 = arith.constant 0 : i32
      %dma_start3A_330 = tpu.memref_slice %arg3[%squeeze3A_320, %dma_start3A_329] : memref<1000000x64xf32, #tpu.memory_space<hbm>> -> memref<1x64xf32, #tpu.memory_space<hbm>>
      tpu.enqueue_dma source(%dma_start3A_330 : memref<1x64xf32, #tpu.memory_space<hbm>>) target(%dma_start3A_328 : memref<1x64xf32, #tpu.memory_space<vmem>>) target_semaphore(%arg7 : memref<!tpu.dma_semaphore, #tpu.memory_space<semaphore_mem>>)
      %slice3A_331 = vector.extract_strided_slice %get3A_210 {offsets = [10], sizes = [1], strides = [1]} : vector<16xi32> to vector<1xi32>
      %squeeze3A_332 = vector.extract %slice3A_331[0] : i32 from vector<1xi32>
      %dma_start3A_333 = arith.constant 26 : i32
      %dma_start3A_334 = arith.constant 0 : i32
      %dma_start3A_335 = tpu.memref_slice %arg6[%dma_start3A_333, %dma_start3A_334] : memref<64x64xf32, #tpu.memory_space<vmem>> -> memref<1x64xf32, #tpu.memory_space<vmem>>
      %dma_start3A_336 = arith.constant 0 : i32
      %dma_start3A_337 = tpu.memref_slice %arg3[%squeeze3A_332, %dma_start3A_336] : memref<1000000x64xf32, #tpu.memory_space<hbm>> -> memref<1x64xf32, #tpu.memory_space<hbm>>
      %dma_start3A_338 = arith.constant 26 : i32
      %dma_start3A_339 = arith.constant 0 : i32
      %dma_start3A_340 = tpu.memref_slice %arg6[%dma_start3A_338, %dma_start3A_339] : memref<64x64xf32, #tpu.memory_space<vmem>> -> memref<1x64xf32, #tpu.memory_space<vmem>>
      %dma_start3A_341 = arith.constant 0 : i32
      %dma_start3A_342 = tpu.memref_slice %arg3[%squeeze3A_332, %dma_start3A_341] : memref<1000000x64xf32, #tpu.memory_space<hbm>> -> memref<1x64xf32, #tpu.memory_space<hbm>>
      tpu.enqueue_dma source(%dma_start3A_342 : memref<1x64xf32, #tpu.memory_space<hbm>>) target(%dma_start3A_340 : memref<1x64xf32, #tpu.memory_space<vmem>>) target_semaphore(%arg7 : memref<!tpu.dma_semaphore, #tpu.memory_space<semaphore_mem>>)
      %slice3A_343 = vector.extract_strided_slice %get3A_210 {offsets = [11], sizes = [1], strides = [1]} : vector<16xi32> to vector<1xi32>
      %squeeze3A_344 = vector.extract %slice3A_343[0] : i32 from vector<1xi32>
      %dma_start3A_345 = arith.constant 27 : i32
      %dma_start3A_346 = arith.constant 0 : i32
      %dma_start3A_347 = tpu.memref_slice %arg6[%dma_start3A_345, %dma_start3A_346] : memref<64x64xf32, #tpu.memory_space<vmem>> -> memref<1x64xf32, #tpu.memory_space<vmem>>
      %dma_start3A_348 = arith.constant 0 : i32
      %dma_start3A_349 = tpu.memref_slice %arg3[%squeeze3A_344, %dma_start3A_348] : memref<1000000x64xf32, #tpu.memory_space<hbm>> -> memref<1x64xf32, #tpu.memory_space<hbm>>
      %dma_start3A_350 = arith.constant 27 : i32
      %dma_start3A_351 = arith.constant 0 : i32
      %dma_start3A_352 = tpu.memref_slice %arg6[%dma_start3A_350, %dma_start3A_351] : memref<64x64xf32, #tpu.memory_space<vmem>> -> memref<1x64xf32, #tpu.memory_space<vmem>>
      %dma_start3A_353 = arith.constant 0 : i32
      %dma_start3A_354 = tpu.memref_slice %arg3[%squeeze3A_344, %dma_start3A_353] : memref<1000000x64xf32, #tpu.memory_space<hbm>> -> memref<1x64xf32, #tpu.memory_space<hbm>>
      tpu.enqueue_dma source(%dma_start3A_354 : memref<1x64xf32, #tpu.memory_space<hbm>>) target(%dma_start3A_352 : memref<1x64xf32, #tpu.memory_space<vmem>>) target_semaphore(%arg7 : memref<!tpu.dma_semaphore, #tpu.memory_space<semaphore_mem>>)
      %slice3A_355 = vector.extract_strided_slice %get3A_210 {offsets = [12], sizes = [1], strides = [1]} : vector<16xi32> to vector<1xi32>
      %squeeze3A_356 = vector.extract %slice3A_355[0] : i32 from vector<1xi32>
      %dma_start3A_357 = arith.constant 28 : i32
      %dma_start3A_358 = arith.constant 0 : i32
      %dma_start3A_359 = tpu.memref_slice %arg6[%dma_start3A_357, %dma_start3A_358] : memref<64x64xf32, #tpu.memory_space<vmem>> -> memref<1x64xf32, #tpu.memory_space<vmem>>
      %dma_start3A_360 = arith.constant 0 : i32
      %dma_start3A_361 = tpu.memref_slice %arg3[%squeeze3A_356, %dma_start3A_360] : memref<1000000x64xf32, #tpu.memory_space<hbm>> -> memref<1x64xf32, #tpu.memory_space<hbm>>
      %dma_start3A_362 = arith.constant 28 : i32
      %dma_start3A_363 = arith.constant 0 : i32
      %dma_start3A_364 = tpu.memref_slice %arg6[%dma_start3A_362, %dma_start3A_363] : memref<64x64xf32, #tpu.memory_space<vmem>> -> memref<1x64xf32, #tpu.memory_space<vmem>>
      %dma_start3A_365 = arith.constant 0 : i32
      %dma_start3A_366 = tpu.memref_slice %arg3[%squeeze3A_356, %dma_start3A_365] : memref<1000000x64xf32, #tpu.memory_space<hbm>> -> memref<1x64xf32, #tpu.memory_space<hbm>>
      tpu.enqueue_dma source(%dma_start3A_366 : memref<1x64xf32, #tpu.memory_space<hbm>>) target(%dma_start3A_364 : memref<1x64xf32, #tpu.memory_space<vmem>>) target_semaphore(%arg7 : memref<!tpu.dma_semaphore, #tpu.memory_space<semaphore_mem>>)
      %slice3A_367 = vector.extract_strided_slice %get3A_210 {offsets = [13], sizes = [1], strides = [1]} : vector<16xi32> to vector<1xi32>
      %squeeze3A_368 = vector.extract %slice3A_367[0] : i32 from vector<1xi32>
      %dma_start3A_369 = arith.constant 29 : i32
      %dma_start3A_370 = arith.constant 0 : i32
      %dma_start3A_371 = tpu.memref_slice %arg6[%dma_start3A_369, %dma_start3A_370] : memref<64x64xf32, #tpu.memory_space<vmem>> -> memref<1x64xf32, #tpu.memory_space<vmem>>
      %dma_start3A_372 = arith.constant 0 : i32
      %dma_start3A_373 = tpu.memref_slice %arg3[%squeeze3A_368, %dma_start3A_372] : memref<1000000x64xf32, #tpu.memory_space<hbm>> -> memref<1x64xf32, #tpu.memory_space<hbm>>
      %dma_start3A_374 = arith.constant 29 : i32
      %dma_start3A_375 = arith.constant 0 : i32
      %dma_start3A_376 = tpu.memref_slice %arg6[%dma_start3A_374, %dma_start3A_375] : memref<64x64xf32, #tpu.memory_space<vmem>> -> memref<1x64xf32, #tpu.memory_space<vmem>>
      %dma_start3A_377 = arith.constant 0 : i32
      %dma_start3A_378 = tpu.memref_slice %arg3[%squeeze3A_368, %dma_start3A_377] : memref<1000000x64xf32, #tpu.memory_space<hbm>> -> memref<1x64xf32, #tpu.memory_space<hbm>>
      tpu.enqueue_dma source(%dma_start3A_378 : memref<1x64xf32, #tpu.memory_space<hbm>>) target(%dma_start3A_376 : memref<1x64xf32, #tpu.memory_space<vmem>>) target_semaphore(%arg7 : memref<!tpu.dma_semaphore, #tpu.memory_space<semaphore_mem>>)
      %slice3A_379 = vector.extract_strided_slice %get3A_210 {offsets = [14], sizes = [1], strides = [1]} : vector<16xi32> to vector<1xi32>
      %squeeze3A_380 = vector.extract %slice3A_379[0] : i32 from vector<1xi32>
      %dma_start3A_381 = arith.constant 30 : i32
      %dma_start3A_382 = arith.constant 0 : i32
      %dma_start3A_383 = tpu.memref_slice %arg6[%dma_start3A_381, %dma_start3A_382] : memref<64x64xf32, #tpu.memory_space<vmem>> -> memref<1x64xf32, #tpu.memory_space<vmem>>
      %dma_start3A_384 = arith.constant 0 : i32
      %dma_start3A_385 = tpu.memref_slice %arg3[%squeeze3A_380, %dma_start3A_384] : memref<1000000x64xf32, #tpu.memory_space<hbm>> -> memref<1x64xf32, #tpu.memory_space<hbm>>
      %dma_start3A_386 = arith.constant 30 : i32
      %dma_start3A_387 = arith.constant 0 : i32
      %dma_start3A_388 = tpu.memref_slice %arg6[%dma_start3A_386, %dma_start3A_387] : memref<64x64xf32, #tpu.memory_space<vmem>> -> memref<1x64xf32, #tpu.memory_space<vmem>>
      %dma_start3A_389 = arith.constant 0 : i32
      %dma_start3A_390 = tpu.memref_slice %arg3[%squeeze3A_380, %dma_start3A_389] : memref<1000000x64xf32, #tpu.memory_space<hbm>> -> memref<1x64xf32, #tpu.memory_space<hbm>>
      tpu.enqueue_dma source(%dma_start3A_390 : memref<1x64xf32, #tpu.memory_space<hbm>>) target(%dma_start3A_388 : memref<1x64xf32, #tpu.memory_space<vmem>>) target_semaphore(%arg7 : memref<!tpu.dma_semaphore, #tpu.memory_space<semaphore_mem>>)
      %slice3A_391 = vector.extract_strided_slice %get3A_210 {offsets = [15], sizes = [1], strides = [1]} : vector<16xi32> to vector<1xi32>
      %squeeze3A_392 = vector.extract %slice3A_391[0] : i32 from vector<1xi32>
      %dma_start3A_393 = arith.constant 31 : i32
      %dma_start3A_394 = arith.constant 0 : i32
      %dma_start3A_395 = tpu.memref_slice %arg6[%dma_start3A_393, %dma_start3A_394] : memref<64x64xf32, #tpu.memory_space<vmem>> -> memref<1x64xf32, #tpu.memory_space<vmem>>
      %dma_start3A_396 = arith.constant 0 : i32
      %dma_start3A_397 = tpu.memref_slice %arg3[%squeeze3A_392, %dma_start3A_396] : memref<1000000x64xf32, #tpu.memory_space<hbm>> -> memref<1x64xf32, #tpu.memory_space<hbm>>
      %dma_start3A_398 = arith.constant 31 : i32
      %dma_start3A_399 = arith.constant 0 : i32
      %dma_start3A_400 = tpu.memref_slice %arg6[%dma_start3A_398, %dma_start3A_399] : memref<64x64xf32, #tpu.memory_space<vmem>> -> memref<1x64xf32, #tpu.memory_space<vmem>>
      %dma_start3A_401 = arith.constant 0 : i32
      %dma_start3A_402 = tpu.memref_slice %arg3[%squeeze3A_392, %dma_start3A_401] : memref<1000000x64xf32, #tpu.memory_space<hbm>> -> memref<1x64xf32, #tpu.memory_space<hbm>>
      tpu.enqueue_dma source(%dma_start3A_402 : memref<1x64xf32, #tpu.memory_space<hbm>>) target(%dma_start3A_400 : memref<1x64xf32, #tpu.memory_space<vmem>>) target_semaphore(%arg7 : memref<!tpu.dma_semaphore, #tpu.memory_space<semaphore_mem>>)
      %mul3A_403 = arith.constant 64 : i32
      %mul3A_404 = arith.muli %scan3A_8, %mul3A_403 : i32
      %add3A_405 = arith.constant 32 : i32
      %add3A_406 = arith.addi %mul3A_404, %add3A_405 : i32
      %get3A_407 = arith.index_cast %add3A_406 : i32 to index
      %get3A_408 = tpu.vector_load %arg5[%get3A_407] {strides = array<i32>} : memref<512xi32, #tpu.memory_space<vmem>>, vector<16xi32>,
      %get3A_409 = vector.shape_cast %get3A_408 : vector<16xi32> to vector<16xi32>
      %slice3A_410 = vector.extract_strided_slice %get3A_409 {offsets = [0], sizes = [1], strides = [1]} : vector<16xi32> to vector<1xi32>
      %squeeze3A_411 = vector.extract %slice3A_410[0] : i32 from vector<1xi32>
      %dma_start3A_412 = arith.constant 32 : i32
      %dma_start3A_413 = arith.constant 0 : i32
      %dma_start3A_414 = tpu.memref_slice %arg6[%dma_start3A_412, %dma_start3A_413] : memref<64x64xf32, #tpu.memory_space<vmem>> -> memref<1x64xf32, #tpu.memory_space<vmem>>
      %dma_start3A_415 = arith.constant 0 : i32
      %dma_start3A_416 = tpu.memref_slice %arg3[%squeeze3A_411, %dma_start3A_415] : memref<1000000x64xf32, #tpu.memory_space<hbm>> -> memref<1x64xf32, #tpu.memory_space<hbm>>
      %dma_start3A_417 = arith.constant 32 : i32
      %dma_start3A_418 = arith.constant 0 : i32
      %dma_start3A_419 = tpu.memref_slice %arg6[%dma_start3A_417, %dma_start3A_418] : memref<64x64xf32, #tpu.memory_space<vmem>> -> memref<1x64xf32, #tpu.memory_space<vmem>>
      %dma_start3A_420 = arith.constant 0 : i32
      %dma_start3A_421 = tpu.memref_slice %arg3[%squeeze3A_411, %dma_start3A_420] : memref<1000000x64xf32, #tpu.memory_space<hbm>> -> memref<1x64xf32, #tpu.memory_space<hbm>>
      tpu.enqueue_dma source(%dma_start3A_421 : memref<1x64xf32, #tpu.memory_space<hbm>>) target(%dma_start3A_419 : memref<1x64xf32, #tpu.memory_space<vmem>>) target_semaphore(%arg7 : memref<!tpu.dma_semaphore, #tpu.memory_space<semaphore_mem>>)
      %slice3A_422 = vector.extract_strided_slice %get3A_409 {offsets = [1], sizes = [1], strides = [1]} : vector<16xi32> to vector<1xi32>
      %squeeze3A_423 = vector.extract %slice3A_422[0] : i32 from vector<1xi32>
      %dma_start3A_424 = arith.constant 33 : i32
      %dma_start3A_425 = arith.constant 0 : i32
      %dma_start3A_426 = tpu.memref_slice %arg6[%dma_start3A_424, %dma_start3A_425] : memref<64x64xf32, #tpu.memory_space<vmem>> -> memref<1x64xf32, #tpu.memory_space<vmem>>
      %dma_start3A_427 = arith.constant 0 : i32
      %dma_start3A_428 = tpu.memref_slice %arg3[%squeeze3A_423, %dma_start3A_427] : memref<1000000x64xf32, #tpu.memory_space<hbm>> -> memref<1x64xf32, #tpu.memory_space<hbm>>
      %dma_start3A_429 = arith.constant 33 : i32
      %dma_start3A_430 = arith.constant 0 : i32
      %dma_start3A_431 = tpu.memref_slice %arg6[%dma_start3A_429, %dma_start3A_430] : memref<64x64xf32, #tpu.memory_space<vmem>> -> memref<1x64xf32, #tpu.memory_space<vmem>>
      %dma_start3A_432 = arith.constant 0 : i32
      %dma_start3A_433 = tpu.memref_slice %arg3[%squeeze3A_423, %dma_start3A_432] : memref<1000000x64xf32, #tpu.memory_space<hbm>> -> memref<1x64xf32, #tpu.memory_space<hbm>>
      tpu.enqueue_dma source(%dma_start3A_433 : memref<1x64xf32, #tpu.memory_space<hbm>>) target(%dma_start3A_431 : memref<1x64xf32, #tpu.memory_space<vmem>>) target_semaphore(%arg7 : memref<!tpu.dma_semaphore, #tpu.memory_space<semaphore_mem>>)
      %slice3A_434 = vector.extract_strided_slice %get3A_409 {offsets = [2], sizes = [1], strides = [1]} : vector<16xi32> to vector<1xi32>
      %squeeze3A_435 = vector.extract %slice3A_434[0] : i32 from vector<1xi32>
      %dma_start3A_436 = arith.constant 34 : i32
      %dma_start3A_437 = arith.constant 0 : i32
      %dma_start3A_438 = tpu.memref_slice %arg6[%dma_start3A_436, %dma_start3A_437] : memref<64x64xf32, #tpu.memory_space<vmem>> -> memref<1x64xf32, #tpu.memory_space<vmem>>
      %dma_start3A_439 = arith.constant 0 : i32
      %dma_start3A_440 = tpu.memref_slice %arg3[%squeeze3A_435, %dma_start3A_439] : memref<1000000x64xf32, #tpu.memory_space<hbm>> -> memref<1x64xf32, #tpu.memory_space<hbm>>
      %dma_start3A_441 = arith.constant 34 : i32
      %dma_start3A_442 = arith.constant 0 : i32
      %dma_start3A_443 = tpu.memref_slice %arg6[%dma_start3A_441, %dma_start3A_442] : memref<64x64xf32, #tpu.memory_space<vmem>> -> memref<1x64xf32, #tpu.memory_space<vmem>>
      %dma_start3A_444 = arith.constant 0 : i32
      %dma_start3A_445 = tpu.memref_slice %arg3[%squeeze3A_435, %dma_start3A_444] : memref<1000000x64xf32, #tpu.memory_space<hbm>> -> memref<1x64xf32, #tpu.memory_space<hbm>>
      tpu.enqueue_dma source(%dma_start3A_445 : memref<1x64xf32, #tpu.memory_space<hbm>>) target(%dma_start3A_443 : memref<1x64xf32, #tpu.memory_space<vmem>>) target_semaphore(%arg7 : memref<!tpu.dma_semaphore, #tpu.memory_space<semaphore_mem>>)
      %slice3A_446 = vector.extract_strided_slice %get3A_409 {offsets = [3], sizes = [1], strides = [1]} : vector<16xi32> to vector<1xi32>
      %squeeze3A_447 = vector.extract %slice3A_446[0] : i32 from vector<1xi32>
      %dma_start3A_448 = arith.constant 35 : i32
      %dma_start3A_449 = arith.constant 0 : i32
      %dma_start3A_450 = tpu.memref_slice %arg6[%dma_start3A_448, %dma_start3A_449] : memref<64x64xf32, #tpu.memory_space<vmem>> -> memref<1x64xf32, #tpu.memory_space<vmem>>
      %dma_start3A_451 = arith.constant 0 : i32
      %dma_start3A_452 = tpu.memref_slice %arg3[%squeeze3A_447, %dma_start3A_451] : memref<1000000x64xf32, #tpu.memory_space<hbm>> -> memref<1x64xf32, #tpu.memory_space<hbm>>
      %dma_start3A_453 = arith.constant 35 : i32
      %dma_start3A_454 = arith.constant 0 : i32
      %dma_start3A_455 = tpu.memref_slice %arg6[%dma_start3A_453, %dma_start3A_454] : memref<64x64xf32, #tpu.memory_space<vmem>> -> memref<1x64xf32, #tpu.memory_space<vmem>>
      %dma_start3A_456 = arith.constant 0 : i32
      %dma_start3A_457 = tpu.memref_slice %arg3[%squeeze3A_447, %dma_start3A_456] : memref<1000000x64xf32, #tpu.memory_space<hbm>> -> memref<1x64xf32, #tpu.memory_space<hbm>>
      tpu.enqueue_dma source(%dma_start3A_457 : memref<1x64xf32, #tpu.memory_space<hbm>>) target(%dma_start3A_455 : memref<1x64xf32, #tpu.memory_space<vmem>>) target_semaphore(%arg7 : memref<!tpu.dma_semaphore, #tpu.memory_space<semaphore_mem>>)
      %slice3A_458 = vector.extract_strided_slice %get3A_409 {offsets = [4], sizes = [1], strides = [1]} : vector<16xi32> to vector<1xi32>
      %squeeze3A_459 = vector.extract %slice3A_458[0] : i32 from vector<1xi32>
      %dma_start3A_460 = arith.constant 36 : i32
      %dma_start3A_461 = arith.constant 0 : i32
      %dma_start3A_462 = tpu.memref_slice %arg6[%dma_start3A_460, %dma_start3A_461] : memref<64x64xf32, #tpu.memory_space<vmem>> -> memref<1x64xf32, #tpu.memory_space<vmem>>
      %dma_start3A_463 = arith.constant 0 : i32
      %dma_start3A_464 = tpu.memref_slice %arg3[%squeeze3A_459, %dma_start3A_463] : memref<1000000x64xf32, #tpu.memory_space<hbm>> -> memref<1x64xf32, #tpu.memory_space<hbm>>
      %dma_start3A_465 = arith.constant 36 : i32
      %dma_start3A_466 = arith.constant 0 : i32
      %dma_start3A_467 = tpu.memref_slice %arg6[%dma_start3A_465, %dma_start3A_466] : memref<64x64xf32, #tpu.memory_space<vmem>> -> memref<1x64xf32, #tpu.memory_space<vmem>>
      %dma_start3A_468 = arith.constant 0 : i32
      %dma_start3A_469 = tpu.memref_slice %arg3[%squeeze3A_459, %dma_start3A_468] : memref<1000000x64xf32, #tpu.memory_space<hbm>> -> memref<1x64xf32, #tpu.memory_space<hbm>>
      tpu.enqueue_dma source(%dma_start3A_469 : memref<1x64xf32, #tpu.memory_space<hbm>>) target(%dma_start3A_467 : memref<1x64xf32, #tpu.memory_space<vmem>>) target_semaphore(%arg7 : memref<!tpu.dma_semaphore, #tpu.memory_space<semaphore_mem>>)
      %slice3A_470 = vector.extract_strided_slice %get3A_409 {offsets = [5], sizes = [1], strides = [1]} : vector<16xi32> to vector<1xi32>
      %squeeze3A_471 = vector.extract %slice3A_470[0] : i32 from vector<1xi32>
      %dma_start3A_472 = arith.constant 37 : i32
      %dma_start3A_473 = arith.constant 0 : i32
      %dma_start3A_474 = tpu.memref_slice %arg6[%dma_start3A_472, %dma_start3A_473] : memref<64x64xf32, #tpu.memory_space<vmem>> -> memref<1x64xf32, #tpu.memory_space<vmem>>
      %dma_start3A_475 = arith.constant 0 : i32
      %dma_start3A_476 = tpu.memref_slice %arg3[%squeeze3A_471, %dma_start3A_475] : memref<1000000x64xf32, #tpu.memory_space<hbm>> -> memref<1x64xf32, #tpu.memory_space<hbm>>
      %dma_start3A_477 = arith.constant 37 : i32
      %dma_start3A_478 = arith.constant 0 : i32
      %dma_start3A_479 = tpu.memref_slice %arg6[%dma_start3A_477, %dma_start3A_478] : memref<64x64xf32, #tpu.memory_space<vmem>> -> memref<1x64xf32, #tpu.memory_space<vmem>>
      %dma_start3A_480 = arith.constant 0 : i32
      %dma_start3A_481 = tpu.memref_slice %arg3[%squeeze3A_471, %dma_start3A_480] : memref<1000000x64xf32, #tpu.memory_space<hbm>> -> memref<1x64xf32, #tpu.memory_space<hbm>>
      tpu.enqueue_dma source(%dma_start3A_481 : memref<1x64xf32, #tpu.memory_space<hbm>>) target(%dma_start3A_479 : memref<1x64xf32, #tpu.memory_space<vmem>>) target_semaphore(%arg7 : memref<!tpu.dma_semaphore, #tpu.memory_space<semaphore_mem>>)
      %slice3A_482 = vector.extract_strided_slice %get3A_409 {offsets = [6], sizes = [1], strides = [1]} : vector<16xi32> to vector<1xi32>
      %squeeze3A_483 = vector.extract %slice3A_482[0] : i32 from vector<1xi32>
      %dma_start3A_484 = arith.constant 38 : i32
      %dma_start3A_485 = arith.constant 0 : i32
      %dma_start3A_486 = tpu.memref_slice %arg6[%dma_start3A_484, %dma_start3A_485] : memref<64x64xf32, #tpu.memory_space<vmem>> -> memref<1x64xf32, #tpu.memory_space<vmem>>
      %dma_start3A_487 = arith.constant 0 : i32
      %dma_start3A_488 = tpu.memref_slice %arg3[%squeeze3A_483, %dma_start3A_487] : memref<1000000x64xf32, #tpu.memory_space<hbm>> -> memref<1x64xf32, #tpu.memory_space<hbm>>
      %dma_start3A_489 = arith.constant 38 : i32
      %dma_start3A_490 = arith.constant 0 : i32
      %dma_start3A_491 = tpu.memref_slice %arg6[%dma_start3A_489, %dma_start3A_490] : memref<64x64xf32, #tpu.memory_space<vmem>> -> memref<1x64xf32, #tpu.memory_space<vmem>>
      %dma_start3A_492 = arith.constant 0 : i32
      %dma_start3A_493 = tpu.memref_slice %arg3[%squeeze3A_483, %dma_start3A_492] : memref<1000000x64xf32, #tpu.memory_space<hbm>> -> memref<1x64xf32, #tpu.memory_space<hbm>>
      tpu.enqueue_dma source(%dma_start3A_493 : memref<1x64xf32, #tpu.memory_space<hbm>>) target(%dma_start3A_491 : memref<1x64xf32, #tpu.memory_space<vmem>>) target_semaphore(%arg7 : memref<!tpu.dma_semaphore, #tpu.memory_space<semaphore_mem>>)
      %slice3A_494 = vector.extract_strided_slice %get3A_409 {offsets = [7], sizes = [1], strides = [1]} : vector<16xi32> to vector<1xi32>
      %squeeze3A_495 = vector.extract %slice3A_494[0] : i32 from vector<1xi32>
      %dma_start3A_496 = arith.constant 39 : i32
      %dma_start3A_497 = arith.constant 0 : i32
      %dma_start3A_498 = tpu.memref_slice %arg6[%dma_start3A_496, %dma_start3A_497] : memref<64x64xf32, #tpu.memory_space<vmem>> -> memref<1x64xf32, #tpu.memory_space<vmem>>
      %dma_start3A_499 = arith.constant 0 : i32
      %dma_start3A_500 = tpu.memref_slice %arg3[%squeeze3A_495, %dma_start3A_499] : memref<1000000x64xf32, #tpu.memory_space<hbm>> -> memref<1x64xf32, #tpu.memory_space<hbm>>
      %dma_start3A_501 = arith.constant 39 : i32
      %dma_start3A_502 = arith.constant 0 : i32
      %dma_start3A_503 = tpu.memref_slice %arg6[%dma_start3A_501, %dma_start3A_502] : memref<64x64xf32, #tpu.memory_space<vmem>> -> memref<1x64xf32, #tpu.memory_space<vmem>>
      %dma_start3A_504 = arith.constant 0 : i32
      %dma_start3A_505 = tpu.memref_slice %arg3[%squeeze3A_495, %dma_start3A_504] : memref<1000000x64xf32, #tpu.memory_space<hbm>> -> memref<1x64xf32, #tpu.memory_space<hbm>>
      tpu.enqueue_dma source(%dma_start3A_505 : memref<1x64xf32, #tpu.memory_space<hbm>>) target(%dma_start3A_503 : memref<1x64xf32, #tpu.memory_space<vmem>>) target_semaphore(%arg7 : memref<!tpu.dma_semaphore, #tpu.memory_space<semaphore_mem>>)
      %slice3A_506 = vector.extract_strided_slice %get3A_409 {offsets = [8], sizes = [1], strides = [1]} : vector<16xi32> to vector<1xi32>
      %squeeze3A_507 = vector.extract %slice3A_506[0] : i32 from vector<1xi32>
      %dma_start3A_508 = arith.constant 40 : i32
      %dma_start3A_509 = arith.constant 0 : i32
      %dma_start3A_510 = tpu.memref_slice %arg6[%dma_start3A_508, %dma_start3A_509] : memref<64x64xf32, #tpu.memory_space<vmem>> -> memref<1x64xf32, #tpu.memory_space<vmem>>
      %dma_start3A_511 = arith.constant 0 : i32
      %dma_start3A_512 = tpu.memref_slice %arg3[%squeeze3A_507, %dma_start3A_511] : memref<1000000x64xf32, #tpu.memory_space<hbm>> -> memref<1x64xf32, #tpu.memory_space<hbm>>
      %dma_start3A_513 = arith.constant 40 : i32
      %dma_start3A_514 = arith.constant 0 : i32
      %dma_start3A_515 = tpu.memref_slice %arg6[%dma_start3A_513, %dma_start3A_514] : memref<64x64xf32, #tpu.memory_space<vmem>> -> memref<1x64xf32, #tpu.memory_space<vmem>>
      %dma_start3A_516 = arith.constant 0 : i32
      %dma_start3A_517 = tpu.memref_slice %arg3[%squeeze3A_507, %dma_start3A_516] : memref<1000000x64xf32, #tpu.memory_space<hbm>> -> memref<1x64xf32, #tpu.memory_space<hbm>>
      tpu.enqueue_dma source(%dma_start3A_517 : memref<1x64xf32, #tpu.memory_space<hbm>>) target(%dma_start3A_515 : memref<1x64xf32, #tpu.memory_space<vmem>>) target_semaphore(%arg7 : memref<!tpu.dma_semaphore, #tpu.memory_space<semaphore_mem>>)
      %slice3A_518 = vector.extract_strided_slice %get3A_409 {offsets = [9], sizes = [1], strides = [1]} : vector<16xi32> to vector<1xi32>
      %squeeze3A_519 = vector.extract %slice3A_518[0] : i32 from vector<1xi32>
      %dma_start3A_520 = arith.constant 41 : i32
      %dma_start3A_521 = arith.constant 0 : i32
      %dma_start3A_522 = tpu.memref_slice %arg6[%dma_start3A_520, %dma_start3A_521] : memref<64x64xf32, #tpu.memory_space<vmem>> -> memref<1x64xf32, #tpu.memory_space<vmem>>
      %dma_start3A_523 = arith.constant 0 : i32
      %dma_start3A_524 = tpu.memref_slice %arg3[%squeeze3A_519, %dma_start3A_523] : memref<1000000x64xf32, #tpu.memory_space<hbm>> -> memref<1x64xf32, #tpu.memory_space<hbm>>
      %dma_start3A_525 = arith.constant 41 : i32
      %dma_start3A_526 = arith.constant 0 : i32
      %dma_start3A_527 = tpu.memref_slice %arg6[%dma_start3A_525, %dma_start3A_526] : memref<64x64xf32, #tpu.memory_space<vmem>> -> memref<1x64xf32, #tpu.memory_space<vmem>>
      %dma_start3A_528 = arith.constant 0 : i32
      %dma_start3A_529 = tpu.memref_slice %arg3[%squeeze3A_519, %dma_start3A_528] : memref<1000000x64xf32, #tpu.memory_space<hbm>> -> memref<1x64xf32, #tpu.memory_space<hbm>>
      tpu.enqueue_dma source(%dma_start3A_529 : memref<1x64xf32, #tpu.memory_space<hbm>>) target(%dma_start3A_527 : memref<1x64xf32, #tpu.memory_space<vmem>>) target_semaphore(%arg7 : memref<!tpu.dma_semaphore, #tpu.memory_space<semaphore_mem>>)
      %slice3A_530 = vector.extract_strided_slice %get3A_409 {offsets = [10], sizes = [1], strides = [1]} : vector<16xi32> to vector<1xi32>
      %squeeze3A_531 = vector.extract %slice3A_530[0] : i32 from vector<1xi32>
      %dma_start3A_532 = arith.constant 42 : i32
      %dma_start3A_533 = arith.constant 0 : i32
      %dma_start3A_534 = tpu.memref_slice %arg6[%dma_start3A_532, %dma_start3A_533] : memref<64x64xf32, #tpu.memory_space<vmem>> -> memref<1x64xf32, #tpu.memory_space<vmem>>
      %dma_start3A_535 = arith.constant 0 : i32
      %dma_start3A_536 = tpu.memref_slice %arg3[%squeeze3A_531, %dma_start3A_535] : memref<1000000x64xf32, #tpu.memory_space<hbm>> -> memref<1x64xf32, #tpu.memory_space<hbm>>
      %dma_start3A_537 = arith.constant 42 : i32
      %dma_start3A_538 = arith.constant 0 : i32
      %dma_start3A_539 = tpu.memref_slice %arg6[%dma_start3A_537, %dma_start3A_538] : memref<64x64xf32, #tpu.memory_space<vmem>> -> memref<1x64xf32, #tpu.memory_space<vmem>>
      %dma_start3A_540 = arith.constant 0 : i32
      %dma_start3A_541 = tpu.memref_slice %arg3[%squeeze3A_531, %dma_start3A_540] : memref<1000000x64xf32, #tpu.memory_space<hbm>> -> memref<1x64xf32, #tpu.memory_space<hbm>>
      tpu.enqueue_dma source(%dma_start3A_541 : memref<1x64xf32, #tpu.memory_space<hbm>>) target(%dma_start3A_539 : memref<1x64xf32, #tpu.memory_space<vmem>>) target_semaphore(%arg7 : memref<!tpu.dma_semaphore, #tpu.memory_space<semaphore_mem>>)
      %slice3A_542 = vector.extract_strided_slice %get3A_409 {offsets = [11], sizes = [1], strides = [1]} : vector<16xi32> to vector<1xi32>
      %squeeze3A_543 = vector.extract %slice3A_542[0] : i32 from vector<1xi32>
      %dma_start3A_544 = arith.constant 43 : i32
      %dma_start3A_545 = arith.constant 0 : i32
      %dma_start3A_546 = tpu.memref_slice %arg6[%dma_start3A_544, %dma_start3A_545] : memref<64x64xf32, #tpu.memory_space<vmem>> -> memref<1x64xf32, #tpu.memory_space<vmem>>
      %dma_start3A_547 = arith.constant 0 : i32
      %dma_start3A_548 = tpu.memref_slice %arg3[%squeeze3A_543, %dma_start3A_547] : memref<1000000x64xf32, #tpu.memory_space<hbm>> -> memref<1x64xf32, #tpu.memory_space<hbm>>
      %dma_start3A_549 = arith.constant 43 : i32
      %dma_start3A_550 = arith.constant 0 : i32
      %dma_start3A_551 = tpu.memref_slice %arg6[%dma_start3A_549, %dma_start3A_550] : memref<64x64xf32, #tpu.memory_space<vmem>> -> memref<1x64xf32, #tpu.memory_space<vmem>>
      %dma_start3A_552 = arith.constant 0 : i32
      %dma_start3A_553 = tpu.memref_slice %arg3[%squeeze3A_543, %dma_start3A_552] : memref<1000000x64xf32, #tpu.memory_space<hbm>> -> memref<1x64xf32, #tpu.memory_space<hbm>>
      tpu.enqueue_dma source(%dma_start3A_553 : memref<1x64xf32, #tpu.memory_space<hbm>>) target(%dma_start3A_551 : memref<1x64xf32, #tpu.memory_space<vmem>>) target_semaphore(%arg7 : memref<!tpu.dma_semaphore, #tpu.memory_space<semaphore_mem>>)
      %slice3A_554 = vector.extract_strided_slice %get3A_409 {offsets = [12], sizes = [1], strides = [1]} : vector<16xi32> to vector<1xi32>
      %squeeze3A_555 = vector.extract %slice3A_554[0] : i32 from vector<1xi32>
      %dma_start3A_556 = arith.constant 44 : i32
      %dma_start3A_557 = arith.constant 0 : i32
      %dma_start3A_558 = tpu.memref_slice %arg6[%dma_start3A_556, %dma_start3A_557] : memref<64x64xf32, #tpu.memory_space<vmem>> -> memref<1x64xf32, #tpu.memory_space<vmem>>
      %dma_start3A_559 = arith.constant 0 : i32
      %dma_start3A_560 = tpu.memref_slice %arg3[%squeeze3A_555, %dma_start3A_559] : memref<1000000x64xf32, #tpu.memory_space<hbm>> -> memref<1x64xf32, #tpu.memory_space<hbm>>
      %dma_start3A_561 = arith.constant 44 : i32
      %dma_start3A_562 = arith.constant 0 : i32
      %dma_start3A_563 = tpu.memref_slice %arg6[%dma_start3A_561, %dma_start3A_562] : memref<64x64xf32, #tpu.memory_space<vmem>> -> memref<1x64xf32, #tpu.memory_space<vmem>>
      %dma_start3A_564 = arith.constant 0 : i32
      %dma_start3A_565 = tpu.memref_slice %arg3[%squeeze3A_555, %dma_start3A_564] : memref<1000000x64xf32, #tpu.memory_space<hbm>> -> memref<1x64xf32, #tpu.memory_space<hbm>>
      tpu.enqueue_dma source(%dma_start3A_565 : memref<1x64xf32, #tpu.memory_space<hbm>>) target(%dma_start3A_563 : memref<1x64xf32, #tpu.memory_space<vmem>>) target_semaphore(%arg7 : memref<!tpu.dma_semaphore, #tpu.memory_space<semaphore_mem>>)
      %slice3A_566 = vector.extract_strided_slice %get3A_409 {offsets = [13], sizes = [1], strides = [1]} : vector<16xi32> to vector<1xi32>
      %squeeze3A_567 = vector.extract %slice3A_566[0] : i32 from vector<1xi32>
      %dma_start3A_568 = arith.constant 45 : i32
      %dma_start3A_569 = arith.constant 0 : i32
      %dma_start3A_570 = tpu.memref_slice %arg6[%dma_start3A_568, %dma_start3A_569] : memref<64x64xf32, #tpu.memory_space<vmem>> -> memref<1x64xf32, #tpu.memory_space<vmem>>
      %dma_start3A_571 = arith.constant 0 : i32
      %dma_start3A_572 = tpu.memref_slice %arg3[%squeeze3A_567, %dma_start3A_571] : memref<1000000x64xf32, #tpu.memory_space<hbm>> -> memref<1x64xf32, #tpu.memory_space<hbm>>
      %dma_start3A_573 = arith.constant 45 : i32
      %dma_start3A_574 = arith.constant 0 : i32
      %dma_start3A_575 = tpu.memref_slice %arg6[%dma_start3A_573, %dma_start3A_574] : memref<64x64xf32, #tpu.memory_space<vmem>> -> memref<1x64xf32, #tpu.memory_space<vmem>>
      %dma_start3A_576 = arith.constant 0 : i32
      %dma_start3A_577 = tpu.memref_slice %arg3[%squeeze3A_567, %dma_start3A_576] : memref<1000000x64xf32, #tpu.memory_space<hbm>> -> memref<1x64xf32, #tpu.memory_space<hbm>>
      tpu.enqueue_dma source(%dma_start3A_577 : memref<1x64xf32, #tpu.memory_space<hbm>>) target(%dma_start3A_575 : memref<1x64xf32, #tpu.memory_space<vmem>>) target_semaphore(%arg7 : memref<!tpu.dma_semaphore, #tpu.memory_space<semaphore_mem>>)
      %slice3A_578 = vector.extract_strided_slice %get3A_409 {offsets = [14], sizes = [1], strides = [1]} : vector<16xi32> to vector<1xi32>
      %squeeze3A_579 = vector.extract %slice3A_578[0] : i32 from vector<1xi32>
      %dma_start3A_580 = arith.constant 46 : i32
      %dma_start3A_581 = arith.constant 0 : i32
      %dma_start3A_582 = tpu.memref_slice %arg6[%dma_start3A_580, %dma_start3A_581] : memref<64x64xf32, #tpu.memory_space<vmem>> -> memref<1x64xf32, #tpu.memory_space<vmem>>
      %dma_start3A_583 = arith.constant 0 : i32
      %dma_start3A_584 = tpu.memref_slice %arg3[%squeeze3A_579, %dma_start3A_583] : memref<1000000x64xf32, #tpu.memory_space<hbm>> -> memref<1x64xf32, #tpu.memory_space<hbm>>
      %dma_start3A_585 = arith.constant 46 : i32
      %dma_start3A_586 = arith.constant 0 : i32
      %dma_start3A_587 = tpu.memref_slice %arg6[%dma_start3A_585, %dma_start3A_586] : memref<64x64xf32, #tpu.memory_space<vmem>> -> memref<1x64xf32, #tpu.memory_space<vmem>>
      %dma_start3A_588 = arith.constant 0 : i32
      %dma_start3A_589 = tpu.memref_slice %arg3[%squeeze3A_579, %dma_start3A_588] : memref<1000000x64xf32, #tpu.memory_space<hbm>> -> memref<1x64xf32, #tpu.memory_space<hbm>>
      tpu.enqueue_dma source(%dma_start3A_589 : memref<1x64xf32, #tpu.memory_space<hbm>>) target(%dma_start3A_587 : memref<1x64xf32, #tpu.memory_space<vmem>>) target_semaphore(%arg7 : memref<!tpu.dma_semaphore, #tpu.memory_space<semaphore_mem>>)
      %slice3A_590 = vector.extract_strided_slice %get3A_409 {offsets = [15], sizes = [1], strides = [1]} : vector<16xi32> to vector<1xi32>
      %squeeze3A_591 = vector.extract %slice3A_590[0] : i32 from vector<1xi32>
      %dma_start3A_592 = arith.constant 47 : i32
      %dma_start3A_593 = arith.constant 0 : i32
      %dma_start3A_594 = tpu.memref_slice %arg6[%dma_start3A_592, %dma_start3A_593] : memref<64x64xf32, #tpu.memory_space<vmem>> -> memref<1x64xf32, #tpu.memory_space<vmem>>
      %dma_start3A_595 = arith.constant 0 : i32
      %dma_start3A_596 = tpu.memref_slice %arg3[%squeeze3A_591, %dma_start3A_595] : memref<1000000x64xf32, #tpu.memory_space<hbm>> -> memref<1x64xf32, #tpu.memory_space<hbm>>
      %dma_start3A_597 = arith.constant 47 : i32
      %dma_start3A_598 = arith.constant 0 : i32
      %dma_start3A_599 = tpu.memref_slice %arg6[%dma_start3A_597, %dma_start3A_598] : memref<64x64xf32, #tpu.memory_space<vmem>> -> memref<1x64xf32, #tpu.memory_space<vmem>>
      %dma_start3A_600 = arith.constant 0 : i32
      %dma_start3A_601 = tpu.memref_slice %arg3[%squeeze3A_591, %dma_start3A_600] : memref<1000000x64xf32, #tpu.memory_space<hbm>> -> memref<1x64xf32, #tpu.memory_space<hbm>>
      tpu.enqueue_dma source(%dma_start3A_601 : memref<1x64xf32, #tpu.memory_space<hbm>>) target(%dma_start3A_599 : memref<1x64xf32, #tpu.memory_space<vmem>>) target_semaphore(%arg7 : memref<!tpu.dma_semaphore, #tpu.memory_space<semaphore_mem>>)
      %mul3A_602 = arith.constant 64 : i32
      %mul3A_603 = arith.muli %scan3A_8, %mul3A_602 : i32
      %add3A_604 = arith.constant 48 : i32
      %add3A_605 = arith.addi %mul3A_603, %add3A_604 : i32
      %get3A_606 = arith.index_cast %add3A_605 : i32 to index
      %get3A_607 = tpu.vector_load %arg5[%get3A_606] {strides = array<i32>} : memref<512xi32, #tpu.memory_space<vmem>>, vector<16xi32>,
      %get3A_608 = vector.shape_cast %get3A_607 : vector<16xi32> to vector<16xi32>
      %slice3A_609 = vector.extract_strided_slice %get3A_608 {offsets = [0], sizes = [1], strides = [1]} : vector<16xi32> to vector<1xi32>
      %squeeze3A_610 = vector.extract %slice3A_609[0] : i32 from vector<1xi32>
      %dma_start3A_611 = arith.constant 48 : i32
      %dma_start3A_612 = arith.constant 0 : i32
      %dma_start3A_613 = tpu.memref_slice %arg6[%dma_start3A_611, %dma_start3A_612] : memref<64x64xf32, #tpu.memory_space<vmem>> -> memref<1x64xf32, #tpu.memory_space<vmem>>
      %dma_start3A_614 = arith.constant 0 : i32
      %dma_start3A_615 = tpu.memref_slice %arg3[%squeeze3A_610, %dma_start3A_614] : memref<1000000x64xf32, #tpu.memory_space<hbm>> -> memref<1x64xf32, #tpu.memory_space<hbm>>
      %dma_start3A_616 = arith.constant 48 : i32
      %dma_start3A_617 = arith.constant 0 : i32
      %dma_start3A_618 = tpu.memref_slice %arg6[%dma_start3A_616, %dma_start3A_617] : memref<64x64xf32, #tpu.memory_space<vmem>> -> memref<1x64xf32, #tpu.memory_space<vmem>>
      %dma_start3A_619 = arith.constant 0 : i32
      %dma_start3A_620 = tpu.memref_slice %arg3[%squeeze3A_610, %dma_start3A_619] : memref<1000000x64xf32, #tpu.memory_space<hbm>> -> memref<1x64xf32, #tpu.memory_space<hbm>>
      tpu.enqueue_dma source(%dma_start3A_620 : memref<1x64xf32, #tpu.memory_space<hbm>>) target(%dma_start3A_618 : memref<1x64xf32, #tpu.memory_space<vmem>>) target_semaphore(%arg7 : memref<!tpu.dma_semaphore, #tpu.memory_space<semaphore_mem>>)
      %slice3A_621 = vector.extract_strided_slice %get3A_608 {offsets = [1], sizes = [1], strides = [1]} : vector<16xi32> to vector<1xi32>
      %squeeze3A_622 = vector.extract %slice3A_621[0] : i32 from vector<1xi32>
      %dma_start3A_623 = arith.constant 49 : i32
      %dma_start3A_624 = arith.constant 0 : i32
      %dma_start3A_625 = tpu.memref_slice %arg6[%dma_start3A_623, %dma_start3A_624] : memref<64x64xf32, #tpu.memory_space<vmem>> -> memref<1x64xf32, #tpu.memory_space<vmem>>
      %dma_start3A_626 = arith.constant 0 : i32
      %dma_start3A_627 = tpu.memref_slice %arg3[%squeeze3A_622, %dma_start3A_626] : memref<1000000x64xf32, #tpu.memory_space<hbm>> -> memref<1x64xf32, #tpu.memory_space<hbm>>
      %dma_start3A_628 = arith.constant 49 : i32
      %dma_start3A_629 = arith.constant 0 : i32
      %dma_start3A_630 = tpu.memref_slice %arg6[%dma_start3A_628, %dma_start3A_629] : memref<64x64xf32, #tpu.memory_space<vmem>> -> memref<1x64xf32, #tpu.memory_space<vmem>>
      %dma_start3A_631 = arith.constant 0 : i32
      %dma_start3A_632 = tpu.memref_slice %arg3[%squeeze3A_622, %dma_start3A_631] : memref<1000000x64xf32, #tpu.memory_space<hbm>> -> memref<1x64xf32, #tpu.memory_space<hbm>>
      tpu.enqueue_dma source(%dma_start3A_632 : memref<1x64xf32, #tpu.memory_space<hbm>>) target(%dma_start3A_630 : memref<1x64xf32, #tpu.memory_space<vmem>>) target_semaphore(%arg7 : memref<!tpu.dma_semaphore, #tpu.memory_space<semaphore_mem>>)
      %slice3A_633 = vector.extract_strided_slice %get3A_608 {offsets = [2], sizes = [1], strides = [1]} : vector<16xi32> to vector<1xi32>
      %squeeze3A_634 = vector.extract %slice3A_633[0] : i32 from vector<1xi32>
      %dma_start3A_635 = arith.constant 50 : i32
      %dma_start3A_636 = arith.constant 0 : i32
      %dma_start3A_637 = tpu.memref_slice %arg6[%dma_start3A_635, %dma_start3A_636] : memref<64x64xf32, #tpu.memory_space<vmem>> -> memref<1x64xf32, #tpu.memory_space<vmem>>
      %dma_start3A_638 = arith.constant 0 : i32
      %dma_start3A_639 = tpu.memref_slice %arg3[%squeeze3A_634, %dma_start3A_638] : memref<1000000x64xf32, #tpu.memory_space<hbm>> -> memref<1x64xf32, #tpu.memory_space<hbm>>
      %dma_start3A_640 = arith.constant 50 : i32
      %dma_start3A_641 = arith.constant 0 : i32
      %dma_start3A_642 = tpu.memref_slice %arg6[%dma_start3A_640, %dma_start3A_641] : memref<64x64xf32, #tpu.memory_space<vmem>> -> memref<1x64xf32, #tpu.memory_space<vmem>>
      %dma_start3A_643 = arith.constant 0 : i32
      %dma_start3A_644 = tpu.memref_slice %arg3[%squeeze3A_634, %dma_start3A_643] : memref<1000000x64xf32, #tpu.memory_space<hbm>> -> memref<1x64xf32, #tpu.memory_space<hbm>>
      tpu.enqueue_dma source(%dma_start3A_644 : memref<1x64xf32, #tpu.memory_space<hbm>>) target(%dma_start3A_642 : memref<1x64xf32, #tpu.memory_space<vmem>>) target_semaphore(%arg7 : memref<!tpu.dma_semaphore, #tpu.memory_space<semaphore_mem>>)
      %slice3A_645 = vector.extract_strided_slice %get3A_608 {offsets = [3], sizes = [1], strides = [1]} : vector<16xi32> to vector<1xi32>
      %squeeze3A_646 = vector.extract %slice3A_645[0] : i32 from vector<1xi32>
      %dma_start3A_647 = arith.constant 51 : i32
      %dma_start3A_648 = arith.constant 0 : i32
      %dma_start3A_649 = tpu.memref_slice %arg6[%dma_start3A_647, %dma_start3A_648] : memref<64x64xf32, #tpu.memory_space<vmem>> -> memref<1x64xf32, #tpu.memory_space<vmem>>
      %dma_start3A_650 = arith.constant 0 : i32
      %dma_start3A_651 = tpu.memref_slice %arg3[%squeeze3A_646, %dma_start3A_650] : memref<1000000x64xf32, #tpu.memory_space<hbm>> -> memref<1x64xf32, #tpu.memory_space<hbm>>
      %dma_start3A_652 = arith.constant 51 : i32
      %dma_start3A_653 = arith.constant 0 : i32
      %dma_start3A_654 = tpu.memref_slice %arg6[%dma_start3A_652, %dma_start3A_653] : memref<64x64xf32, #tpu.memory_space<vmem>> -> memref<1x64xf32, #tpu.memory_space<vmem>>
      %dma_start3A_655 = arith.constant 0 : i32
      %dma_start3A_656 = tpu.memref_slice %arg3[%squeeze3A_646, %dma_start3A_655] : memref<1000000x64xf32, #tpu.memory_space<hbm>> -> memref<1x64xf32, #tpu.memory_space<hbm>>
      tpu.enqueue_dma source(%dma_start3A_656 : memref<1x64xf32, #tpu.memory_space<hbm>>) target(%dma_start3A_654 : memref<1x64xf32, #tpu.memory_space<vmem>>) target_semaphore(%arg7 : memref<!tpu.dma_semaphore, #tpu.memory_space<semaphore_mem>>)
      %slice3A_657 = vector.extract_strided_slice %get3A_608 {offsets = [4], sizes = [1], strides = [1]} : vector<16xi32> to vector<1xi32>
      %squeeze3A_658 = vector.extract %slice3A_657[0] : i32 from vector<1xi32>
      %dma_start3A_659 = arith.constant 52 : i32
      %dma_start3A_660 = arith.constant 0 : i32
      %dma_start3A_661 = tpu.memref_slice %arg6[%dma_start3A_659, %dma_start3A_660] : memref<64x64xf32, #tpu.memory_space<vmem>> -> memref<1x64xf32, #tpu.memory_space<vmem>>
      %dma_start3A_662 = arith.constant 0 : i32
      %dma_start3A_663 = tpu.memref_slice %arg3[%squeeze3A_658, %dma_start3A_662] : memref<1000000x64xf32, #tpu.memory_space<hbm>> -> memref<1x64xf32, #tpu.memory_space<hbm>>
      %dma_start3A_664 = arith.constant 52 : i32
      %dma_start3A_665 = arith.constant 0 : i32
      %dma_start3A_666 = tpu.memref_slice %arg6[%dma_start3A_664, %dma_start3A_665] : memref<64x64xf32, #tpu.memory_space<vmem>> -> memref<1x64xf32, #tpu.memory_space<vmem>>
      %dma_start3A_667 = arith.constant 0 : i32
      %dma_start3A_668 = tpu.memref_slice %arg3[%squeeze3A_658, %dma_start3A_667] : memref<1000000x64xf32, #tpu.memory_space<hbm>> -> memref<1x64xf32, #tpu.memory_space<hbm>>
      tpu.enqueue_dma source(%dma_start3A_668 : memref<1x64xf32, #tpu.memory_space<hbm>>) target(%dma_start3A_666 : memref<1x64xf32, #tpu.memory_space<vmem>>) target_semaphore(%arg7 : memref<!tpu.dma_semaphore, #tpu.memory_space<semaphore_mem>>)
      %slice3A_669 = vector.extract_strided_slice %get3A_608 {offsets = [5], sizes = [1], strides = [1]} : vector<16xi32> to vector<1xi32>
      %squeeze3A_670 = vector.extract %slice3A_669[0] : i32 from vector<1xi32>
      %dma_start3A_671 = arith.constant 53 : i32
      %dma_start3A_672 = arith.constant 0 : i32
      %dma_start3A_673 = tpu.memref_slice %arg6[%dma_start3A_671, %dma_start3A_672] : memref<64x64xf32, #tpu.memory_space<vmem>> -> memref<1x64xf32, #tpu.memory_space<vmem>>
      %dma_start3A_674 = arith.constant 0 : i32
      %dma_start3A_675 = tpu.memref_slice %arg3[%squeeze3A_670, %dma_start3A_674] : memref<1000000x64xf32, #tpu.memory_space<hbm>> -> memref<1x64xf32, #tpu.memory_space<hbm>>
      %dma_start3A_676 = arith.constant 53 : i32
      %dma_start3A_677 = arith.constant 0 : i32
      %dma_start3A_678 = tpu.memref_slice %arg6[%dma_start3A_676, %dma_start3A_677] : memref<64x64xf32, #tpu.memory_space<vmem>> -> memref<1x64xf32, #tpu.memory_space<vmem>>
      %dma_start3A_679 = arith.constant 0 : i32
      %dma_start3A_680 = tpu.memref_slice %arg3[%squeeze3A_670, %dma_start3A_679] : memref<1000000x64xf32, #tpu.memory_space<hbm>> -> memref<1x64xf32, #tpu.memory_space<hbm>>
      tpu.enqueue_dma source(%dma_start3A_680 : memref<1x64xf32, #tpu.memory_space<hbm>>) target(%dma_start3A_678 : memref<1x64xf32, #tpu.memory_space<vmem>>) target_semaphore(%arg7 : memref<!tpu.dma_semaphore, #tpu.memory_space<semaphore_mem>>)
      %slice3A_681 = vector.extract_strided_slice %get3A_608 {offsets = [6], sizes = [1], strides = [1]} : vector<16xi32> to vector<1xi32>
      %squeeze3A_682 = vector.extract %slice3A_681[0] : i32 from vector<1xi32>
      %dma_start3A_683 = arith.constant 54 : i32
      %dma_start3A_684 = arith.constant 0 : i32
      %dma_start3A_685 = tpu.memref_slice %arg6[%dma_start3A_683, %dma_start3A_684] : memref<64x64xf32, #tpu.memory_space<vmem>> -> memref<1x64xf32, #tpu.memory_space<vmem>>
      %dma_start3A_686 = arith.constant 0 : i32
      %dma_start3A_687 = tpu.memref_slice %arg3[%squeeze3A_682, %dma_start3A_686] : memref<1000000x64xf32, #tpu.memory_space<hbm>> -> memref<1x64xf32, #tpu.memory_space<hbm>>
      %dma_start3A_688 = arith.constant 54 : i32
      %dma_start3A_689 = arith.constant 0 : i32
      %dma_start3A_690 = tpu.memref_slice %arg6[%dma_start3A_688, %dma_start3A_689] : memref<64x64xf32, #tpu.memory_space<vmem>> -> memref<1x64xf32, #tpu.memory_space<vmem>>
      %dma_start3A_691 = arith.constant 0 : i32
      %dma_start3A_692 = tpu.memref_slice %arg3[%squeeze3A_682, %dma_start3A_691] : memref<1000000x64xf32, #tpu.memory_space<hbm>> -> memref<1x64xf32, #tpu.memory_space<hbm>>
      tpu.enqueue_dma source(%dma_start3A_692 : memref<1x64xf32, #tpu.memory_space<hbm>>) target(%dma_start3A_690 : memref<1x64xf32, #tpu.memory_space<vmem>>) target_semaphore(%arg7 : memref<!tpu.dma_semaphore, #tpu.memory_space<semaphore_mem>>)
      %slice3A_693 = vector.extract_strided_slice %get3A_608 {offsets = [7], sizes = [1], strides = [1]} : vector<16xi32> to vector<1xi32>
      %squeeze3A_694 = vector.extract %slice3A_693[0] : i32 from vector<1xi32>
      %dma_start3A_695 = arith.constant 55 : i32
      %dma_start3A_696 = arith.constant 0 : i32
      %dma_start3A_697 = tpu.memref_slice %arg6[%dma_start3A_695, %dma_start3A_696] : memref<64x64xf32, #tpu.memory_space<vmem>> -> memref<1x64xf32, #tpu.memory_space<vmem>>
      %dma_start3A_698 = arith.constant 0 : i32
      %dma_start3A_699 = tpu.memref_slice %arg3[%squeeze3A_694, %dma_start3A_698] : memref<1000000x64xf32, #tpu.memory_space<hbm>> -> memref<1x64xf32, #tpu.memory_space<hbm>>
      %dma_start3A_700 = arith.constant 55 : i32
      %dma_start3A_701 = arith.constant 0 : i32
      %dma_start3A_702 = tpu.memref_slice %arg6[%dma_start3A_700, %dma_start3A_701] : memref<64x64xf32, #tpu.memory_space<vmem>> -> memref<1x64xf32, #tpu.memory_space<vmem>>
      %dma_start3A_703 = arith.constant 0 : i32
      %dma_start3A_704 = tpu.memref_slice %arg3[%squeeze3A_694, %dma_start3A_703] : memref<1000000x64xf32, #tpu.memory_space<hbm>> -> memref<1x64xf32, #tpu.memory_space<hbm>>
      tpu.enqueue_dma source(%dma_start3A_704 : memref<1x64xf32, #tpu.memory_space<hbm>>) target(%dma_start3A_702 : memref<1x64xf32, #tpu.memory_space<vmem>>) target_semaphore(%arg7 : memref<!tpu.dma_semaphore, #tpu.memory_space<semaphore_mem>>)
      %slice3A_705 = vector.extract_strided_slice %get3A_608 {offsets = [8], sizes = [1], strides = [1]} : vector<16xi32> to vector<1xi32>
      %squeeze3A_706 = vector.extract %slice3A_705[0] : i32 from vector<1xi32>
      %dma_start3A_707 = arith.constant 56 : i32
      %dma_start3A_708 = arith.constant 0 : i32
      %dma_start3A_709 = tpu.memref_slice %arg6[%dma_start3A_707, %dma_start3A_708] : memref<64x64xf32, #tpu.memory_space<vmem>> -> memref<1x64xf32, #tpu.memory_space<vmem>>
      %dma_start3A_710 = arith.constant 0 : i32
      %dma_start3A_711 = tpu.memref_slice %arg3[%squeeze3A_706, %dma_start3A_710] : memref<1000000x64xf32, #tpu.memory_space<hbm>> -> memref<1x64xf32, #tpu.memory_space<hbm>>
      %dma_start3A_712 = arith.constant 56 : i32
      %dma_start3A_713 = arith.constant 0 : i32
      %dma_start3A_714 = tpu.memref_slice %arg6[%dma_start3A_712, %dma_start3A_713] : memref<64x64xf32, #tpu.memory_space<vmem>> -> memref<1x64xf32, #tpu.memory_space<vmem>>
      %dma_start3A_715 = arith.constant 0 : i32
      %dma_start3A_716 = tpu.memref_slice %arg3[%squeeze3A_706, %dma_start3A_715] : memref<1000000x64xf32, #tpu.memory_space<hbm>> -> memref<1x64xf32, #tpu.memory_space<hbm>>
      tpu.enqueue_dma source(%dma_start3A_716 : memref<1x64xf32, #tpu.memory_space<hbm>>) target(%dma_start3A_714 : memref<1x64xf32, #tpu.memory_space<vmem>>) target_semaphore(%arg7 : memref<!tpu.dma_semaphore, #tpu.memory_space<semaphore_mem>>)
      %slice3A_717 = vector.extract_strided_slice %get3A_608 {offsets = [9], sizes = [1], strides = [1]} : vector<16xi32> to vector<1xi32>
      %squeeze3A_718 = vector.extract %slice3A_717[0] : i32 from vector<1xi32>
      %dma_start3A_719 = arith.constant 57 : i32
      %dma_start3A_720 = arith.constant 0 : i32
      %dma_start3A_721 = tpu.memref_slice %arg6[%dma_start3A_719, %dma_start3A_720] : memref<64x64xf32, #tpu.memory_space<vmem>> -> memref<1x64xf32, #tpu.memory_space<vmem>>
      %dma_start3A_722 = arith.constant 0 : i32
      %dma_start3A_723 = tpu.memref_slice %arg3[%squeeze3A_718, %dma_start3A_722] : memref<1000000x64xf32, #tpu.memory_space<hbm>> -> memref<1x64xf32, #tpu.memory_space<hbm>>
      %dma_start3A_724 = arith.constant 57 : i32
      %dma_start3A_725 = arith.constant 0 : i32
      %dma_start3A_726 = tpu.memref_slice %arg6[%dma_start3A_724, %dma_start3A_725] : memref<64x64xf32, #tpu.memory_space<vmem>> -> memref<1x64xf32, #tpu.memory_space<vmem>>
      %dma_start3A_727 = arith.constant 0 : i32
      %dma_start3A_728 = tpu.memref_slice %arg3[%squeeze3A_718, %dma_start3A_727] : memref<1000000x64xf32, #tpu.memory_space<hbm>> -> memref<1x64xf32, #tpu.memory_space<hbm>>
      tpu.enqueue_dma source(%dma_start3A_728 : memref<1x64xf32, #tpu.memory_space<hbm>>) target(%dma_start3A_726 : memref<1x64xf32, #tpu.memory_space<vmem>>) target_semaphore(%arg7 : memref<!tpu.dma_semaphore, #tpu.memory_space<semaphore_mem>>)
      %slice3A_729 = vector.extract_strided_slice %get3A_608 {offsets = [10], sizes = [1], strides = [1]} : vector<16xi32> to vector<1xi32>
      %squeeze3A_730 = vector.extract %slice3A_729[0] : i32 from vector<1xi32>
      %dma_start3A_731 = arith.constant 58 : i32
      %dma_start3A_732 = arith.constant 0 : i32
      %dma_start3A_733 = tpu.memref_slice %arg6[%dma_start3A_731, %dma_start3A_732] : memref<64x64xf32, #tpu.memory_space<vmem>> -> memref<1x64xf32, #tpu.memory_space<vmem>>
      %dma_start3A_734 = arith.constant 0 : i32
      %dma_start3A_735 = tpu.memref_slice %arg3[%squeeze3A_730, %dma_start3A_734] : memref<1000000x64xf32, #tpu.memory_space<hbm>> -> memref<1x64xf32, #tpu.memory_space<hbm>>
      %dma_start3A_736 = arith.constant 58 : i32
      %dma_start3A_737 = arith.constant 0 : i32
      %dma_start3A_738 = tpu.memref_slice %arg6[%dma_start3A_736, %dma_start3A_737] : memref<64x64xf32, #tpu.memory_space<vmem>> -> memref<1x64xf32, #tpu.memory_space<vmem>>
      %dma_start3A_739 = arith.constant 0 : i32
      %dma_start3A_740 = tpu.memref_slice %arg3[%squeeze3A_730, %dma_start3A_739] : memref<1000000x64xf32, #tpu.memory_space<hbm>> -> memref<1x64xf32, #tpu.memory_space<hbm>>
      tpu.enqueue_dma source(%dma_start3A_740 : memref<1x64xf32, #tpu.memory_space<hbm>>) target(%dma_start3A_738 : memref<1x64xf32, #tpu.memory_space<vmem>>) target_semaphore(%arg7 : memref<!tpu.dma_semaphore, #tpu.memory_space<semaphore_mem>>)
      %slice3A_741 = vector.extract_strided_slice %get3A_608 {offsets = [11], sizes = [1], strides = [1]} : vector<16xi32> to vector<1xi32>
      %squeeze3A_742 = vector.extract %slice3A_741[0] : i32 from vector<1xi32>
      %dma_start3A_743 = arith.constant 59 : i32
      %dma_start3A_744 = arith.constant 0 : i32
      %dma_start3A_745 = tpu.memref_slice %arg6[%dma_start3A_743, %dma_start3A_744] : memref<64x64xf32, #tpu.memory_space<vmem>> -> memref<1x64xf32, #tpu.memory_space<vmem>>
      %dma_start3A_746 = arith.constant 0 : i32
      %dma_start3A_747 = tpu.memref_slice %arg3[%squeeze3A_742, %dma_start3A_746] : memref<1000000x64xf32, #tpu.memory_space<hbm>> -> memref<1x64xf32, #tpu.memory_space<hbm>>
      %dma_start3A_748 = arith.constant 59 : i32
      %dma_start3A_749 = arith.constant 0 : i32
      %dma_start3A_750 = tpu.memref_slice %arg6[%dma_start3A_748, %dma_start3A_749] : memref<64x64xf32, #tpu.memory_space<vmem>> -> memref<1x64xf32, #tpu.memory_space<vmem>>
      %dma_start3A_751 = arith.constant 0 : i32
      %dma_start3A_752 = tpu.memref_slice %arg3[%squeeze3A_742, %dma_start3A_751] : memref<1000000x64xf32, #tpu.memory_space<hbm>> -> memref<1x64xf32, #tpu.memory_space<hbm>>
      tpu.enqueue_dma source(%dma_start3A_752 : memref<1x64xf32, #tpu.memory_space<hbm>>) target(%dma_start3A_750 : memref<1x64xf32, #tpu.memory_space<vmem>>) target_semaphore(%arg7 : memref<!tpu.dma_semaphore, #tpu.memory_space<semaphore_mem>>)
      %slice3A_753 = vector.extract_strided_slice %get3A_608 {offsets = [12], sizes = [1], strides = [1]} : vector<16xi32> to vector<1xi32>
      %squeeze3A_754 = vector.extract %slice3A_753[0] : i32 from vector<1xi32>
      %dma_start3A_755 = arith.constant 60 : i32
      %dma_start3A_756 = arith.constant 0 : i32
      %dma_start3A_757 = tpu.memref_slice %arg6[%dma_start3A_755, %dma_start3A_756] : memref<64x64xf32, #tpu.memory_space<vmem>> -> memref<1x64xf32, #tpu.memory_space<vmem>>
      %dma_start3A_758 = arith.constant 0 : i32
      %dma_start3A_759 = tpu.memref_slice %arg3[%squeeze3A_754, %dma_start3A_758] : memref<1000000x64xf32, #tpu.memory_space<hbm>> -> memref<1x64xf32, #tpu.memory_space<hbm>>
      %dma_start3A_760 = arith.constant 60 : i32
      %dma_start3A_761 = arith.constant 0 : i32
      %dma_start3A_762 = tpu.memref_slice %arg6[%dma_start3A_760, %dma_start3A_761] : memref<64x64xf32, #tpu.memory_space<vmem>> -> memref<1x64xf32, #tpu.memory_space<vmem>>
      %dma_start3A_763 = arith.constant 0 : i32
      %dma_start3A_764 = tpu.memref_slice %arg3[%squeeze3A_754, %dma_start3A_763] : memref<1000000x64xf32, #tpu.memory_space<hbm>> -> memref<1x64xf32, #tpu.memory_space<hbm>>
      tpu.enqueue_dma source(%dma_start3A_764 : memref<1x64xf32, #tpu.memory_space<hbm>>) target(%dma_start3A_762 : memref<1x64xf32, #tpu.memory_space<vmem>>) target_semaphore(%arg7 : memref<!tpu.dma_semaphore, #tpu.memory_space<semaphore_mem>>)
      %slice3A_765 = vector.extract_strided_slice %get3A_608 {offsets = [13], sizes = [1], strides = [1]} : vector<16xi32> to vector<1xi32>
      %squeeze3A_766 = vector.extract %slice3A_765[0] : i32 from vector<1xi32>
      %dma_start3A_767 = arith.constant 61 : i32
      %dma_start3A_768 = arith.constant 0 : i32
      %dma_start3A_769 = tpu.memref_slice %arg6[%dma_start3A_767, %dma_start3A_768] : memref<64x64xf32, #tpu.memory_space<vmem>> -> memref<1x64xf32, #tpu.memory_space<vmem>>
      %dma_start3A_770 = arith.constant 0 : i32
      %dma_start3A_771 = tpu.memref_slice %arg3[%squeeze3A_766, %dma_start3A_770] : memref<1000000x64xf32, #tpu.memory_space<hbm>> -> memref<1x64xf32, #tpu.memory_space<hbm>>
      %dma_start3A_772 = arith.constant 61 : i32
      %dma_start3A_773 = arith.constant 0 : i32
      %dma_start3A_774 = tpu.memref_slice %arg6[%dma_start3A_772, %dma_start3A_773] : memref<64x64xf32, #tpu.memory_space<vmem>> -> memref<1x64xf32, #tpu.memory_space<vmem>>
      %dma_start3A_775 = arith.constant 0 : i32
      %dma_start3A_776 = tpu.memref_slice %arg3[%squeeze3A_766, %dma_start3A_775] : memref<1000000x64xf32, #tpu.memory_space<hbm>> -> memref<1x64xf32, #tpu.memory_space<hbm>>
      tpu.enqueue_dma source(%dma_start3A_776 : memref<1x64xf32, #tpu.memory_space<hbm>>) target(%dma_start3A_774 : memref<1x64xf32, #tpu.memory_space<vmem>>) target_semaphore(%arg7 : memref<!tpu.dma_semaphore, #tpu.memory_space<semaphore_mem>>)
      %slice3A_777 = vector.extract_strided_slice %get3A_608 {offsets = [14], sizes = [1], strides = [1]} : vector<16xi32> to vector<1xi32>
      %squeeze3A_778 = vector.extract %slice3A_777[0] : i32 from vector<1xi32>
      %dma_start3A_779 = arith.constant 62 : i32
      %dma_start3A_780 = arith.constant 0 : i32
      %dma_start3A_781 = tpu.memref_slice %arg6[%dma_start3A_779, %dma_start3A_780] : memref<64x64xf32, #tpu.memory_space<vmem>> -> memref<1x64xf32, #tpu.memory_space<vmem>>
      %dma_start3A_782 = arith.constant 0 : i32
      %dma_start3A_783 = tpu.memref_slice %arg3[%squeeze3A_778, %dma_start3A_782] : memref<1000000x64xf32, #tpu.memory_space<hbm>> -> memref<1x64xf32, #tpu.memory_space<hbm>>
      %dma_start3A_784 = arith.constant 62 : i32
      %dma_start3A_785 = arith.constant 0 : i32
      %dma_start3A_786 = tpu.memref_slice %arg6[%dma_start3A_784, %dma_start3A_785] : memref<64x64xf32, #tpu.memory_space<vmem>> -> memref<1x64xf32, #tpu.memory_space<vmem>>
      %dma_start3A_787 = arith.constant 0 : i32
      %dma_start3A_788 = tpu.memref_slice %arg3[%squeeze3A_778, %dma_start3A_787] : memref<1000000x64xf32, #tpu.memory_space<hbm>> -> memref<1x64xf32, #tpu.memory_space<hbm>>
      tpu.enqueue_dma source(%dma_start3A_788 : memref<1x64xf32, #tpu.memory_space<hbm>>) target(%dma_start3A_786 : memref<1x64xf32, #tpu.memory_space<vmem>>) target_semaphore(%arg7 : memref<!tpu.dma_semaphore, #tpu.memory_space<semaphore_mem>>)
      %slice3A_789 = vector.extract_strided_slice %get3A_608 {offsets = [15], sizes = [1], strides = [1]} : vector<16xi32> to vector<1xi32>
      %squeeze3A_790 = vector.extract %slice3A_789[0] : i32 from vector<1xi32>
      %dma_start3A_791 = arith.constant 63 : i32
      %dma_start3A_792 = arith.constant 0 : i32
      %dma_start3A_793 = tpu.memref_slice %arg6[%dma_start3A_791, %dma_start3A_792] : memref<64x64xf32, #tpu.memory_space<vmem>> -> memref<1x64xf32, #tpu.memory_space<vmem>>
      %dma_start3A_794 = arith.constant 0 : i32
      %dma_start3A_795 = tpu.memref_slice %arg3[%squeeze3A_790, %dma_start3A_794] : memref<1000000x64xf32, #tpu.memory_space<hbm>> -> memref<1x64xf32, #tpu.memory_space<hbm>>
      %dma_start3A_796 = arith.constant 63 : i32
      %dma_start3A_797 = arith.constant 0 : i32
      %dma_start3A_798 = tpu.memref_slice %arg6[%dma_start3A_796, %dma_start3A_797] : memref<64x64xf32, #tpu.memory_space<vmem>> -> memref<1x64xf32, #tpu.memory_space<vmem>>
      %dma_start3A_799 = arith.constant 0 : i32
      %dma_start3A_800 = tpu.memref_slice %arg3[%squeeze3A_790, %dma_start3A_799] : memref<1000000x64xf32, #tpu.memory_space<hbm>> -> memref<1x64xf32, #tpu.memory_space<hbm>>
      tpu.enqueue_dma source(%dma_start3A_800 : memref<1x64xf32, #tpu.memory_space<hbm>>) target(%dma_start3A_798 : memref<1x64xf32, #tpu.memory_space<vmem>>) target_semaphore(%arg7 : memref<!tpu.dma_semaphore, #tpu.memory_space<semaphore_mem>>)
      %dma_wait3A = arith.constant 0 : i32
      %dma_wait3A_801 = arith.constant 0 : i32
      %dma_wait3A_802 = tpu.memref_slice %arg6[%dma_wait3A, %dma_wait3A_801] : memref<64x64xf32, #tpu.memory_space<vmem>> -> memref<1x64xf32, #tpu.memory_space<vmem>>
      %dma_wait3A_803 = arith.constant 0 : i32
      %dma_wait3A_804 = tpu.memref_slice %arg3[%squeeze3A, %dma_wait3A_803] : memref<1000000x64xf32, #tpu.memory_space<hbm>> -> memref<1x64xf32, #tpu.memory_space<hbm>>
      %dma_wait3A_805 = arith.constant 0 : i32
      %dma_wait3A_806 = arith.constant 0 : i32
      %dma_wait3A_807 = tpu.memref_slice %arg6[%dma_wait3A_805, %dma_wait3A_806] : memref<64x64xf32, #tpu.memory_space<vmem>> -> memref<1x64xf32, #tpu.memory_space<vmem>>
      %dma_wait3A_808 = arith.constant 0 : i32
      %dma_wait3A_809 = tpu.memref_slice %arg3[%squeeze3A, %dma_wait3A_808] : memref<1000000x64xf32, #tpu.memory_space<hbm>> -> memref<1x64xf32, #tpu.memory_space<hbm>>
      tpu.wait_dma2 semaphore(%arg7 : memref<!tpu.dma_semaphore, #tpu.memory_space<semaphore_mem>>) src(%dma_wait3A_809 : memref<1x64xf32, #tpu.memory_space<hbm>>) dst(%dma_wait3A_807 : memref<1x64xf32, #tpu.memory_space<vmem>>)
      %dma_wait3A_810 = arith.constant 1 : i32
      %dma_wait3A_811 = arith.constant 0 : i32
      %dma_wait3A_812 = tpu.memref_slice %arg6[%dma_wait3A_810, %dma_wait3A_811] : memref<64x64xf32, #tpu.memory_space<vmem>> -> memref<1x64xf32, #tpu.memory_space<vmem>>
      %dma_wait3A_813 = arith.constant 0 : i32
      %dma_wait3A_814 = tpu.memref_slice %arg3[%squeeze3A_25, %dma_wait3A_813] : memref<1000000x64xf32, #tpu.memory_space<hbm>> -> memref<1x64xf32, #tpu.memory_space<hbm>>
      %dma_wait3A_815 = arith.constant 1 : i32
      %dma_wait3A_816 = arith.constant 0 : i32
      %dma_wait3A_817 = tpu.memref_slice %arg6[%dma_wait3A_815, %dma_wait3A_816] : memref<64x64xf32, #tpu.memory_space<vmem>> -> memref<1x64xf32, #tpu.memory_space<vmem>>
      %dma_wait3A_818 = arith.constant 0 : i32
      %dma_wait3A_819 = tpu.memref_slice %arg3[%squeeze3A_25, %dma_wait3A_818] : memref<1000000x64xf32, #tpu.memory_space<hbm>> -> memref<1x64xf32, #tpu.memory_space<hbm>>
      tpu.wait_dma2 semaphore(%arg7 : memref<!tpu.dma_semaphore, #tpu.memory_space<semaphore_mem>>) src(%dma_wait3A_819 : memref<1x64xf32, #tpu.memory_space<hbm>>) dst(%dma_wait3A_817 : memref<1x64xf32, #tpu.memory_space<vmem>>)
      %dma_wait3A_820 = arith.constant 2 : i32
      %dma_wait3A_821 = arith.constant 0 : i32
      %dma_wait3A_822 = tpu.memref_slice %arg6[%dma_wait3A_820, %dma_wait3A_821] : memref<64x64xf32, #tpu.memory_space<vmem>> -> memref<1x64xf32, #tpu.memory_space<vmem>>
      %dma_wait3A_823 = arith.constant 0 : i32
      %dma_wait3A_824 = tpu.memref_slice %arg3[%squeeze3A_37, %dma_wait3A_823] : memref<1000000x64xf32, #tpu.memory_space<hbm>> -> memref<1x64xf32, #tpu.memory_space<hbm>>
      %dma_wait3A_825 = arith.constant 2 : i32
      %dma_wait3A_826 = arith.constant 0 : i32
      %dma_wait3A_827 = tpu.memref_slice %arg6[%dma_wait3A_825, %dma_wait3A_826] : memref<64x64xf32, #tpu.memory_space<vmem>> -> memref<1x64xf32, #tpu.memory_space<vmem>>
      %dma_wait3A_828 = arith.constant 0 : i32
      %dma_wait3A_829 = tpu.memref_slice %arg3[%squeeze3A_37, %dma_wait3A_828] : memref<1000000x64xf32, #tpu.memory_space<hbm>> -> memref<1x64xf32, #tpu.memory_space<hbm>>
      tpu.wait_dma2 semaphore(%arg7 : memref<!tpu.dma_semaphore, #tpu.memory_space<semaphore_mem>>) src(%dma_wait3A_829 : memref<1x64xf32, #tpu.memory_space<hbm>>) dst(%dma_wait3A_827 : memref<1x64xf32, #tpu.memory_space<vmem>>)
      %dma_wait3A_830 = arith.constant 3 : i32
      %dma_wait3A_831 = arith.constant 0 : i32
      %dma_wait3A_832 = tpu.memref_slice %arg6[%dma_wait3A_830, %dma_wait3A_831] : memref<64x64xf32, #tpu.memory_space<vmem>> -> memref<1x64xf32, #tpu.memory_space<vmem>>
      %dma_wait3A_833 = arith.constant 0 : i32
      %dma_wait3A_834 = tpu.memref_slice %arg3[%squeeze3A_49, %dma_wait3A_833] : memref<1000000x64xf32, #tpu.memory_space<hbm>> -> memref<1x64xf32, #tpu.memory_space<hbm>>
      %dma_wait3A_835 = arith.constant 3 : i32
      %dma_wait3A_836 = arith.constant 0 : i32
      %dma_wait3A_837 = tpu.memref_slice %arg6[%dma_wait3A_835, %dma_wait3A_836] : memref<64x64xf32, #tpu.memory_space<vmem>> -> memref<1x64xf32, #tpu.memory_space<vmem>>
      %dma_wait3A_838 = arith.constant 0 : i32
      %dma_wait3A_839 = tpu.memref_slice %arg3[%squeeze3A_49, %dma_wait3A_838] : memref<1000000x64xf32, #tpu.memory_space<hbm>> -> memref<1x64xf32, #tpu.memory_space<hbm>>
      tpu.wait_dma2 semaphore(%arg7 : memref<!tpu.dma_semaphore, #tpu.memory_space<semaphore_mem>>) src(%dma_wait3A_839 : memref<1x64xf32, #tpu.memory_space<hbm>>) dst(%dma_wait3A_837 : memref<1x64xf32, #tpu.memory_space<vmem>>)
      %dma_wait3A_840 = arith.constant 4 : i32
      %dma_wait3A_841 = arith.constant 0 : i32
      %dma_wait3A_842 = tpu.memref_slice %arg6[%dma_wait3A_840, %dma_wait3A_841] : memref<64x64xf32, #tpu.memory_space<vmem>> -> memref<1x64xf32, #tpu.memory_space<vmem>>
      %dma_wait3A_843 = arith.constant 0 : i32
      %dma_wait3A_844 = tpu.memref_slice %arg3[%squeeze3A_61, %dma_wait3A_843] : memref<1000000x64xf32, #tpu.memory_space<hbm>> -> memref<1x64xf32, #tpu.memory_space<hbm>>
      %dma_wait3A_845 = arith.constant 4 : i32
      %dma_wait3A_846 = arith.constant 0 : i32
      %dma_wait3A_847 = tpu.memref_slice %arg6[%dma_wait3A_845, %dma_wait3A_846] : memref<64x64xf32, #tpu.memory_space<vmem>> -> memref<1x64xf32, #tpu.memory_space<vmem>>
      %dma_wait3A_848 = arith.constant 0 : i32
      %dma_wait3A_849 = tpu.memref_slice %arg3[%squeeze3A_61, %dma_wait3A_848] : memref<1000000x64xf32, #tpu.memory_space<hbm>> -> memref<1x64xf32, #tpu.memory_space<hbm>>
      tpu.wait_dma2 semaphore(%arg7 : memref<!tpu.dma_semaphore, #tpu.memory_space<semaphore_mem>>) src(%dma_wait3A_849 : memref<1x64xf32, #tpu.memory_space<hbm>>) dst(%dma_wait3A_847 : memref<1x64xf32, #tpu.memory_space<vmem>>)
      %dma_wait3A_850 = arith.constant 5 : i32
      %dma_wait3A_851 = arith.constant 0 : i32
      %dma_wait3A_852 = tpu.memref_slice %arg6[%dma_wait3A_850, %dma_wait3A_851] : memref<64x64xf32, #tpu.memory_space<vmem>> -> memref<1x64xf32, #tpu.memory_space<vmem>>
      %dma_wait3A_853 = arith.constant 0 : i32
      %dma_wait3A_854 = tpu.memref_slice %arg3[%squeeze3A_73, %dma_wait3A_853] : memref<1000000x64xf32, #tpu.memory_space<hbm>> -> memref<1x64xf32, #tpu.memory_space<hbm>>
      %dma_wait3A_855 = arith.constant 5 : i32
      %dma_wait3A_856 = arith.constant 0 : i32
      %dma_wait3A_857 = tpu.memref_slice %arg6[%dma_wait3A_855, %dma_wait3A_856] : memref<64x64xf32, #tpu.memory_space<vmem>> -> memref<1x64xf32, #tpu.memory_space<vmem>>
      %dma_wait3A_858 = arith.constant 0 : i32
      %dma_wait3A_859 = tpu.memref_slice %arg3[%squeeze3A_73, %dma_wait3A_858] : memref<1000000x64xf32, #tpu.memory_space<hbm>> -> memref<1x64xf32, #tpu.memory_space<hbm>>
      tpu.wait_dma2 semaphore(%arg7 : memref<!tpu.dma_semaphore, #tpu.memory_space<semaphore_mem>>) src(%dma_wait3A_859 : memref<1x64xf32, #tpu.memory_space<hbm>>) dst(%dma_wait3A_857 : memref<1x64xf32, #tpu.memory_space<vmem>>)
      %dma_wait3A_860 = arith.constant 6 : i32
      %dma_wait3A_861 = arith.constant 0 : i32
      %dma_wait3A_862 = tpu.memref_slice %arg6[%dma_wait3A_860, %dma_wait3A_861] : memref<64x64xf32, #tpu.memory_space<vmem>> -> memref<1x64xf32, #tpu.memory_space<vmem>>
      %dma_wait3A_863 = arith.constant 0 : i32
      %dma_wait3A_864 = tpu.memref_slice %arg3[%squeeze3A_85, %dma_wait3A_863] : memref<1000000x64xf32, #tpu.memory_space<hbm>> -> memref<1x64xf32, #tpu.memory_space<hbm>>
      %dma_wait3A_865 = arith.constant 6 : i32
      %dma_wait3A_866 = arith.constant 0 : i32
      %dma_wait3A_867 = tpu.memref_slice %arg6[%dma_wait3A_865, %dma_wait3A_866] : memref<64x64xf32, #tpu.memory_space<vmem>> -> memref<1x64xf32, #tpu.memory_space<vmem>>
      %dma_wait3A_868 = arith.constant 0 : i32
      %dma_wait3A_869 = tpu.memref_slice %arg3[%squeeze3A_85, %dma_wait3A_868] : memref<1000000x64xf32, #tpu.memory_space<hbm>> -> memref<1x64xf32, #tpu.memory_space<hbm>>
      tpu.wait_dma2 semaphore(%arg7 : memref<!tpu.dma_semaphore, #tpu.memory_space<semaphore_mem>>) src(%dma_wait3A_869 : memref<1x64xf32, #tpu.memory_space<hbm>>) dst(%dma_wait3A_867 : memref<1x64xf32, #tpu.memory_space<vmem>>)
      %dma_wait3A_870 = arith.constant 7 : i32
      %dma_wait3A_871 = arith.constant 0 : i32
      %dma_wait3A_872 = tpu.memref_slice %arg6[%dma_wait3A_870, %dma_wait3A_871] : memref<64x64xf32, #tpu.memory_space<vmem>> -> memref<1x64xf32, #tpu.memory_space<vmem>>
      %dma_wait3A_873 = arith.constant 0 : i32
      %dma_wait3A_874 = tpu.memref_slice %arg3[%squeeze3A_97, %dma_wait3A_873] : memref<1000000x64xf32, #tpu.memory_space<hbm>> -> memref<1x64xf32, #tpu.memory_space<hbm>>
      %dma_wait3A_875 = arith.constant 7 : i32
      %dma_wait3A_876 = arith.constant 0 : i32
      %dma_wait3A_877 = tpu.memref_slice %arg6[%dma_wait3A_875, %dma_wait3A_876] : memref<64x64xf32, #tpu.memory_space<vmem>> -> memref<1x64xf32, #tpu.memory_space<vmem>>
      %dma_wait3A_878 = arith.constant 0 : i32
      %dma_wait3A_879 = tpu.memref_slice %arg3[%squeeze3A_97, %dma_wait3A_878] : memref<1000000x64xf32, #tpu.memory_space<hbm>> -> memref<1x64xf32, #tpu.memory_space<hbm>>
      tpu.wait_dma2 semaphore(%arg7 : memref<!tpu.dma_semaphore, #tpu.memory_space<semaphore_mem>>) src(%dma_wait3A_879 : memref<1x64xf32, #tpu.memory_space<hbm>>) dst(%dma_wait3A_877 : memref<1x64xf32, #tpu.memory_space<vmem>>)
      %dma_wait3A_880 = arith.constant 8 : i32
      %dma_wait3A_881 = arith.constant 0 : i32
      %dma_wait3A_882 = tpu.memref_slice %arg6[%dma_wait3A_880, %dma_wait3A_881] : memref<64x64xf32, #tpu.memory_space<vmem>> -> memref<1x64xf32, #tpu.memory_space<vmem>>
      %dma_wait3A_883 = arith.constant 0 : i32
      %dma_wait3A_884 = tpu.memref_slice %arg3[%squeeze3A_109, %dma_wait3A_883] : memref<1000000x64xf32, #tpu.memory_space<hbm>> -> memref<1x64xf32, #tpu.memory_space<hbm>>
      %dma_wait3A_885 = arith.constant 8 : i32
      %dma_wait3A_886 = arith.constant 0 : i32
      %dma_wait3A_887 = tpu.memref_slice %arg6[%dma_wait3A_885, %dma_wait3A_886] : memref<64x64xf32, #tpu.memory_space<vmem>> -> memref<1x64xf32, #tpu.memory_space<vmem>>
      %dma_wait3A_888 = arith.constant 0 : i32
      %dma_wait3A_889 = tpu.memref_slice %arg3[%squeeze3A_109, %dma_wait3A_888] : memref<1000000x64xf32, #tpu.memory_space<hbm>> -> memref<1x64xf32, #tpu.memory_space<hbm>>
      tpu.wait_dma2 semaphore(%arg7 : memref<!tpu.dma_semaphore, #tpu.memory_space<semaphore_mem>>) src(%dma_wait3A_889 : memref<1x64xf32, #tpu.memory_space<hbm>>) dst(%dma_wait3A_887 : memref<1x64xf32, #tpu.memory_space<vmem>>)
      %dma_wait3A_890 = arith.constant 9 : i32
      %dma_wait3A_891 = arith.constant 0 : i32
      %dma_wait3A_892 = tpu.memref_slice %arg6[%dma_wait3A_890, %dma_wait3A_891] : memref<64x64xf32, #tpu.memory_space<vmem>> -> memref<1x64xf32, #tpu.memory_space<vmem>>
      %dma_wait3A_893 = arith.constant 0 : i32
      %dma_wait3A_894 = tpu.memref_slice %arg3[%squeeze3A_121, %dma_wait3A_893] : memref<1000000x64xf32, #tpu.memory_space<hbm>> -> memref<1x64xf32, #tpu.memory_space<hbm>>
      %dma_wait3A_895 = arith.constant 9 : i32
      %dma_wait3A_896 = arith.constant 0 : i32
      %dma_wait3A_897 = tpu.memref_slice %arg6[%dma_wait3A_895, %dma_wait3A_896] : memref<64x64xf32, #tpu.memory_space<vmem>> -> memref<1x64xf32, #tpu.memory_space<vmem>>
      %dma_wait3A_898 = arith.constant 0 : i32
      %dma_wait3A_899 = tpu.memref_slice %arg3[%squeeze3A_121, %dma_wait3A_898] : memref<1000000x64xf32, #tpu.memory_space<hbm>> -> memref<1x64xf32, #tpu.memory_space<hbm>>
      tpu.wait_dma2 semaphore(%arg7 : memref<!tpu.dma_semaphore, #tpu.memory_space<semaphore_mem>>) src(%dma_wait3A_899 : memref<1x64xf32, #tpu.memory_space<hbm>>) dst(%dma_wait3A_897 : memref<1x64xf32, #tpu.memory_space<vmem>>)
      %dma_wait3A_900 = arith.constant 10 : i32
      %dma_wait3A_901 = arith.constant 0 : i32
      %dma_wait3A_902 = tpu.memref_slice %arg6[%dma_wait3A_900, %dma_wait3A_901] : memref<64x64xf32, #tpu.memory_space<vmem>> -> memref<1x64xf32, #tpu.memory_space<vmem>>
      %dma_wait3A_903 = arith.constant 0 : i32
      %dma_wait3A_904 = tpu.memref_slice %arg3[%squeeze3A_133, %dma_wait3A_903] : memref<1000000x64xf32, #tpu.memory_space<hbm>> -> memref<1x64xf32, #tpu.memory_space<hbm>>
      %dma_wait3A_905 = arith.constant 10 : i32
      %dma_wait3A_906 = arith.constant 0 : i32
      %dma_wait3A_907 = tpu.memref_slice %arg6[%dma_wait3A_905, %dma_wait3A_906] : memref<64x64xf32, #tpu.memory_space<vmem>> -> memref<1x64xf32, #tpu.memory_space<vmem>>
      %dma_wait3A_908 = arith.constant 0 : i32
      %dma_wait3A_909 = tpu.memref_slice %arg3[%squeeze3A_133, %dma_wait3A_908] : memref<1000000x64xf32, #tpu.memory_space<hbm>> -> memref<1x64xf32, #tpu.memory_space<hbm>>
      tpu.wait_dma2 semaphore(%arg7 : memref<!tpu.dma_semaphore, #tpu.memory_space<semaphore_mem>>) src(%dma_wait3A_909 : memref<1x64xf32, #tpu.memory_space<hbm>>) dst(%dma_wait3A_907 : memref<1x64xf32, #tpu.memory_space<vmem>>)
      %dma_wait3A_910 = arith.constant 11 : i32
      %dma_wait3A_911 = arith.constant 0 : i32
      %dma_wait3A_912 = tpu.memref_slice %arg6[%dma_wait3A_910, %dma_wait3A_911] : memref<64x64xf32, #tpu.memory_space<vmem>> -> memref<1x64xf32, #tpu.memory_space<vmem>>
      %dma_wait3A_913 = arith.constant 0 : i32
      %dma_wait3A_914 = tpu.memref_slice %arg3[%squeeze3A_145, %dma_wait3A_913] : memref<1000000x64xf32, #tpu.memory_space<hbm>> -> memref<1x64xf32, #tpu.memory_space<hbm>>
      %dma_wait3A_915 = arith.constant 11 : i32
      %dma_wait3A_916 = arith.constant 0 : i32
      %dma_wait3A_917 = tpu.memref_slice %arg6[%dma_wait3A_915, %dma_wait3A_916] : memref<64x64xf32, #tpu.memory_space<vmem>> -> memref<1x64xf32, #tpu.memory_space<vmem>>
      %dma_wait3A_918 = arith.constant 0 : i32
      %dma_wait3A_919 = tpu.memref_slice %arg3[%squeeze3A_145, %dma_wait3A_918] : memref<1000000x64xf32, #tpu.memory_space<hbm>> -> memref<1x64xf32, #tpu.memory_space<hbm>>
      tpu.wait_dma2 semaphore(%arg7 : memref<!tpu.dma_semaphore, #tpu.memory_space<semaphore_mem>>) src(%dma_wait3A_919 : memref<1x64xf32, #tpu.memory_space<hbm>>) dst(%dma_wait3A_917 : memref<1x64xf32, #tpu.memory_space<vmem>>)
      %dma_wait3A_920 = arith.constant 12 : i32
      %dma_wait3A_921 = arith.constant 0 : i32
      %dma_wait3A_922 = tpu.memref_slice %arg6[%dma_wait3A_920, %dma_wait3A_921] : memref<64x64xf32, #tpu.memory_space<vmem>> -> memref<1x64xf32, #tpu.memory_space<vmem>>
      %dma_wait3A_923 = arith.constant 0 : i32
      %dma_wait3A_924 = tpu.memref_slice %arg3[%squeeze3A_157, %dma_wait3A_923] : memref<1000000x64xf32, #tpu.memory_space<hbm>> -> memref<1x64xf32, #tpu.memory_space<hbm>>
      %dma_wait3A_925 = arith.constant 12 : i32
      %dma_wait3A_926 = arith.constant 0 : i32
      %dma_wait3A_927 = tpu.memref_slice %arg6[%dma_wait3A_925, %dma_wait3A_926] : memref<64x64xf32, #tpu.memory_space<vmem>> -> memref<1x64xf32, #tpu.memory_space<vmem>>
      %dma_wait3A_928 = arith.constant 0 : i32
      %dma_wait3A_929 = tpu.memref_slice %arg3[%squeeze3A_157, %dma_wait3A_928] : memref<1000000x64xf32, #tpu.memory_space<hbm>> -> memref<1x64xf32, #tpu.memory_space<hbm>>
      tpu.wait_dma2 semaphore(%arg7 : memref<!tpu.dma_semaphore, #tpu.memory_space<semaphore_mem>>) src(%dma_wait3A_929 : memref<1x64xf32, #tpu.memory_space<hbm>>) dst(%dma_wait3A_927 : memref<1x64xf32, #tpu.memory_space<vmem>>)
      %dma_wait3A_930 = arith.constant 13 : i32
      %dma_wait3A_931 = arith.constant 0 : i32
      %dma_wait3A_932 = tpu.memref_slice %arg6[%dma_wait3A_930, %dma_wait3A_931] : memref<64x64xf32, #tpu.memory_space<vmem>> -> memref<1x64xf32, #tpu.memory_space<vmem>>
      %dma_wait3A_933 = arith.constant 0 : i32
      %dma_wait3A_934 = tpu.memref_slice %arg3[%squeeze3A_169, %dma_wait3A_933] : memref<1000000x64xf32, #tpu.memory_space<hbm>> -> memref<1x64xf32, #tpu.memory_space<hbm>>
      %dma_wait3A_935 = arith.constant 13 : i32
      %dma_wait3A_936 = arith.constant 0 : i32
      %dma_wait3A_937 = tpu.memref_slice %arg6[%dma_wait3A_935, %dma_wait3A_936] : memref<64x64xf32, #tpu.memory_space<vmem>> -> memref<1x64xf32, #tpu.memory_space<vmem>>
      %dma_wait3A_938 = arith.constant 0 : i32
      %dma_wait3A_939 = tpu.memref_slice %arg3[%squeeze3A_169, %dma_wait3A_938] : memref<1000000x64xf32, #tpu.memory_space<hbm>> -> memref<1x64xf32, #tpu.memory_space<hbm>>
      tpu.wait_dma2 semaphore(%arg7 : memref<!tpu.dma_semaphore, #tpu.memory_space<semaphore_mem>>) src(%dma_wait3A_939 : memref<1x64xf32, #tpu.memory_space<hbm>>) dst(%dma_wait3A_937 : memref<1x64xf32, #tpu.memory_space<vmem>>)
      %dma_wait3A_940 = arith.constant 14 : i32
      %dma_wait3A_941 = arith.constant 0 : i32
      %dma_wait3A_942 = tpu.memref_slice %arg6[%dma_wait3A_940, %dma_wait3A_941] : memref<64x64xf32, #tpu.memory_space<vmem>> -> memref<1x64xf32, #tpu.memory_space<vmem>>
      %dma_wait3A_943 = arith.constant 0 : i32
      %dma_wait3A_944 = tpu.memref_slice %arg3[%squeeze3A_181, %dma_wait3A_943] : memref<1000000x64xf32, #tpu.memory_space<hbm>> -> memref<1x64xf32, #tpu.memory_space<hbm>>
      %dma_wait3A_945 = arith.constant 14 : i32
      %dma_wait3A_946 = arith.constant 0 : i32
      %dma_wait3A_947 = tpu.memref_slice %arg6[%dma_wait3A_945, %dma_wait3A_946] : memref<64x64xf32, #tpu.memory_space<vmem>> -> memref<1x64xf32, #tpu.memory_space<vmem>>
      %dma_wait3A_948 = arith.constant 0 : i32
      %dma_wait3A_949 = tpu.memref_slice %arg3[%squeeze3A_181, %dma_wait3A_948] : memref<1000000x64xf32, #tpu.memory_space<hbm>> -> memref<1x64xf32, #tpu.memory_space<hbm>>
      tpu.wait_dma2 semaphore(%arg7 : memref<!tpu.dma_semaphore, #tpu.memory_space<semaphore_mem>>) src(%dma_wait3A_949 : memref<1x64xf32, #tpu.memory_space<hbm>>) dst(%dma_wait3A_947 : memref<1x64xf32, #tpu.memory_space<vmem>>)
      %dma_wait3A_950 = arith.constant 15 : i32
      %dma_wait3A_951 = arith.constant 0 : i32
      %dma_wait3A_952 = tpu.memref_slice %arg6[%dma_wait3A_950, %dma_wait3A_951] : memref<64x64xf32, #tpu.memory_space<vmem>> -> memref<1x64xf32, #tpu.memory_space<vmem>>
      %dma_wait3A_953 = arith.constant 0 : i32
      %dma_wait3A_954 = tpu.memref_slice %arg3[%squeeze3A_193, %dma_wait3A_953] : memref<1000000x64xf32, #tpu.memory_space<hbm>> -> memref<1x64xf32, #tpu.memory_space<hbm>>
      %dma_wait3A_955 = arith.constant 15 : i32
      %dma_wait3A_956 = arith.constant 0 : i32
      %dma_wait3A_957 = tpu.memref_slice %arg6[%dma_wait3A_955, %dma_wait3A_956] : memref<64x64xf32, #tpu.memory_space<vmem>> -> memref<1x64xf32, #tpu.memory_space<vmem>>
      %dma_wait3A_958 = arith.constant 0 : i32
      %dma_wait3A_959 = tpu.memref_slice %arg3[%squeeze3A_193, %dma_wait3A_958] : memref<1000000x64xf32, #tpu.memory_space<hbm>> -> memref<1x64xf32, #tpu.memory_space<hbm>>
      tpu.wait_dma2 semaphore(%arg7 : memref<!tpu.dma_semaphore, #tpu.memory_space<semaphore_mem>>) src(%dma_wait3A_959 : memref<1x64xf32, #tpu.memory_space<hbm>>) dst(%dma_wait3A_957 : memref<1x64xf32, #tpu.memory_space<vmem>>)
      %dma_wait3A_960 = arith.constant 16 : i32
      %dma_wait3A_961 = arith.constant 0 : i32
      %dma_wait3A_962 = tpu.memref_slice %arg6[%dma_wait3A_960, %dma_wait3A_961] : memref<64x64xf32, #tpu.memory_space<vmem>> -> memref<1x64xf32, #tpu.memory_space<vmem>>
      %dma_wait3A_963 = arith.constant 0 : i32
      %dma_wait3A_964 = tpu.memref_slice %arg3[%squeeze3A_212, %dma_wait3A_963] : memref<1000000x64xf32, #tpu.memory_space<hbm>> -> memref<1x64xf32, #tpu.memory_space<hbm>>
      %dma_wait3A_965 = arith.constant 16 : i32
      %dma_wait3A_966 = arith.constant 0 : i32
      %dma_wait3A_967 = tpu.memref_slice %arg6[%dma_wait3A_965, %dma_wait3A_966] : memref<64x64xf32, #tpu.memory_space<vmem>> -> memref<1x64xf32, #tpu.memory_space<vmem>>
      %dma_wait3A_968 = arith.constant 0 : i32
      %dma_wait3A_969 = tpu.memref_slice %arg3[%squeeze3A_212, %dma_wait3A_968] : memref<1000000x64xf32, #tpu.memory_space<hbm>> -> memref<1x64xf32, #tpu.memory_space<hbm>>
      tpu.wait_dma2 semaphore(%arg7 : memref<!tpu.dma_semaphore, #tpu.memory_space<semaphore_mem>>) src(%dma_wait3A_969 : memref<1x64xf32, #tpu.memory_space<hbm>>) dst(%dma_wait3A_967 : memref<1x64xf32, #tpu.memory_space<vmem>>)
      %dma_wait3A_970 = arith.constant 17 : i32
      %dma_wait3A_971 = arith.constant 0 : i32
      %dma_wait3A_972 = tpu.memref_slice %arg6[%dma_wait3A_970, %dma_wait3A_971] : memref<64x64xf32, #tpu.memory_space<vmem>> -> memref<1x64xf32, #tpu.memory_space<vmem>>
      %dma_wait3A_973 = arith.constant 0 : i32
      %dma_wait3A_974 = tpu.memref_slice %arg3[%squeeze3A_224, %dma_wait3A_973] : memref<1000000x64xf32, #tpu.memory_space<hbm>> -> memref<1x64xf32, #tpu.memory_space<hbm>>
      %dma_wait3A_975 = arith.constant 17 : i32
      %dma_wait3A_976 = arith.constant 0 : i32
      %dma_wait3A_977 = tpu.memref_slice %arg6[%dma_wait3A_975, %dma_wait3A_976] : memref<64x64xf32, #tpu.memory_space<vmem>> -> memref<1x64xf32, #tpu.memory_space<vmem>>
      %dma_wait3A_978 = arith.constant 0 : i32
      %dma_wait3A_979 = tpu.memref_slice %arg3[%squeeze3A_224, %dma_wait3A_978] : memref<1000000x64xf32, #tpu.memory_space<hbm>> -> memref<1x64xf32, #tpu.memory_space<hbm>>
      tpu.wait_dma2 semaphore(%arg7 : memref<!tpu.dma_semaphore, #tpu.memory_space<semaphore_mem>>) src(%dma_wait3A_979 : memref<1x64xf32, #tpu.memory_space<hbm>>) dst(%dma_wait3A_977 : memref<1x64xf32, #tpu.memory_space<vmem>>)
      %dma_wait3A_980 = arith.constant 18 : i32
      %dma_wait3A_981 = arith.constant 0 : i32
      %dma_wait3A_982 = tpu.memref_slice %arg6[%dma_wait3A_980, %dma_wait3A_981] : memref<64x64xf32, #tpu.memory_space<vmem>> -> memref<1x64xf32, #tpu.memory_space<vmem>>
      %dma_wait3A_983 = arith.constant 0 : i32
      %dma_wait3A_984 = tpu.memref_slice %arg3[%squeeze3A_236, %dma_wait3A_983] : memref<1000000x64xf32, #tpu.memory_space<hbm>> -> memref<1x64xf32, #tpu.memory_space<hbm>>
      %dma_wait3A_985 = arith.constant 18 : i32
      %dma_wait3A_986 = arith.constant 0 : i32
      %dma_wait3A_987 = tpu.memref_slice %arg6[%dma_wait3A_985, %dma_wait3A_986] : memref<64x64xf32, #tpu.memory_space<vmem>> -> memref<1x64xf32, #tpu.memory_space<vmem>>
      %dma_wait3A_988 = arith.constant 0 : i32
      %dma_wait3A_989 = tpu.memref_slice %arg3[%squeeze3A_236, %dma_wait3A_988] : memref<1000000x64xf32, #tpu.memory_space<hbm>> -> memref<1x64xf32, #tpu.memory_space<hbm>>
      tpu.wait_dma2 semaphore(%arg7 : memref<!tpu.dma_semaphore, #tpu.memory_space<semaphore_mem>>) src(%dma_wait3A_989 : memref<1x64xf32, #tpu.memory_space<hbm>>) dst(%dma_wait3A_987 : memref<1x64xf32, #tpu.memory_space<vmem>>)
      %dma_wait3A_990 = arith.constant 19 : i32
      %dma_wait3A_991 = arith.constant 0 : i32
      %dma_wait3A_992 = tpu.memref_slice %arg6[%dma_wait3A_990, %dma_wait3A_991] : memref<64x64xf32, #tpu.memory_space<vmem>> -> memref<1x64xf32, #tpu.memory_space<vmem>>
      %dma_wait3A_993 = arith.constant 0 : i32
      %dma_wait3A_994 = tpu.memref_slice %arg3[%squeeze3A_248, %dma_wait3A_993] : memref<1000000x64xf32, #tpu.memory_space<hbm>> -> memref<1x64xf32, #tpu.memory_space<hbm>>
      %dma_wait3A_995 = arith.constant 19 : i32
      %dma_wait3A_996 = arith.constant 0 : i32
      %dma_wait3A_997 = tpu.memref_slice %arg6[%dma_wait3A_995, %dma_wait3A_996] : memref<64x64xf32, #tpu.memory_space<vmem>> -> memref<1x64xf32, #tpu.memory_space<vmem>>
      %dma_wait3A_998 = arith.constant 0 : i32
      %dma_wait3A_999 = tpu.memref_slice %arg3[%squeeze3A_248, %dma_wait3A_998] : memref<1000000x64xf32, #tpu.memory_space<hbm>> -> memref<1x64xf32, #tpu.memory_space<hbm>>
      tpu.wait_dma2 semaphore(%arg7 : memref<!tpu.dma_semaphore, #tpu.memory_space<semaphore_mem>>) src(%dma_wait3A_999 : memref<1x64xf32, #tpu.memory_space<hbm>>) dst(%dma_wait3A_997 : memref<1x64xf32, #tpu.memory_space<vmem>>)
      %dma_wait3A_1000 = arith.constant 20 : i32
      %dma_wait3A_1001 = arith.constant 0 : i32
      %dma_wait3A_1002 = tpu.memref_slice %arg6[%dma_wait3A_1000, %dma_wait3A_1001] : memref<64x64xf32, #tpu.memory_space<vmem>> -> memref<1x64xf32, #tpu.memory_space<vmem>>
      %dma_wait3A_1003 = arith.constant 0 : i32
      %dma_wait3A_1004 = tpu.memref_slice %arg3[%squeeze3A_260, %dma_wait3A_1003] : memref<1000000x64xf32, #tpu.memory_space<hbm>> -> memref<1x64xf32, #tpu.memory_space<hbm>>
      %dma_wait3A_1005 = arith.constant 20 : i32
      %dma_wait3A_1006 = arith.constant 0 : i32
      %dma_wait3A_1007 = tpu.memref_slice %arg6[%dma_wait3A_1005, %dma_wait3A_1006] : memref<64x64xf32, #tpu.memory_space<vmem>> -> memref<1x64xf32, #tpu.memory_space<vmem>>
      %dma_wait3A_1008 = arith.constant 0 : i32
      %dma_wait3A_1009 = tpu.memref_slice %arg3[%squeeze3A_260, %dma_wait3A_1008] : memref<1000000x64xf32, #tpu.memory_space<hbm>> -> memref<1x64xf32, #tpu.memory_space<hbm>>
      tpu.wait_dma2 semaphore(%arg7 : memref<!tpu.dma_semaphore, #tpu.memory_space<semaphore_mem>>) src(%dma_wait3A_1009 : memref<1x64xf32, #tpu.memory_space<hbm>>) dst(%dma_wait3A_1007 : memref<1x64xf32, #tpu.memory_space<vmem>>)
      %dma_wait3A_1010 = arith.constant 21 : i32
      %dma_wait3A_1011 = arith.constant 0 : i32
      %dma_wait3A_1012 = tpu.memref_slice %arg6[%dma_wait3A_1010, %dma_wait3A_1011] : memref<64x64xf32, #tpu.memory_space<vmem>> -> memref<1x64xf32, #tpu.memory_space<vmem>>
      %dma_wait3A_1013 = arith.constant 0 : i32
      %dma_wait3A_1014 = tpu.memref_slice %arg3[%squeeze3A_272, %dma_wait3A_1013] : memref<1000000x64xf32, #tpu.memory_space<hbm>> -> memref<1x64xf32, #tpu.memory_space<hbm>>
      %dma_wait3A_1015 = arith.constant 21 : i32
      %dma_wait3A_1016 = arith.constant 0 : i32
      %dma_wait3A_1017 = tpu.memref_slice %arg6[%dma_wait3A_1015, %dma_wait3A_1016] : memref<64x64xf32, #tpu.memory_space<vmem>> -> memref<1x64xf32, #tpu.memory_space<vmem>>
      %dma_wait3A_1018 = arith.constant 0 : i32
      %dma_wait3A_1019 = tpu.memref_slice %arg3[%squeeze3A_272, %dma_wait3A_1018] : memref<1000000x64xf32, #tpu.memory_space<hbm>> -> memref<1x64xf32, #tpu.memory_space<hbm>>
      tpu.wait_dma2 semaphore(%arg7 : memref<!tpu.dma_semaphore, #tpu.memory_space<semaphore_mem>>) src(%dma_wait3A_1019 : memref<1x64xf32, #tpu.memory_space<hbm>>) dst(%dma_wait3A_1017 : memref<1x64xf32, #tpu.memory_space<vmem>>)
      %dma_wait3A_1020 = arith.constant 22 : i32
      %dma_wait3A_1021 = arith.constant 0 : i32
      %dma_wait3A_1022 = tpu.memref_slice %arg6[%dma_wait3A_1020, %dma_wait3A_1021] : memref<64x64xf32, #tpu.memory_space<vmem>> -> memref<1x64xf32, #tpu.memory_space<vmem>>
      %dma_wait3A_1023 = arith.constant 0 : i32
      %dma_wait3A_1024 = tpu.memref_slice %arg3[%squeeze3A_284, %dma_wait3A_1023] : memref<1000000x64xf32, #tpu.memory_space<hbm>> -> memref<1x64xf32, #tpu.memory_space<hbm>>
      %dma_wait3A_1025 = arith.constant 22 : i32
      %dma_wait3A_1026 = arith.constant 0 : i32
      %dma_wait3A_1027 = tpu.memref_slice %arg6[%dma_wait3A_1025, %dma_wait3A_1026] : memref<64x64xf32, #tpu.memory_space<vmem>> -> memref<1x64xf32, #tpu.memory_space<vmem>>
      %dma_wait3A_1028 = arith.constant 0 : i32
      %dma_wait3A_1029 = tpu.memref_slice %arg3[%squeeze3A_284, %dma_wait3A_1028] : memref<1000000x64xf32, #tpu.memory_space<hbm>> -> memref<1x64xf32, #tpu.memory_space<hbm>>
      tpu.wait_dma2 semaphore(%arg7 : memref<!tpu.dma_semaphore, #tpu.memory_space<semaphore_mem>>) src(%dma_wait3A_1029 : memref<1x64xf32, #tpu.memory_space<hbm>>) dst(%dma_wait3A_1027 : memref<1x64xf32, #tpu.memory_space<vmem>>)
      %dma_wait3A_1030 = arith.constant 23 : i32
      %dma_wait3A_1031 = arith.constant 0 : i32
      %dma_wait3A_1032 = tpu.memref_slice %arg6[%dma_wait3A_1030, %dma_wait3A_1031] : memref<64x64xf32, #tpu.memory_space<vmem>> -> memref<1x64xf32, #tpu.memory_space<vmem>>
      %dma_wait3A_1033 = arith.constant 0 : i32
      %dma_wait3A_1034 = tpu.memref_slice %arg3[%squeeze3A_296, %dma_wait3A_1033] : memref<1000000x64xf32, #tpu.memory_space<hbm>> -> memref<1x64xf32, #tpu.memory_space<hbm>>
      %dma_wait3A_1035 = arith.constant 23 : i32
      %dma_wait3A_1036 = arith.constant 0 : i32
      %dma_wait3A_1037 = tpu.memref_slice %arg6[%dma_wait3A_1035, %dma_wait3A_1036] : memref<64x64xf32, #tpu.memory_space<vmem>> -> memref<1x64xf32, #tpu.memory_space<vmem>>
      %dma_wait3A_1038 = arith.constant 0 : i32
      %dma_wait3A_1039 = tpu.memref_slice %arg3[%squeeze3A_296, %dma_wait3A_1038] : memref<1000000x64xf32, #tpu.memory_space<hbm>> -> memref<1x64xf32, #tpu.memory_space<hbm>>
      tpu.wait_dma2 semaphore(%arg7 : memref<!tpu.dma_semaphore, #tpu.memory_space<semaphore_mem>>) src(%dma_wait3A_1039 : memref<1x64xf32, #tpu.memory_space<hbm>>) dst(%dma_wait3A_1037 : memref<1x64xf32, #tpu.memory_space<vmem>>)
      %dma_wait3A_1040 = arith.constant 24 : i32
      %dma_wait3A_1041 = arith.constant 0 : i32
      %dma_wait3A_1042 = tpu.memref_slice %arg6[%dma_wait3A_1040, %dma_wait3A_1041] : memref<64x64xf32, #tpu.memory_space<vmem>> -> memref<1x64xf32, #tpu.memory_space<vmem>>
      %dma_wait3A_1043 = arith.constant 0 : i32
      %dma_wait3A_1044 = tpu.memref_slice %arg3[%squeeze3A_308, %dma_wait3A_1043] : memref<1000000x64xf32, #tpu.memory_space<hbm>> -> memref<1x64xf32, #tpu.memory_space<hbm>>
      %dma_wait3A_1045 = arith.constant 24 : i32
      %dma_wait3A_1046 = arith.constant 0 : i32
      %dma_wait3A_1047 = tpu.memref_slice %arg6[%dma_wait3A_1045, %dma_wait3A_1046] : memref<64x64xf32, #tpu.memory_space<vmem>> -> memref<1x64xf32, #tpu.memory_space<vmem>>
      %dma_wait3A_1048 = arith.constant 0 : i32
      %dma_wait3A_1049 = tpu.memref_slice %arg3[%squeeze3A_308, %dma_wait3A_1048] : memref<1000000x64xf32, #tpu.memory_space<hbm>> -> memref<1x64xf32, #tpu.memory_space<hbm>>
      tpu.wait_dma2 semaphore(%arg7 : memref<!tpu.dma_semaphore, #tpu.memory_space<semaphore_mem>>) src(%dma_wait3A_1049 : memref<1x64xf32, #tpu.memory_space<hbm>>) dst(%dma_wait3A_1047 : memref<1x64xf32, #tpu.memory_space<vmem>>)
      %dma_wait3A_1050 = arith.constant 25 : i32
      %dma_wait3A_1051 = arith.constant 0 : i32
      %dma_wait3A_1052 = tpu.memref_slice %arg6[%dma_wait3A_1050, %dma_wait3A_1051] : memref<64x64xf32, #tpu.memory_space<vmem>> -> memref<1x64xf32, #tpu.memory_space<vmem>>
      %dma_wait3A_1053 = arith.constant 0 : i32
      %dma_wait3A_1054 = tpu.memref_slice %arg3[%squeeze3A_320, %dma_wait3A_1053] : memref<1000000x64xf32, #tpu.memory_space<hbm>> -> memref<1x64xf32, #tpu.memory_space<hbm>>
      %dma_wait3A_1055 = arith.constant 25 : i32
      %dma_wait3A_1056 = arith.constant 0 : i32
      %dma_wait3A_1057 = tpu.memref_slice %arg6[%dma_wait3A_1055, %dma_wait3A_1056] : memref<64x64xf32, #tpu.memory_space<vmem>> -> memref<1x64xf32, #tpu.memory_space<vmem>>
      %dma_wait3A_1058 = arith.constant 0 : i32
      %dma_wait3A_1059 = tpu.memref_slice %arg3[%squeeze3A_320, %dma_wait3A_1058] : memref<1000000x64xf32, #tpu.memory_space<hbm>> -> memref<1x64xf32, #tpu.memory_space<hbm>>
      tpu.wait_dma2 semaphore(%arg7 : memref<!tpu.dma_semaphore, #tpu.memory_space<semaphore_mem>>) src(%dma_wait3A_1059 : memref<1x64xf32, #tpu.memory_space<hbm>>) dst(%dma_wait3A_1057 : memref<1x64xf32, #tpu.memory_space<vmem>>)
      %dma_wait3A_1060 = arith.constant 26 : i32
      %dma_wait3A_1061 = arith.constant 0 : i32
      %dma_wait3A_1062 = tpu.memref_slice %arg6[%dma_wait3A_1060, %dma_wait3A_1061] : memref<64x64xf32, #tpu.memory_space<vmem>> -> memref<1x64xf32, #tpu.memory_space<vmem>>
      %dma_wait3A_1063 = arith.constant 0 : i32
      %dma_wait3A_1064 = tpu.memref_slice %arg3[%squeeze3A_332, %dma_wait3A_1063] : memref<1000000x64xf32, #tpu.memory_space<hbm>> -> memref<1x64xf32, #tpu.memory_space<hbm>>
      %dma_wait3A_1065 = arith.constant 26 : i32
      %dma_wait3A_1066 = arith.constant 0 : i32
      %dma_wait3A_1067 = tpu.memref_slice %arg6[%dma_wait3A_1065, %dma_wait3A_1066] : memref<64x64xf32, #tpu.memory_space<vmem>> -> memref<1x64xf32, #tpu.memory_space<vmem>>
      %dma_wait3A_1068 = arith.constant 0 : i32
      %dma_wait3A_1069 = tpu.memref_slice %arg3[%squeeze3A_332, %dma_wait3A_1068] : memref<1000000x64xf32, #tpu.memory_space<hbm>> -> memref<1x64xf32, #tpu.memory_space<hbm>>
      tpu.wait_dma2 semaphore(%arg7 : memref<!tpu.dma_semaphore, #tpu.memory_space<semaphore_mem>>) src(%dma_wait3A_1069 : memref<1x64xf32, #tpu.memory_space<hbm>>) dst(%dma_wait3A_1067 : memref<1x64xf32, #tpu.memory_space<vmem>>)
      %dma_wait3A_1070 = arith.constant 27 : i32
      %dma_wait3A_1071 = arith.constant 0 : i32
      %dma_wait3A_1072 = tpu.memref_slice %arg6[%dma_wait3A_1070, %dma_wait3A_1071] : memref<64x64xf32, #tpu.memory_space<vmem>> -> memref<1x64xf32, #tpu.memory_space<vmem>>
      %dma_wait3A_1073 = arith.constant 0 : i32
      %dma_wait3A_1074 = tpu.memref_slice %arg3[%squeeze3A_344, %dma_wait3A_1073] : memref<1000000x64xf32, #tpu.memory_space<hbm>> -> memref<1x64xf32, #tpu.memory_space<hbm>>
      %dma_wait3A_1075 = arith.constant 27 : i32
      %dma_wait3A_1076 = arith.constant 0 : i32
      %dma_wait3A_1077 = tpu.memref_slice %arg6[%dma_wait3A_1075, %dma_wait3A_1076] : memref<64x64xf32, #tpu.memory_space<vmem>> -> memref<1x64xf32, #tpu.memory_space<vmem>>
      %dma_wait3A_1078 = arith.constant 0 : i32
      %dma_wait3A_1079 = tpu.memref_slice %arg3[%squeeze3A_344, %dma_wait3A_1078] : memref<1000000x64xf32, #tpu.memory_space<hbm>> -> memref<1x64xf32, #tpu.memory_space<hbm>>
      tpu.wait_dma2 semaphore(%arg7 : memref<!tpu.dma_semaphore, #tpu.memory_space<semaphore_mem>>) src(%dma_wait3A_1079 : memref<1x64xf32, #tpu.memory_space<hbm>>) dst(%dma_wait3A_1077 : memref<1x64xf32, #tpu.memory_space<vmem>>)
      %dma_wait3A_1080 = arith.constant 28 : i32
      %dma_wait3A_1081 = arith.constant 0 : i32
      %dma_wait3A_1082 = tpu.memref_slice %arg6[%dma_wait3A_1080, %dma_wait3A_1081] : memref<64x64xf32, #tpu.memory_space<vmem>> -> memref<1x64xf32, #tpu.memory_space<vmem>>
      %dma_wait3A_1083 = arith.constant 0 : i32
      %dma_wait3A_1084 = tpu.memref_slice %arg3[%squeeze3A_356, %dma_wait3A_1083] : memref<1000000x64xf32, #tpu.memory_space<hbm>> -> memref<1x64xf32, #tpu.memory_space<hbm>>
      %dma_wait3A_1085 = arith.constant 28 : i32
      %dma_wait3A_1086 = arith.constant 0 : i32
      %dma_wait3A_1087 = tpu.memref_slice %arg6[%dma_wait3A_1085, %dma_wait3A_1086] : memref<64x64xf32, #tpu.memory_space<vmem>> -> memref<1x64xf32, #tpu.memory_space<vmem>>
      %dma_wait3A_1088 = arith.constant 0 : i32
      %dma_wait3A_1089 = tpu.memref_slice %arg3[%squeeze3A_356, %dma_wait3A_1088] : memref<1000000x64xf32, #tpu.memory_space<hbm>> -> memref<1x64xf32, #tpu.memory_space<hbm>>
      tpu.wait_dma2 semaphore(%arg7 : memref<!tpu.dma_semaphore, #tpu.memory_space<semaphore_mem>>) src(%dma_wait3A_1089 : memref<1x64xf32, #tpu.memory_space<hbm>>) dst(%dma_wait3A_1087 : memref<1x64xf32, #tpu.memory_space<vmem>>)
      %dma_wait3A_1090 = arith.constant 29 : i32
      %dma_wait3A_1091 = arith.constant 0 : i32
      %dma_wait3A_1092 = tpu.memref_slice %arg6[%dma_wait3A_1090, %dma_wait3A_1091] : memref<64x64xf32, #tpu.memory_space<vmem>> -> memref<1x64xf32, #tpu.memory_space<vmem>>
      %dma_wait3A_1093 = arith.constant 0 : i32
      %dma_wait3A_1094 = tpu.memref_slice %arg3[%squeeze3A_368, %dma_wait3A_1093] : memref<1000000x64xf32, #tpu.memory_space<hbm>> -> memref<1x64xf32, #tpu.memory_space<hbm>>
      %dma_wait3A_1095 = arith.constant 29 : i32
      %dma_wait3A_1096 = arith.constant 0 : i32
      %dma_wait3A_1097 = tpu.memref_slice %arg6[%dma_wait3A_1095, %dma_wait3A_1096] : memref<64x64xf32, #tpu.memory_space<vmem>> -> memref<1x64xf32, #tpu.memory_space<vmem>>
      %dma_wait3A_1098 = arith.constant 0 : i32
      %dma_wait3A_1099 = tpu.memref_slice %arg3[%squeeze3A_368, %dma_wait3A_1098] : memref<1000000x64xf32, #tpu.memory_space<hbm>> -> memref<1x64xf32, #tpu.memory_space<hbm>>
      tpu.wait_dma2 semaphore(%arg7 : memref<!tpu.dma_semaphore, #tpu.memory_space<semaphore_mem>>) src(%dma_wait3A_1099 : memref<1x64xf32, #tpu.memory_space<hbm>>) dst(%dma_wait3A_1097 : memref<1x64xf32, #tpu.memory_space<vmem>>)
      %dma_wait3A_1100 = arith.constant 30 : i32
      %dma_wait3A_1101 = arith.constant 0 : i32
      %dma_wait3A_1102 = tpu.memref_slice %arg6[%dma_wait3A_1100, %dma_wait3A_1101] : memref<64x64xf32, #tpu.memory_space<vmem>> -> memref<1x64xf32, #tpu.memory_space<vmem>>
      %dma_wait3A_1103 = arith.constant 0 : i32
      %dma_wait3A_1104 = tpu.memref_slice %arg3[%squeeze3A_380, %dma_wait3A_1103] : memref<1000000x64xf32, #tpu.memory_space<hbm>> -> memref<1x64xf32, #tpu.memory_space<hbm>>
      %dma_wait3A_1105 = arith.constant 30 : i32
      %dma_wait3A_1106 = arith.constant 0 : i32
      %dma_wait3A_1107 = tpu.memref_slice %arg6[%dma_wait3A_1105, %dma_wait3A_1106] : memref<64x64xf32, #tpu.memory_space<vmem>> -> memref<1x64xf32, #tpu.memory_space<vmem>>
      %dma_wait3A_1108 = arith.constant 0 : i32
      %dma_wait3A_1109 = tpu.memref_slice %arg3[%squeeze3A_380, %dma_wait3A_1108] : memref<1000000x64xf32, #tpu.memory_space<hbm>> -> memref<1x64xf32, #tpu.memory_space<hbm>>
      tpu.wait_dma2 semaphore(%arg7 : memref<!tpu.dma_semaphore, #tpu.memory_space<semaphore_mem>>) src(%dma_wait3A_1109 : memref<1x64xf32, #tpu.memory_space<hbm>>) dst(%dma_wait3A_1107 : memref<1x64xf32, #tpu.memory_space<vmem>>)
      %dma_wait3A_1110 = arith.constant 31 : i32
      %dma_wait3A_1111 = arith.constant 0 : i32
      %dma_wait3A_1112 = tpu.memref_slice %arg6[%dma_wait3A_1110, %dma_wait3A_1111] : memref<64x64xf32, #tpu.memory_space<vmem>> -> memref<1x64xf32, #tpu.memory_space<vmem>>
      %dma_wait3A_1113 = arith.constant 0 : i32
      %dma_wait3A_1114 = tpu.memref_slice %arg3[%squeeze3A_392, %dma_wait3A_1113] : memref<1000000x64xf32, #tpu.memory_space<hbm>> -> memref<1x64xf32, #tpu.memory_space<hbm>>
      %dma_wait3A_1115 = arith.constant 31 : i32
      %dma_wait3A_1116 = arith.constant 0 : i32
      %dma_wait3A_1117 = tpu.memref_slice %arg6[%dma_wait3A_1115, %dma_wait3A_1116] : memref<64x64xf32, #tpu.memory_space<vmem>> -> memref<1x64xf32, #tpu.memory_space<vmem>>
      %dma_wait3A_1118 = arith.constant 0 : i32
      %dma_wait3A_1119 = tpu.memref_slice %arg3[%squeeze3A_392, %dma_wait3A_1118] : memref<1000000x64xf32, #tpu.memory_space<hbm>> -> memref<1x64xf32, #tpu.memory_space<hbm>>
      tpu.wait_dma2 semaphore(%arg7 : memref<!tpu.dma_semaphore, #tpu.memory_space<semaphore_mem>>) src(%dma_wait3A_1119 : memref<1x64xf32, #tpu.memory_space<hbm>>) dst(%dma_wait3A_1117 : memref<1x64xf32, #tpu.memory_space<vmem>>)
      %dma_wait3A_1120 = arith.constant 32 : i32
      %dma_wait3A_1121 = arith.constant 0 : i32
      %dma_wait3A_1122 = tpu.memref_slice %arg6[%dma_wait3A_1120, %dma_wait3A_1121] : memref<64x64xf32, #tpu.memory_space<vmem>> -> memref<1x64xf32, #tpu.memory_space<vmem>>
      %dma_wait3A_1123 = arith.constant 0 : i32
      %dma_wait3A_1124 = tpu.memref_slice %arg3[%squeeze3A_411, %dma_wait3A_1123] : memref<1000000x64xf32, #tpu.memory_space<hbm>> -> memref<1x64xf32, #tpu.memory_space<hbm>>
      %dma_wait3A_1125 = arith.constant 32 : i32
      %dma_wait3A_1126 = arith.constant 0 : i32
      %dma_wait3A_1127 = tpu.memref_slice %arg6[%dma_wait3A_1125, %dma_wait3A_1126] : memref<64x64xf32, #tpu.memory_space<vmem>> -> memref<1x64xf32, #tpu.memory_space<vmem>>
      %dma_wait3A_1128 = arith.constant 0 : i32
      %dma_wait3A_1129 = tpu.memref_slice %arg3[%squeeze3A_411, %dma_wait3A_1128] : memref<1000000x64xf32, #tpu.memory_space<hbm>> -> memref<1x64xf32, #tpu.memory_space<hbm>>
      tpu.wait_dma2 semaphore(%arg7 : memref<!tpu.dma_semaphore, #tpu.memory_space<semaphore_mem>>) src(%dma_wait3A_1129 : memref<1x64xf32, #tpu.memory_space<hbm>>) dst(%dma_wait3A_1127 : memref<1x64xf32, #tpu.memory_space<vmem>>)
      %dma_wait3A_1130 = arith.constant 33 : i32
      %dma_wait3A_1131 = arith.constant 0 : i32
      %dma_wait3A_1132 = tpu.memref_slice %arg6[%dma_wait3A_1130, %dma_wait3A_1131] : memref<64x64xf32, #tpu.memory_space<vmem>> -> memref<1x64xf32, #tpu.memory_space<vmem>>
      %dma_wait3A_1133 = arith.constant 0 : i32
      %dma_wait3A_1134 = tpu.memref_slice %arg3[%squeeze3A_423, %dma_wait3A_1133] : memref<1000000x64xf32, #tpu.memory_space<hbm>> -> memref<1x64xf32, #tpu.memory_space<hbm>>
      %dma_wait3A_1135 = arith.constant 33 : i32
      %dma_wait3A_1136 = arith.constant 0 : i32
      %dma_wait3A_1137 = tpu.memref_slice %arg6[%dma_wait3A_1135, %dma_wait3A_1136] : memref<64x64xf32, #tpu.memory_space<vmem>> -> memref<1x64xf32, #tpu.memory_space<vmem>>
      %dma_wait3A_1138 = arith.constant 0 : i32
      %dma_wait3A_1139 = tpu.memref_slice %arg3[%squeeze3A_423, %dma_wait3A_1138] : memref<1000000x64xf32, #tpu.memory_space<hbm>> -> memref<1x64xf32, #tpu.memory_space<hbm>>
      tpu.wait_dma2 semaphore(%arg7 : memref<!tpu.dma_semaphore, #tpu.memory_space<semaphore_mem>>) src(%dma_wait3A_1139 : memref<1x64xf32, #tpu.memory_space<hbm>>) dst(%dma_wait3A_1137 : memref<1x64xf32, #tpu.memory_space<vmem>>)
      %dma_wait3A_1140 = arith.constant 34 : i32
      %dma_wait3A_1141 = arith.constant 0 : i32
      %dma_wait3A_1142 = tpu.memref_slice %arg6[%dma_wait3A_1140, %dma_wait3A_1141] : memref<64x64xf32, #tpu.memory_space<vmem>> -> memref<1x64xf32, #tpu.memory_space<vmem>>
      %dma_wait3A_1143 = arith.constant 0 : i32
      %dma_wait3A_1144 = tpu.memref_slice %arg3[%squeeze3A_435, %dma_wait3A_1143] : memref<1000000x64xf32, #tpu.memory_space<hbm>> -> memref<1x64xf32, #tpu.memory_space<hbm>>
      %dma_wait3A_1145 = arith.constant 34 : i32
      %dma_wait3A_1146 = arith.constant 0 : i32
      %dma_wait3A_1147 = tpu.memref_slice %arg6[%dma_wait3A_1145, %dma_wait3A_1146] : memref<64x64xf32, #tpu.memory_space<vmem>> -> memref<1x64xf32, #tpu.memory_space<vmem>>
      %dma_wait3A_1148 = arith.constant 0 : i32
      %dma_wait3A_1149 = tpu.memref_slice %arg3[%squeeze3A_435, %dma_wait3A_1148] : memref<1000000x64xf32, #tpu.memory_space<hbm>> -> memref<1x64xf32, #tpu.memory_space<hbm>>
      tpu.wait_dma2 semaphore(%arg7 : memref<!tpu.dma_semaphore, #tpu.memory_space<semaphore_mem>>) src(%dma_wait3A_1149 : memref<1x64xf32, #tpu.memory_space<hbm>>) dst(%dma_wait3A_1147 : memref<1x64xf32, #tpu.memory_space<vmem>>)
      %dma_wait3A_1150 = arith.constant 35 : i32
      %dma_wait3A_1151 = arith.constant 0 : i32
      %dma_wait3A_1152 = tpu.memref_slice %arg6[%dma_wait3A_1150, %dma_wait3A_1151] : memref<64x64xf32, #tpu.memory_space<vmem>> -> memref<1x64xf32, #tpu.memory_space<vmem>>
      %dma_wait3A_1153 = arith.constant 0 : i32
      %dma_wait3A_1154 = tpu.memref_slice %arg3[%squeeze3A_447, %dma_wait3A_1153] : memref<1000000x64xf32, #tpu.memory_space<hbm>> -> memref<1x64xf32, #tpu.memory_space<hbm>>
      %dma_wait3A_1155 = arith.constant 35 : i32
      %dma_wait3A_1156 = arith.constant 0 : i32
      %dma_wait3A_1157 = tpu.memref_slice %arg6[%dma_wait3A_1155, %dma_wait3A_1156] : memref<64x64xf32, #tpu.memory_space<vmem>> -> memref<1x64xf32, #tpu.memory_space<vmem>>
      %dma_wait3A_1158 = arith.constant 0 : i32
      %dma_wait3A_1159 = tpu.memref_slice %arg3[%squeeze3A_447, %dma_wait3A_1158] : memref<1000000x64xf32, #tpu.memory_space<hbm>> -> memref<1x64xf32, #tpu.memory_space<hbm>>
      tpu.wait_dma2 semaphore(%arg7 : memref<!tpu.dma_semaphore, #tpu.memory_space<semaphore_mem>>) src(%dma_wait3A_1159 : memref<1x64xf32, #tpu.memory_space<hbm>>) dst(%dma_wait3A_1157 : memref<1x64xf32, #tpu.memory_space<vmem>>)
      %dma_wait3A_1160 = arith.constant 36 : i32
      %dma_wait3A_1161 = arith.constant 0 : i32
      %dma_wait3A_1162 = tpu.memref_slice %arg6[%dma_wait3A_1160, %dma_wait3A_1161] : memref<64x64xf32, #tpu.memory_space<vmem>> -> memref<1x64xf32, #tpu.memory_space<vmem>>
      %dma_wait3A_1163 = arith.constant 0 : i32
      %dma_wait3A_1164 = tpu.memref_slice %arg3[%squeeze3A_459, %dma_wait3A_1163] : memref<1000000x64xf32, #tpu.memory_space<hbm>> -> memref<1x64xf32, #tpu.memory_space<hbm>>
      %dma_wait3A_1165 = arith.constant 36 : i32
      %dma_wait3A_1166 = arith.constant 0 : i32
      %dma_wait3A_1167 = tpu.memref_slice %arg6[%dma_wait3A_1165, %dma_wait3A_1166] : memref<64x64xf32, #tpu.memory_space<vmem>> -> memref<1x64xf32, #tpu.memory_space<vmem>>
      %dma_wait3A_1168 = arith.constant 0 : i32
      %dma_wait3A_1169 = tpu.memref_slice %arg3[%squeeze3A_459, %dma_wait3A_1168] : memref<1000000x64xf32, #tpu.memory_space<hbm>> -> memref<1x64xf32, #tpu.memory_space<hbm>>
      tpu.wait_dma2 semaphore(%arg7 : memref<!tpu.dma_semaphore, #tpu.memory_space<semaphore_mem>>) src(%dma_wait3A_1169 : memref<1x64xf32, #tpu.memory_space<hbm>>) dst(%dma_wait3A_1167 : memref<1x64xf32, #tpu.memory_space<vmem>>)
      %dma_wait3A_1170 = arith.constant 37 : i32
      %dma_wait3A_1171 = arith.constant 0 : i32
      %dma_wait3A_1172 = tpu.memref_slice %arg6[%dma_wait3A_1170, %dma_wait3A_1171] : memref<64x64xf32, #tpu.memory_space<vmem>> -> memref<1x64xf32, #tpu.memory_space<vmem>>
      %dma_wait3A_1173 = arith.constant 0 : i32
      %dma_wait3A_1174 = tpu.memref_slice %arg3[%squeeze3A_471, %dma_wait3A_1173] : memref<1000000x64xf32, #tpu.memory_space<hbm>> -> memref<1x64xf32, #tpu.memory_space<hbm>>
      %dma_wait3A_1175 = arith.constant 37 : i32
      %dma_wait3A_1176 = arith.constant 0 : i32
      %dma_wait3A_1177 = tpu.memref_slice %arg6[%dma_wait3A_1175, %dma_wait3A_1176] : memref<64x64xf32, #tpu.memory_space<vmem>> -> memref<1x64xf32, #tpu.memory_space<vmem>>
      %dma_wait3A_1178 = arith.constant 0 : i32
      %dma_wait3A_1179 = tpu.memref_slice %arg3[%squeeze3A_471, %dma_wait3A_1178] : memref<1000000x64xf32, #tpu.memory_space<hbm>> -> memref<1x64xf32, #tpu.memory_space<hbm>>
      tpu.wait_dma2 semaphore(%arg7 : memref<!tpu.dma_semaphore, #tpu.memory_space<semaphore_mem>>) src(%dma_wait3A_1179 : memref<1x64xf32, #tpu.memory_space<hbm>>) dst(%dma_wait3A_1177 : memref<1x64xf32, #tpu.memory_space<vmem>>)
      %dma_wait3A_1180 = arith.constant 38 : i32
      %dma_wait3A_1181 = arith.constant 0 : i32
      %dma_wait3A_1182 = tpu.memref_slice %arg6[%dma_wait3A_1180, %dma_wait3A_1181] : memref<64x64xf32, #tpu.memory_space<vmem>> -> memref<1x64xf32, #tpu.memory_space<vmem>>
      %dma_wait3A_1183 = arith.constant 0 : i32
      %dma_wait3A_1184 = tpu.memref_slice %arg3[%squeeze3A_483, %dma_wait3A_1183] : memref<1000000x64xf32, #tpu.memory_space<hbm>> -> memref<1x64xf32, #tpu.memory_space<hbm>>
      %dma_wait3A_1185 = arith.constant 38 : i32
      %dma_wait3A_1186 = arith.constant 0 : i32
      %dma_wait3A_1187 = tpu.memref_slice %arg6[%dma_wait3A_1185, %dma_wait3A_1186] : memref<64x64xf32, #tpu.memory_space<vmem>> -> memref<1x64xf32, #tpu.memory_space<vmem>>
      %dma_wait3A_1188 = arith.constant 0 : i32
      %dma_wait3A_1189 = tpu.memref_slice %arg3[%squeeze3A_483, %dma_wait3A_1188] : memref<1000000x64xf32, #tpu.memory_space<hbm>> -> memref<1x64xf32, #tpu.memory_space<hbm>>
      tpu.wait_dma2 semaphore(%arg7 : memref<!tpu.dma_semaphore, #tpu.memory_space<semaphore_mem>>) src(%dma_wait3A_1189 : memref<1x64xf32, #tpu.memory_space<hbm>>) dst(%dma_wait3A_1187 : memref<1x64xf32, #tpu.memory_space<vmem>>)
      %dma_wait3A_1190 = arith.constant 39 : i32
      %dma_wait3A_1191 = arith.constant 0 : i32
      %dma_wait3A_1192 = tpu.memref_slice %arg6[%dma_wait3A_1190, %dma_wait3A_1191] : memref<64x64xf32, #tpu.memory_space<vmem>> -> memref<1x64xf32, #tpu.memory_space<vmem>>
      %dma_wait3A_1193 = arith.constant 0 : i32
      %dma_wait3A_1194 = tpu.memref_slice %arg3[%squeeze3A_495, %dma_wait3A_1193] : memref<1000000x64xf32, #tpu.memory_space<hbm>> -> memref<1x64xf32, #tpu.memory_space<hbm>>
      %dma_wait3A_1195 = arith.constant 39 : i32
      %dma_wait3A_1196 = arith.constant 0 : i32
      %dma_wait3A_1197 = tpu.memref_slice %arg6[%dma_wait3A_1195, %dma_wait3A_1196] : memref<64x64xf32, #tpu.memory_space<vmem>> -> memref<1x64xf32, #tpu.memory_space<vmem>>
      %dma_wait3A_1198 = arith.constant 0 : i32
      %dma_wait3A_1199 = tpu.memref_slice %arg3[%squeeze3A_495, %dma_wait3A_1198] : memref<1000000x64xf32, #tpu.memory_space<hbm>> -> memref<1x64xf32, #tpu.memory_space<hbm>>
      tpu.wait_dma2 semaphore(%arg7 : memref<!tpu.dma_semaphore, #tpu.memory_space<semaphore_mem>>) src(%dma_wait3A_1199 : memref<1x64xf32, #tpu.memory_space<hbm>>) dst(%dma_wait3A_1197 : memref<1x64xf32, #tpu.memory_space<vmem>>)
      %dma_wait3A_1200 = arith.constant 40 : i32
      %dma_wait3A_1201 = arith.constant 0 : i32
      %dma_wait3A_1202 = tpu.memref_slice %arg6[%dma_wait3A_1200, %dma_wait3A_1201] : memref<64x64xf32, #tpu.memory_space<vmem>> -> memref<1x64xf32, #tpu.memory_space<vmem>>
      %dma_wait3A_1203 = arith.constant 0 : i32
      %dma_wait3A_1204 = tpu.memref_slice %arg3[%squeeze3A_507, %dma_wait3A_1203] : memref<1000000x64xf32, #tpu.memory_space<hbm>> -> memref<1x64xf32, #tpu.memory_space<hbm>>
      %dma_wait3A_1205 = arith.constant 40 : i32
      %dma_wait3A_1206 = arith.constant 0 : i32
      %dma_wait3A_1207 = tpu.memref_slice %arg6[%dma_wait3A_1205, %dma_wait3A_1206] : memref<64x64xf32, #tpu.memory_space<vmem>> -> memref<1x64xf32, #tpu.memory_space<vmem>>
      %dma_wait3A_1208 = arith.constant 0 : i32
      %dma_wait3A_1209 = tpu.memref_slice %arg3[%squeeze3A_507, %dma_wait3A_1208] : memref<1000000x64xf32, #tpu.memory_space<hbm>> -> memref<1x64xf32, #tpu.memory_space<hbm>>
      tpu.wait_dma2 semaphore(%arg7 : memref<!tpu.dma_semaphore, #tpu.memory_space<semaphore_mem>>) src(%dma_wait3A_1209 : memref<1x64xf32, #tpu.memory_space<hbm>>) dst(%dma_wait3A_1207 : memref<1x64xf32, #tpu.memory_space<vmem>>)
      %dma_wait3A_1210 = arith.constant 41 : i32
      %dma_wait3A_1211 = arith.constant 0 : i32
      %dma_wait3A_1212 = tpu.memref_slice %arg6[%dma_wait3A_1210, %dma_wait3A_1211] : memref<64x64xf32, #tpu.memory_space<vmem>> -> memref<1x64xf32, #tpu.memory_space<vmem>>
      %dma_wait3A_1213 = arith.constant 0 : i32
      %dma_wait3A_1214 = tpu.memref_slice %arg3[%squeeze3A_519, %dma_wait3A_1213] : memref<1000000x64xf32, #tpu.memory_space<hbm>> -> memref<1x64xf32, #tpu.memory_space<hbm>>
      %dma_wait3A_1215 = arith.constant 41 : i32
      %dma_wait3A_1216 = arith.constant 0 : i32
      %dma_wait3A_1217 = tpu.memref_slice %arg6[%dma_wait3A_1215, %dma_wait3A_1216] : memref<64x64xf32, #tpu.memory_space<vmem>> -> memref<1x64xf32, #tpu.memory_space<vmem>>
      %dma_wait3A_1218 = arith.constant 0 : i32
      %dma_wait3A_1219 = tpu.memref_slice %arg3[%squeeze3A_519, %dma_wait3A_1218] : memref<1000000x64xf32, #tpu.memory_space<hbm>> -> memref<1x64xf32, #tpu.memory_space<hbm>>
      tpu.wait_dma2 semaphore(%arg7 : memref<!tpu.dma_semaphore, #tpu.memory_space<semaphore_mem>>) src(%dma_wait3A_1219 : memref<1x64xf32, #tpu.memory_space<hbm>>) dst(%dma_wait3A_1217 : memref<1x64xf32, #tpu.memory_space<vmem>>)
      %dma_wait3A_1220 = arith.constant 42 : i32
      %dma_wait3A_1221 = arith.constant 0 : i32
      %dma_wait3A_1222 = tpu.memref_slice %arg6[%dma_wait3A_1220, %dma_wait3A_1221] : memref<64x64xf32, #tpu.memory_space<vmem>> -> memref<1x64xf32, #tpu.memory_space<vmem>>
      %dma_wait3A_1223 = arith.constant 0 : i32
      %dma_wait3A_1224 = tpu.memref_slice %arg3[%squeeze3A_531, %dma_wait3A_1223] : memref<1000000x64xf32, #tpu.memory_space<hbm>> -> memref<1x64xf32, #tpu.memory_space<hbm>>
      %dma_wait3A_1225 = arith.constant 42 : i32
      %dma_wait3A_1226 = arith.constant 0 : i32
      %dma_wait3A_1227 = tpu.memref_slice %arg6[%dma_wait3A_1225, %dma_wait3A_1226] : memref<64x64xf32, #tpu.memory_space<vmem>> -> memref<1x64xf32, #tpu.memory_space<vmem>>
      %dma_wait3A_1228 = arith.constant 0 : i32
      %dma_wait3A_1229 = tpu.memref_slice %arg3[%squeeze3A_531, %dma_wait3A_1228] : memref<1000000x64xf32, #tpu.memory_space<hbm>> -> memref<1x64xf32, #tpu.memory_space<hbm>>
      tpu.wait_dma2 semaphore(%arg7 : memref<!tpu.dma_semaphore, #tpu.memory_space<semaphore_mem>>) src(%dma_wait3A_1229 : memref<1x64xf32, #tpu.memory_space<hbm>>) dst(%dma_wait3A_1227 : memref<1x64xf32, #tpu.memory_space<vmem>>)
      %dma_wait3A_1230 = arith.constant 43 : i32
      %dma_wait3A_1231 = arith.constant 0 : i32
      %dma_wait3A_1232 = tpu.memref_slice %arg6[%dma_wait3A_1230, %dma_wait3A_1231] : memref<64x64xf32, #tpu.memory_space<vmem>> -> memref<1x64xf32, #tpu.memory_space<vmem>>
      %dma_wait3A_1233 = arith.constant 0 : i32
      %dma_wait3A_1234 = tpu.memref_slice %arg3[%squeeze3A_543, %dma_wait3A_1233] : memref<1000000x64xf32, #tpu.memory_space<hbm>> -> memref<1x64xf32, #tpu.memory_space<hbm>>
      %dma_wait3A_1235 = arith.constant 43 : i32
      %dma_wait3A_1236 = arith.constant 0 : i32
      %dma_wait3A_1237 = tpu.memref_slice %arg6[%dma_wait3A_1235, %dma_wait3A_1236] : memref<64x64xf32, #tpu.memory_space<vmem>> -> memref<1x64xf32, #tpu.memory_space<vmem>>
      %dma_wait3A_1238 = arith.constant 0 : i32
      %dma_wait3A_1239 = tpu.memref_slice %arg3[%squeeze3A_543, %dma_wait3A_1238] : memref<1000000x64xf32, #tpu.memory_space<hbm>> -> memref<1x64xf32, #tpu.memory_space<hbm>>
      tpu.wait_dma2 semaphore(%arg7 : memref<!tpu.dma_semaphore, #tpu.memory_space<semaphore_mem>>) src(%dma_wait3A_1239 : memref<1x64xf32, #tpu.memory_space<hbm>>) dst(%dma_wait3A_1237 : memref<1x64xf32, #tpu.memory_space<vmem>>)
      %dma_wait3A_1240 = arith.constant 44 : i32
      %dma_wait3A_1241 = arith.constant 0 : i32
      %dma_wait3A_1242 = tpu.memref_slice %arg6[%dma_wait3A_1240, %dma_wait3A_1241] : memref<64x64xf32, #tpu.memory_space<vmem>> -> memref<1x64xf32, #tpu.memory_space<vmem>>
      %dma_wait3A_1243 = arith.constant 0 : i32
      %dma_wait3A_1244 = tpu.memref_slice %arg3[%squeeze3A_555, %dma_wait3A_1243] : memref<1000000x64xf32, #tpu.memory_space<hbm>> -> memref<1x64xf32, #tpu.memory_space<hbm>>
      %dma_wait3A_1245 = arith.constant 44 : i32
      %dma_wait3A_1246 = arith.constant 0 : i32
      %dma_wait3A_1247 = tpu.memref_slice %arg6[%dma_wait3A_1245, %dma_wait3A_1246] : memref<64x64xf32, #tpu.memory_space<vmem>> -> memref<1x64xf32, #tpu.memory_space<vmem>>
      %dma_wait3A_1248 = arith.constant 0 : i32
      %dma_wait3A_1249 = tpu.memref_slice %arg3[%squeeze3A_555, %dma_wait3A_1248] : memref<1000000x64xf32, #tpu.memory_space<hbm>> -> memref<1x64xf32, #tpu.memory_space<hbm>>
      tpu.wait_dma2 semaphore(%arg7 : memref<!tpu.dma_semaphore, #tpu.memory_space<semaphore_mem>>) src(%dma_wait3A_1249 : memref<1x64xf32, #tpu.memory_space<hbm>>) dst(%dma_wait3A_1247 : memref<1x64xf32, #tpu.memory_space<vmem>>)
      %dma_wait3A_1250 = arith.constant 45 : i32
      %dma_wait3A_1251 = arith.constant 0 : i32
      %dma_wait3A_1252 = tpu.memref_slice %arg6[%dma_wait3A_1250, %dma_wait3A_1251] : memref<64x64xf32, #tpu.memory_space<vmem>> -> memref<1x64xf32, #tpu.memory_space<vmem>>
      %dma_wait3A_1253 = arith.constant 0 : i32
      %dma_wait3A_1254 = tpu.memref_slice %arg3[%squeeze3A_567, %dma_wait3A_1253] : memref<1000000x64xf32, #tpu.memory_space<hbm>> -> memref<1x64xf32, #tpu.memory_space<hbm>>
      %dma_wait3A_1255 = arith.constant 45 : i32
      %dma_wait3A_1256 = arith.constant 0 : i32
      %dma_wait3A_1257 = tpu.memref_slice %arg6[%dma_wait3A_1255, %dma_wait3A_1256] : memref<64x64xf32, #tpu.memory_space<vmem>> -> memref<1x64xf32, #tpu.memory_space<vmem>>
      %dma_wait3A_1258 = arith.constant 0 : i32
      %dma_wait3A_1259 = tpu.memref_slice %arg3[%squeeze3A_567, %dma_wait3A_1258] : memref<1000000x64xf32, #tpu.memory_space<hbm>> -> memref<1x64xf32, #tpu.memory_space<hbm>>
      tpu.wait_dma2 semaphore(%arg7 : memref<!tpu.dma_semaphore, #tpu.memory_space<semaphore_mem>>) src(%dma_wait3A_1259 : memref<1x64xf32, #tpu.memory_space<hbm>>) dst(%dma_wait3A_1257 : memref<1x64xf32, #tpu.memory_space<vmem>>)
      %dma_wait3A_1260 = arith.constant 46 : i32
      %dma_wait3A_1261 = arith.constant 0 : i32
      %dma_wait3A_1262 = tpu.memref_slice %arg6[%dma_wait3A_1260, %dma_wait3A_1261] : memref<64x64xf32, #tpu.memory_space<vmem>> -> memref<1x64xf32, #tpu.memory_space<vmem>>
      %dma_wait3A_1263 = arith.constant 0 : i32
      %dma_wait3A_1264 = tpu.memref_slice %arg3[%squeeze3A_579, %dma_wait3A_1263] : memref<1000000x64xf32, #tpu.memory_space<hbm>> -> memref<1x64xf32, #tpu.memory_space<hbm>>
      %dma_wait3A_1265 = arith.constant 46 : i32
      %dma_wait3A_1266 = arith.constant 0 : i32
      %dma_wait3A_1267 = tpu.memref_slice %arg6[%dma_wait3A_1265, %dma_wait3A_1266] : memref<64x64xf32, #tpu.memory_space<vmem>> -> memref<1x64xf32, #tpu.memory_space<vmem>>
      %dma_wait3A_1268 = arith.constant 0 : i32
      %dma_wait3A_1269 = tpu.memref_slice %arg3[%squeeze3A_579, %dma_wait3A_1268] : memref<1000000x64xf32, #tpu.memory_space<hbm>> -> memref<1x64xf32, #tpu.memory_space<hbm>>
      tpu.wait_dma2 semaphore(%arg7 : memref<!tpu.dma_semaphore, #tpu.memory_space<semaphore_mem>>) src(%dma_wait3A_1269 : memref<1x64xf32, #tpu.memory_space<hbm>>) dst(%dma_wait3A_1267 : memref<1x64xf32, #tpu.memory_space<vmem>>)
      %dma_wait3A_1270 = arith.constant 47 : i32
      %dma_wait3A_1271 = arith.constant 0 : i32
      %dma_wait3A_1272 = tpu.memref_slice %arg6[%dma_wait3A_1270, %dma_wait3A_1271] : memref<64x64xf32, #tpu.memory_space<vmem>> -> memref<1x64xf32, #tpu.memory_space<vmem>>
      %dma_wait3A_1273 = arith.constant 0 : i32
      %dma_wait3A_1274 = tpu.memref_slice %arg3[%squeeze3A_591, %dma_wait3A_1273] : memref<1000000x64xf32, #tpu.memory_space<hbm>> -> memref<1x64xf32, #tpu.memory_space<hbm>>
      %dma_wait3A_1275 = arith.constant 47 : i32
      %dma_wait3A_1276 = arith.constant 0 : i32
      %dma_wait3A_1277 = tpu.memref_slice %arg6[%dma_wait3A_1275, %dma_wait3A_1276] : memref<64x64xf32, #tpu.memory_space<vmem>> -> memref<1x64xf32, #tpu.memory_space<vmem>>
      %dma_wait3A_1278 = arith.constant 0 : i32
      %dma_wait3A_1279 = tpu.memref_slice %arg3[%squeeze3A_591, %dma_wait3A_1278] : memref<1000000x64xf32, #tpu.memory_space<hbm>> -> memref<1x64xf32, #tpu.memory_space<hbm>>
      tpu.wait_dma2 semaphore(%arg7 : memref<!tpu.dma_semaphore, #tpu.memory_space<semaphore_mem>>) src(%dma_wait3A_1279 : memref<1x64xf32, #tpu.memory_space<hbm>>) dst(%dma_wait3A_1277 : memref<1x64xf32, #tpu.memory_space<vmem>>)
      %dma_wait3A_1280 = arith.constant 48 : i32
      %dma_wait3A_1281 = arith.constant 0 : i32
      %dma_wait3A_1282 = tpu.memref_slice %arg6[%dma_wait3A_1280, %dma_wait3A_1281] : memref<64x64xf32, #tpu.memory_space<vmem>> -> memref<1x64xf32, #tpu.memory_space<vmem>>
      %dma_wait3A_1283 = arith.constant 0 : i32
      %dma_wait3A_1284 = tpu.memref_slice %arg3[%squeeze3A_610, %dma_wait3A_1283] : memref<1000000x64xf32, #tpu.memory_space<hbm>> -> memref<1x64xf32, #tpu.memory_space<hbm>>
      %dma_wait3A_1285 = arith.constant 48 : i32
      %dma_wait3A_1286 = arith.constant 0 : i32
      %dma_wait3A_1287 = tpu.memref_slice %arg6[%dma_wait3A_1285, %dma_wait3A_1286] : memref<64x64xf32, #tpu.memory_space<vmem>> -> memref<1x64xf32, #tpu.memory_space<vmem>>
      %dma_wait3A_1288 = arith.constant 0 : i32
      %dma_wait3A_1289 = tpu.memref_slice %arg3[%squeeze3A_610, %dma_wait3A_1288] : memref<1000000x64xf32, #tpu.memory_space<hbm>> -> memref<1x64xf32, #tpu.memory_space<hbm>>
      tpu.wait_dma2 semaphore(%arg7 : memref<!tpu.dma_semaphore, #tpu.memory_space<semaphore_mem>>) src(%dma_wait3A_1289 : memref<1x64xf32, #tpu.memory_space<hbm>>) dst(%dma_wait3A_1287 : memref<1x64xf32, #tpu.memory_space<vmem>>)
      %dma_wait3A_1290 = arith.constant 49 : i32
      %dma_wait3A_1291 = arith.constant 0 : i32
      %dma_wait3A_1292 = tpu.memref_slice %arg6[%dma_wait3A_1290, %dma_wait3A_1291] : memref<64x64xf32, #tpu.memory_space<vmem>> -> memref<1x64xf32, #tpu.memory_space<vmem>>
      %dma_wait3A_1293 = arith.constant 0 : i32
      %dma_wait3A_1294 = tpu.memref_slice %arg3[%squeeze3A_622, %dma_wait3A_1293] : memref<1000000x64xf32, #tpu.memory_space<hbm>> -> memref<1x64xf32, #tpu.memory_space<hbm>>
      %dma_wait3A_1295 = arith.constant 49 : i32
      %dma_wait3A_1296 = arith.constant 0 : i32
      %dma_wait3A_1297 = tpu.memref_slice %arg6[%dma_wait3A_1295, %dma_wait3A_1296] : memref<64x64xf32, #tpu.memory_space<vmem>> -> memref<1x64xf32, #tpu.memory_space<vmem>>
      %dma_wait3A_1298 = arith.constant 0 : i32
      %dma_wait3A_1299 = tpu.memref_slice %arg3[%squeeze3A_622, %dma_wait3A_1298] : memref<1000000x64xf32, #tpu.memory_space<hbm>> -> memref<1x64xf32, #tpu.memory_space<hbm>>
      tpu.wait_dma2 semaphore(%arg7 : memref<!tpu.dma_semaphore, #tpu.memory_space<semaphore_mem>>) src(%dma_wait3A_1299 : memref<1x64xf32, #tpu.memory_space<hbm>>) dst(%dma_wait3A_1297 : memref<1x64xf32, #tpu.memory_space<vmem>>)
      %dma_wait3A_1300 = arith.constant 50 : i32
      %dma_wait3A_1301 = arith.constant 0 : i32
      %dma_wait3A_1302 = tpu.memref_slice %arg6[%dma_wait3A_1300, %dma_wait3A_1301] : memref<64x64xf32, #tpu.memory_space<vmem>> -> memref<1x64xf32, #tpu.memory_space<vmem>>
      %dma_wait3A_1303 = arith.constant 0 : i32
      %dma_wait3A_1304 = tpu.memref_slice %arg3[%squeeze3A_634, %dma_wait3A_1303] : memref<1000000x64xf32, #tpu.memory_space<hbm>> -> memref<1x64xf32, #tpu.memory_space<hbm>>
      %dma_wait3A_1305 = arith.constant 50 : i32
      %dma_wait3A_1306 = arith.constant 0 : i32
      %dma_wait3A_1307 = tpu.memref_slice %arg6[%dma_wait3A_1305, %dma_wait3A_1306] : memref<64x64xf32, #tpu.memory_space<vmem>> -> memref<1x64xf32, #tpu.memory_space<vmem>>
      %dma_wait3A_1308 = arith.constant 0 : i32
      %dma_wait3A_1309 = tpu.memref_slice %arg3[%squeeze3A_634, %dma_wait3A_1308] : memref<1000000x64xf32, #tpu.memory_space<hbm>> -> memref<1x64xf32, #tpu.memory_space<hbm>>
      tpu.wait_dma2 semaphore(%arg7 : memref<!tpu.dma_semaphore, #tpu.memory_space<semaphore_mem>>) src(%dma_wait3A_1309 : memref<1x64xf32, #tpu.memory_space<hbm>>) dst(%dma_wait3A_1307 : memref<1x64xf32, #tpu.memory_space<vmem>>)
      %dma_wait3A_1310 = arith.constant 51 : i32
      %dma_wait3A_1311 = arith.constant 0 : i32
      %dma_wait3A_1312 = tpu.memref_slice %arg6[%dma_wait3A_1310, %dma_wait3A_1311] : memref<64x64xf32, #tpu.memory_space<vmem>> -> memref<1x64xf32, #tpu.memory_space<vmem>>
      %dma_wait3A_1313 = arith.constant 0 : i32
      %dma_wait3A_1314 = tpu.memref_slice %arg3[%squeeze3A_646, %dma_wait3A_1313] : memref<1000000x64xf32, #tpu.memory_space<hbm>> -> memref<1x64xf32, #tpu.memory_space<hbm>>
      %dma_wait3A_1315 = arith.constant 51 : i32
      %dma_wait3A_1316 = arith.constant 0 : i32
      %dma_wait3A_1317 = tpu.memref_slice %arg6[%dma_wait3A_1315, %dma_wait3A_1316] : memref<64x64xf32, #tpu.memory_space<vmem>> -> memref<1x64xf32, #tpu.memory_space<vmem>>
      %dma_wait3A_1318 = arith.constant 0 : i32
      %dma_wait3A_1319 = tpu.memref_slice %arg3[%squeeze3A_646, %dma_wait3A_1318] : memref<1000000x64xf32, #tpu.memory_space<hbm>> -> memref<1x64xf32, #tpu.memory_space<hbm>>
      tpu.wait_dma2 semaphore(%arg7 : memref<!tpu.dma_semaphore, #tpu.memory_space<semaphore_mem>>) src(%dma_wait3A_1319 : memref<1x64xf32, #tpu.memory_space<hbm>>) dst(%dma_wait3A_1317 : memref<1x64xf32, #tpu.memory_space<vmem>>)
      %dma_wait3A_1320 = arith.constant 52 : i32
      %dma_wait3A_1321 = arith.constant 0 : i32
      %dma_wait3A_1322 = tpu.memref_slice %arg6[%dma_wait3A_1320, %dma_wait3A_1321] : memref<64x64xf32, #tpu.memory_space<vmem>> -> memref<1x64xf32, #tpu.memory_space<vmem>>
      %dma_wait3A_1323 = arith.constant 0 : i32
      %dma_wait3A_1324 = tpu.memref_slice %arg3[%squeeze3A_658, %dma_wait3A_1323] : memref<1000000x64xf32, #tpu.memory_space<hbm>> -> memref<1x64xf32, #tpu.memory_space<hbm>>
      %dma_wait3A_1325 = arith.constant 52 : i32
      %dma_wait3A_1326 = arith.constant 0 : i32
      %dma_wait3A_1327 = tpu.memref_slice %arg6[%dma_wait3A_1325, %dma_wait3A_1326] : memref<64x64xf32, #tpu.memory_space<vmem>> -> memref<1x64xf32, #tpu.memory_space<vmem>>
      %dma_wait3A_1328 = arith.constant 0 : i32
      %dma_wait3A_1329 = tpu.memref_slice %arg3[%squeeze3A_658, %dma_wait3A_1328] : memref<1000000x64xf32, #tpu.memory_space<hbm>> -> memref<1x64xf32, #tpu.memory_space<hbm>>
      tpu.wait_dma2 semaphore(%arg7 : memref<!tpu.dma_semaphore, #tpu.memory_space<semaphore_mem>>) src(%dma_wait3A_1329 : memref<1x64xf32, #tpu.memory_space<hbm>>) dst(%dma_wait3A_1327 : memref<1x64xf32, #tpu.memory_space<vmem>>)
      %dma_wait3A_1330 = arith.constant 53 : i32
      %dma_wait3A_1331 = arith.constant 0 : i32
      %dma_wait3A_1332 = tpu.memref_slice %arg6[%dma_wait3A_1330, %dma_wait3A_1331] : memref<64x64xf32, #tpu.memory_space<vmem>> -> memref<1x64xf32, #tpu.memory_space<vmem>>
      %dma_wait3A_1333 = arith.constant 0 : i32
      %dma_wait3A_1334 = tpu.memref_slice %arg3[%squeeze3A_670, %dma_wait3A_1333] : memref<1000000x64xf32, #tpu.memory_space<hbm>> -> memref<1x64xf32, #tpu.memory_space<hbm>>
      %dma_wait3A_1335 = arith.constant 53 : i32
      %dma_wait3A_1336 = arith.constant 0 : i32
      %dma_wait3A_1337 = tpu.memref_slice %arg6[%dma_wait3A_1335, %dma_wait3A_1336] : memref<64x64xf32, #tpu.memory_space<vmem>> -> memref<1x64xf32, #tpu.memory_space<vmem>>
      %dma_wait3A_1338 = arith.constant 0 : i32
      %dma_wait3A_1339 = tpu.memref_slice %arg3[%squeeze3A_670, %dma_wait3A_1338] : memref<1000000x64xf32, #tpu.memory_space<hbm>> -> memref<1x64xf32, #tpu.memory_space<hbm>>
      tpu.wait_dma2 semaphore(%arg7 : memref<!tpu.dma_semaphore, #tpu.memory_space<semaphore_mem>>) src(%dma_wait3A_1339 : memref<1x64xf32, #tpu.memory_space<hbm>>) dst(%dma_wait3A_1337 : memref<1x64xf32, #tpu.memory_space<vmem>>)
      %dma_wait3A_1340 = arith.constant 54 : i32
      %dma_wait3A_1341 = arith.constant 0 : i32
      %dma_wait3A_1342 = tpu.memref_slice %arg6[%dma_wait3A_1340, %dma_wait3A_1341] : memref<64x64xf32, #tpu.memory_space<vmem>> -> memref<1x64xf32, #tpu.memory_space<vmem>>
      %dma_wait3A_1343 = arith.constant 0 : i32
      %dma_wait3A_1344 = tpu.memref_slice %arg3[%squeeze3A_682, %dma_wait3A_1343] : memref<1000000x64xf32, #tpu.memory_space<hbm>> -> memref<1x64xf32, #tpu.memory_space<hbm>>
      %dma_wait3A_1345 = arith.constant 54 : i32
      %dma_wait3A_1346 = arith.constant 0 : i32
      %dma_wait3A_1347 = tpu.memref_slice %arg6[%dma_wait3A_1345, %dma_wait3A_1346] : memref<64x64xf32, #tpu.memory_space<vmem>> -> memref<1x64xf32, #tpu.memory_space<vmem>>
      %dma_wait3A_1348 = arith.constant 0 : i32
      %dma_wait3A_1349 = tpu.memref_slice %arg3[%squeeze3A_682, %dma_wait3A_1348] : memref<1000000x64xf32, #tpu.memory_space<hbm>> -> memref<1x64xf32, #tpu.memory_space<hbm>>
      tpu.wait_dma2 semaphore(%arg7 : memref<!tpu.dma_semaphore, #tpu.memory_space<semaphore_mem>>) src(%dma_wait3A_1349 : memref<1x64xf32, #tpu.memory_space<hbm>>) dst(%dma_wait3A_1347 : memref<1x64xf32, #tpu.memory_space<vmem>>)
      %dma_wait3A_1350 = arith.constant 55 : i32
      %dma_wait3A_1351 = arith.constant 0 : i32
      %dma_wait3A_1352 = tpu.memref_slice %arg6[%dma_wait3A_1350, %dma_wait3A_1351] : memref<64x64xf32, #tpu.memory_space<vmem>> -> memref<1x64xf32, #tpu.memory_space<vmem>>
      %dma_wait3A_1353 = arith.constant 0 : i32
      %dma_wait3A_1354 = tpu.memref_slice %arg3[%squeeze3A_694, %dma_wait3A_1353] : memref<1000000x64xf32, #tpu.memory_space<hbm>> -> memref<1x64xf32, #tpu.memory_space<hbm>>
      %dma_wait3A_1355 = arith.constant 55 : i32
      %dma_wait3A_1356 = arith.constant 0 : i32
      %dma_wait3A_1357 = tpu.memref_slice %arg6[%dma_wait3A_1355, %dma_wait3A_1356] : memref<64x64xf32, #tpu.memory_space<vmem>> -> memref<1x64xf32, #tpu.memory_space<vmem>>
      %dma_wait3A_1358 = arith.constant 0 : i32
      %dma_wait3A_1359 = tpu.memref_slice %arg3[%squeeze3A_694, %dma_wait3A_1358] : memref<1000000x64xf32, #tpu.memory_space<hbm>> -> memref<1x64xf32, #tpu.memory_space<hbm>>
      tpu.wait_dma2 semaphore(%arg7 : memref<!tpu.dma_semaphore, #tpu.memory_space<semaphore_mem>>) src(%dma_wait3A_1359 : memref<1x64xf32, #tpu.memory_space<hbm>>) dst(%dma_wait3A_1357 : memref<1x64xf32, #tpu.memory_space<vmem>>)
      %dma_wait3A_1360 = arith.constant 56 : i32
      %dma_wait3A_1361 = arith.constant 0 : i32
      %dma_wait3A_1362 = tpu.memref_slice %arg6[%dma_wait3A_1360, %dma_wait3A_1361] : memref<64x64xf32, #tpu.memory_space<vmem>> -> memref<1x64xf32, #tpu.memory_space<vmem>>
      %dma_wait3A_1363 = arith.constant 0 : i32
      %dma_wait3A_1364 = tpu.memref_slice %arg3[%squeeze3A_706, %dma_wait3A_1363] : memref<1000000x64xf32, #tpu.memory_space<hbm>> -> memref<1x64xf32, #tpu.memory_space<hbm>>
      %dma_wait3A_1365 = arith.constant 56 : i32
      %dma_wait3A_1366 = arith.constant 0 : i32
      %dma_wait3A_1367 = tpu.memref_slice %arg6[%dma_wait3A_1365, %dma_wait3A_1366] : memref<64x64xf32, #tpu.memory_space<vmem>> -> memref<1x64xf32, #tpu.memory_space<vmem>>
      %dma_wait3A_1368 = arith.constant 0 : i32
      %dma_wait3A_1369 = tpu.memref_slice %arg3[%squeeze3A_706, %dma_wait3A_1368] : memref<1000000x64xf32, #tpu.memory_space<hbm>> -> memref<1x64xf32, #tpu.memory_space<hbm>>
      tpu.wait_dma2 semaphore(%arg7 : memref<!tpu.dma_semaphore, #tpu.memory_space<semaphore_mem>>) src(%dma_wait3A_1369 : memref<1x64xf32, #tpu.memory_space<hbm>>) dst(%dma_wait3A_1367 : memref<1x64xf32, #tpu.memory_space<vmem>>)
      %dma_wait3A_1370 = arith.constant 57 : i32
      %dma_wait3A_1371 = arith.constant 0 : i32
      %dma_wait3A_1372 = tpu.memref_slice %arg6[%dma_wait3A_1370, %dma_wait3A_1371] : memref<64x64xf32, #tpu.memory_space<vmem>> -> memref<1x64xf32, #tpu.memory_space<vmem>>
      %dma_wait3A_1373 = arith.constant 0 : i32
      %dma_wait3A_1374 = tpu.memref_slice %arg3[%squeeze3A_718, %dma_wait3A_1373] : memref<1000000x64xf32, #tpu.memory_space<hbm>> -> memref<1x64xf32, #tpu.memory_space<hbm>>
      %dma_wait3A_1375 = arith.constant 57 : i32
      %dma_wait3A_1376 = arith.constant 0 : i32
      %dma_wait3A_1377 = tpu.memref_slice %arg6[%dma_wait3A_1375, %dma_wait3A_1376] : memref<64x64xf32, #tpu.memory_space<vmem>> -> memref<1x64xf32, #tpu.memory_space<vmem>>
      %dma_wait3A_1378 = arith.constant 0 : i32
      %dma_wait3A_1379 = tpu.memref_slice %arg3[%squeeze3A_718, %dma_wait3A_1378] : memref<1000000x64xf32, #tpu.memory_space<hbm>> -> memref<1x64xf32, #tpu.memory_space<hbm>>
      tpu.wait_dma2 semaphore(%arg7 : memref<!tpu.dma_semaphore, #tpu.memory_space<semaphore_mem>>) src(%dma_wait3A_1379 : memref<1x64xf32, #tpu.memory_space<hbm>>) dst(%dma_wait3A_1377 : memref<1x64xf32, #tpu.memory_space<vmem>>)
      %dma_wait3A_1380 = arith.constant 58 : i32
      %dma_wait3A_1381 = arith.constant 0 : i32
      %dma_wait3A_1382 = tpu.memref_slice %arg6[%dma_wait3A_1380, %dma_wait3A_1381] : memref<64x64xf32, #tpu.memory_space<vmem>> -> memref<1x64xf32, #tpu.memory_space<vmem>>
      %dma_wait3A_1383 = arith.constant 0 : i32
      %dma_wait3A_1384 = tpu.memref_slice %arg3[%squeeze3A_730, %dma_wait3A_1383] : memref<1000000x64xf32, #tpu.memory_space<hbm>> -> memref<1x64xf32, #tpu.memory_space<hbm>>
      %dma_wait3A_1385 = arith.constant 58 : i32
      %dma_wait3A_1386 = arith.constant 0 : i32
      %dma_wait3A_1387 = tpu.memref_slice %arg6[%dma_wait3A_1385, %dma_wait3A_1386] : memref<64x64xf32, #tpu.memory_space<vmem>> -> memref<1x64xf32, #tpu.memory_space<vmem>>
      %dma_wait3A_1388 = arith.constant 0 : i32
      %dma_wait3A_1389 = tpu.memref_slice %arg3[%squeeze3A_730, %dma_wait3A_1388] : memref<1000000x64xf32, #tpu.memory_space<hbm>> -> memref<1x64xf32, #tpu.memory_space<hbm>>
      tpu.wait_dma2 semaphore(%arg7 : memref<!tpu.dma_semaphore, #tpu.memory_space<semaphore_mem>>) src(%dma_wait3A_1389 : memref<1x64xf32, #tpu.memory_space<hbm>>) dst(%dma_wait3A_1387 : memref<1x64xf32, #tpu.memory_space<vmem>>)
      %dma_wait3A_1390 = arith.constant 59 : i32
      %dma_wait3A_1391 = arith.constant 0 : i32
      %dma_wait3A_1392 = tpu.memref_slice %arg6[%dma_wait3A_1390, %dma_wait3A_1391] : memref<64x64xf32, #tpu.memory_space<vmem>> -> memref<1x64xf32, #tpu.memory_space<vmem>>
      %dma_wait3A_1393 = arith.constant 0 : i32
      %dma_wait3A_1394 = tpu.memref_slice %arg3[%squeeze3A_742, %dma_wait3A_1393] : memref<1000000x64xf32, #tpu.memory_space<hbm>> -> memref<1x64xf32, #tpu.memory_space<hbm>>
      %dma_wait3A_1395 = arith.constant 59 : i32
      %dma_wait3A_1396 = arith.constant 0 : i32
      %dma_wait3A_1397 = tpu.memref_slice %arg6[%dma_wait3A_1395, %dma_wait3A_1396] : memref<64x64xf32, #tpu.memory_space<vmem>> -> memref<1x64xf32, #tpu.memory_space<vmem>>
      %dma_wait3A_1398 = arith.constant 0 : i32
      %dma_wait3A_1399 = tpu.memref_slice %arg3[%squeeze3A_742, %dma_wait3A_1398] : memref<1000000x64xf32, #tpu.memory_space<hbm>> -> memref<1x64xf32, #tpu.memory_space<hbm>>
      tpu.wait_dma2 semaphore(%arg7 : memref<!tpu.dma_semaphore, #tpu.memory_space<semaphore_mem>>) src(%dma_wait3A_1399 : memref<1x64xf32, #tpu.memory_space<hbm>>) dst(%dma_wait3A_1397 : memref<1x64xf32, #tpu.memory_space<vmem>>)
      %dma_wait3A_1400 = arith.constant 60 : i32
      %dma_wait3A_1401 = arith.constant 0 : i32
      %dma_wait3A_1402 = tpu.memref_slice %arg6[%dma_wait3A_1400, %dma_wait3A_1401] : memref<64x64xf32, #tpu.memory_space<vmem>> -> memref<1x64xf32, #tpu.memory_space<vmem>>
      %dma_wait3A_1403 = arith.constant 0 : i32
      %dma_wait3A_1404 = tpu.memref_slice %arg3[%squeeze3A_754, %dma_wait3A_1403] : memref<1000000x64xf32, #tpu.memory_space<hbm>> -> memref<1x64xf32, #tpu.memory_space<hbm>>
      %dma_wait3A_1405 = arith.constant 60 : i32
      %dma_wait3A_1406 = arith.constant 0 : i32
      %dma_wait3A_1407 = tpu.memref_slice %arg6[%dma_wait3A_1405, %dma_wait3A_1406] : memref<64x64xf32, #tpu.memory_space<vmem>> -> memref<1x64xf32, #tpu.memory_space<vmem>>
      %dma_wait3A_1408 = arith.constant 0 : i32
      %dma_wait3A_1409 = tpu.memref_slice %arg3[%squeeze3A_754, %dma_wait3A_1408] : memref<1000000x64xf32, #tpu.memory_space<hbm>> -> memref<1x64xf32, #tpu.memory_space<hbm>>
      tpu.wait_dma2 semaphore(%arg7 : memref<!tpu.dma_semaphore, #tpu.memory_space<semaphore_mem>>) src(%dma_wait3A_1409 : memref<1x64xf32, #tpu.memory_space<hbm>>) dst(%dma_wait3A_1407 : memref<1x64xf32, #tpu.memory_space<vmem>>)
      %dma_wait3A_1410 = arith.constant 61 : i32
      %dma_wait3A_1411 = arith.constant 0 : i32
      %dma_wait3A_1412 = tpu.memref_slice %arg6[%dma_wait3A_1410, %dma_wait3A_1411] : memref<64x64xf32, #tpu.memory_space<vmem>> -> memref<1x64xf32, #tpu.memory_space<vmem>>
      %dma_wait3A_1413 = arith.constant 0 : i32
      %dma_wait3A_1414 = tpu.memref_slice %arg3[%squeeze3A_766, %dma_wait3A_1413] : memref<1000000x64xf32, #tpu.memory_space<hbm>> -> memref<1x64xf32, #tpu.memory_space<hbm>>
      %dma_wait3A_1415 = arith.constant 61 : i32
      %dma_wait3A_1416 = arith.constant 0 : i32
      %dma_wait3A_1417 = tpu.memref_slice %arg6[%dma_wait3A_1415, %dma_wait3A_1416] : memref<64x64xf32, #tpu.memory_space<vmem>> -> memref<1x64xf32, #tpu.memory_space<vmem>>
      %dma_wait3A_1418 = arith.constant 0 : i32
      %dma_wait3A_1419 = tpu.memref_slice %arg3[%squeeze3A_766, %dma_wait3A_1418] : memref<1000000x64xf32, #tpu.memory_space<hbm>> -> memref<1x64xf32, #tpu.memory_space<hbm>>
      tpu.wait_dma2 semaphore(%arg7 : memref<!tpu.dma_semaphore, #tpu.memory_space<semaphore_mem>>) src(%dma_wait3A_1419 : memref<1x64xf32, #tpu.memory_space<hbm>>) dst(%dma_wait3A_1417 : memref<1x64xf32, #tpu.memory_space<vmem>>)
      %dma_wait3A_1420 = arith.constant 62 : i32
      %dma_wait3A_1421 = arith.constant 0 : i32
      %dma_wait3A_1422 = tpu.memref_slice %arg6[%dma_wait3A_1420, %dma_wait3A_1421] : memref<64x64xf32, #tpu.memory_space<vmem>> -> memref<1x64xf32, #tpu.memory_space<vmem>>
      %dma_wait3A_1423 = arith.constant 0 : i32
      %dma_wait3A_1424 = tpu.memref_slice %arg3[%squeeze3A_778, %dma_wait3A_1423] : memref<1000000x64xf32, #tpu.memory_space<hbm>> -> memref<1x64xf32, #tpu.memory_space<hbm>>
      %dma_wait3A_1425 = arith.constant 62 : i32
      %dma_wait3A_1426 = arith.constant 0 : i32
      %dma_wait3A_1427 = tpu.memref_slice %arg6[%dma_wait3A_1425, %dma_wait3A_1426] : memref<64x64xf32, #tpu.memory_space<vmem>> -> memref<1x64xf32, #tpu.memory_space<vmem>>
      %dma_wait3A_1428 = arith.constant 0 : i32
      %dma_wait3A_1429 = tpu.memref_slice %arg3[%squeeze3A_778, %dma_wait3A_1428] : memref<1000000x64xf32, #tpu.memory_space<hbm>> -> memref<1x64xf32, #tpu.memory_space<hbm>>
      tpu.wait_dma2 semaphore(%arg7 : memref<!tpu.dma_semaphore, #tpu.memory_space<semaphore_mem>>) src(%dma_wait3A_1429 : memref<1x64xf32, #tpu.memory_space<hbm>>) dst(%dma_wait3A_1427 : memref<1x64xf32, #tpu.memory_space<vmem>>)
      %dma_wait3A_1430 = arith.constant 63 : i32
      %dma_wait3A_1431 = arith.constant 0 : i32
      %dma_wait3A_1432 = tpu.memref_slice %arg6[%dma_wait3A_1430, %dma_wait3A_1431] : memref<64x64xf32, #tpu.memory_space<vmem>> -> memref<1x64xf32, #tpu.memory_space<vmem>>
      %dma_wait3A_1433 = arith.constant 0 : i32
      %dma_wait3A_1434 = tpu.memref_slice %arg3[%squeeze3A_790, %dma_wait3A_1433] : memref<1000000x64xf32, #tpu.memory_space<hbm>> -> memref<1x64xf32, #tpu.memory_space<hbm>>
      %dma_wait3A_1435 = arith.constant 63 : i32
      %dma_wait3A_1436 = arith.constant 0 : i32
      %dma_wait3A_1437 = tpu.memref_slice %arg6[%dma_wait3A_1435, %dma_wait3A_1436] : memref<64x64xf32, #tpu.memory_space<vmem>> -> memref<1x64xf32, #tpu.memory_space<vmem>>
      %dma_wait3A_1438 = arith.constant 0 : i32
      %dma_wait3A_1439 = tpu.memref_slice %arg3[%squeeze3A_790, %dma_wait3A_1438] : memref<1000000x64xf32, #tpu.memory_space<hbm>> -> memref<1x64xf32, #tpu.memory_space<hbm>>
      tpu.wait_dma2 semaphore(%arg7 : memref<!tpu.dma_semaphore, #tpu.memory_space<semaphore_mem>>) src(%dma_wait3A_1439 : memref<1x64xf32, #tpu.memory_space<hbm>>) dst(%dma_wait3A_1437 : memref<1x64xf32, #tpu.memory_space<vmem>>)
      %mul3A_1440 = arith.constant 64 : i32
      %mul3A_1441 = arith.muli %scan3A_8, %mul3A_1440 : i32
      %add3A_1442 = arith.addi %mul3A_2, %mul3A_1441 : i32
      "tpu.region"() ({
        %run_scoped3A = tpu.sem_alloc : memref<!tpu.dma_semaphore, #tpu.memory_space<semaphore_mem>>
        %dma_start3A_1443 = arith.constant 0 : i32
        %dma_start3A_1444 = tpu.memref_slice %arg4[%add3A_1442, %dma_start3A_1443] : memref<16384x64xf32, #tpu.memory_space<hbm>> -> memref<64x64xf32, #tpu.memory_space<hbm>>
        %dma_start3A_1445 = arith.constant 0 : i32
        %dma_start3A_1446 = tpu.memref_slice %arg4[%add3A_1442, %dma_start3A_1445] : memref<16384x64xf32, #tpu.memory_space<hbm>> -> memref<64x64xf32, #tpu.memory_space<hbm>>
        tpu.enqueue_dma source(%arg6 : memref<64x64xf32, #tpu.memory_space<vmem>>) target(%dma_start3A_1446 : memref<64x64xf32, #tpu.memory_space<hbm>>) target_semaphore(%run_scoped3A : memref<!tpu.dma_semaphore, #tpu.memory_space<semaphore_mem>>)
        %dma_wait3A_1447 = arith.constant 0 : i32
        %dma_wait3A_1448 = tpu.memref_slice %arg4[%add3A_1442, %dma_wait3A_1447] : memref<16384x64xf32, #tpu.memory_space<hbm>> -> memref<64x64xf32, #tpu.memory_space<hbm>>
        %dma_wait3A_1449 = arith.constant 0 : i32
        %dma_wait3A_1450 = tpu.memref_slice %arg4[%add3A_1442, %dma_wait3A_1449] : memref<16384x64xf32, #tpu.memory_space<hbm>> -> memref<64x64xf32, #tpu.memory_space<hbm>>
        tpu.wait_dma2 semaphore(%run_scoped3A : memref<!tpu.dma_semaphore, #tpu.memory_space<semaphore_mem>>) src(%arg6 : memref<64x64xf32, #tpu.memory_space<vmem>>) dst(%dma_wait3A_1450 : memref<64x64xf32, #tpu.memory_space<hbm>>)
        tpu.yield
      }) : () -> ()
    }
    %scan3A_7 = arith.constant 8 : i32
    return
  }
}

module attributes {stable_mosaic.version = 14 : i64} {
  func.func @_mlp_body(%arg0: i32, %arg1: memref<2048x64xf32, #tpu.memory_space<vmem>>, %arg2: memref<2048x32xf32, #tpu.memory_space<vmem>>, %arg3: memref<64x256xf32, #tpu.memory_space<vmem>>, %arg4: memref<32x256xf32, #tpu.memory_space<vmem>>, %arg5: memref<1x256xf32, #tpu.memory_space<vmem>>, %arg6: memref<1x256xf32, #tpu.memory_space<vmem>>, %arg7: memref<1x256xf32, #tpu.memory_space<vmem>>, %arg8: memref<1x256xf32, #tpu.memory_space<vmem>>, %arg9: memref<1x256xf32, #tpu.memory_space<vmem>>, %arg10: memref<256x128xf32, #tpu.memory_space<vmem>>, %arg11: memref<1x128xf32, #tpu.memory_space<vmem>>, %arg12: memref<1x128xf32, #tpu.memory_space<vmem>>, %arg13: memref<1x128xf32, #tpu.memory_space<vmem>>, %arg14: memref<1x128xf32, #tpu.memory_space<vmem>>, %arg15: memref<1x128xf32, #tpu.memory_space<vmem>>, %arg16: memref<128x64xf32, #tpu.memory_space<vmem>>, %arg17: memref<1x64xf32, #tpu.memory_space<vmem>>, %arg18: memref<2048x64xf32, #tpu.memory_space<vmem>>) attributes {dimension_semantics = [#tpu.dimension_semantics<arbitrary>], iteration_bounds = array<i64: 8>, scalar_prefetch = 0 : i64, scratch_operands = 0 : i64, tpu.core_type = #tpu.core_type<tc>, window_params = [{transform_indices = @transform_0, window_bounds = array<i64: 2048, 64>}, {transform_indices = @transform_1, window_bounds = array<i64: 2048, 32>}, {pipeline_mode = #tpu.pipeline_mode<synchronous>, transform_indices = @transform_2, window_bounds = array<i64: 64, 256>}, {pipeline_mode = #tpu.pipeline_mode<synchronous>, transform_indices = @transform_3, window_bounds = array<i64: 32, 256>}, {pipeline_mode = #tpu.pipeline_mode<synchronous>, transform_indices = @transform_4, window_bounds = array<i64: 1, 256>}, {pipeline_mode = #tpu.pipeline_mode<synchronous>, transform_indices = @transform_5, window_bounds = array<i64: 1, 256>}, {pipeline_mode = #tpu.pipeline_mode<synchronous>, transform_indices = @transform_6, window_bounds = array<i64: 1, 256>}, {pipeline_mode = #tpu.pipeline_mode<synchronous>, transform_indices = @transform_7, window_bounds = array<i64: 1, 256>}, {pipeline_mode = #tpu.pipeline_mode<synchronous>, transform_indices = @transform_8, window_bounds = array<i64: 1, 256>}, {pipeline_mode = #tpu.pipeline_mode<synchronous>, transform_indices = @transform_9, window_bounds = array<i64: 256, 128>}, {pipeline_mode = #tpu.pipeline_mode<synchronous>, transform_indices = @transform_10, window_bounds = array<i64: 1, 128>}, {pipeline_mode = #tpu.pipeline_mode<synchronous>, transform_indices = @transform_11, window_bounds = array<i64: 1, 128>}, {pipeline_mode = #tpu.pipeline_mode<synchronous>, transform_indices = @transform_12, window_bounds = array<i64: 1, 128>}, {pipeline_mode = #tpu.pipeline_mode<synchronous>, transform_indices = @transform_13, window_bounds = array<i64: 1, 128>}, {pipeline_mode = #tpu.pipeline_mode<synchronous>, transform_indices = @transform_14, window_bounds = array<i64: 1, 128>}, {pipeline_mode = #tpu.pipeline_mode<synchronous>, transform_indices = @transform_15, window_bounds = array<i64: 128, 64>}, {pipeline_mode = #tpu.pipeline_mode<synchronous>, transform_indices = @transform_16, window_bounds = array<i64: 1, 64>}, {transform_indices = @transform_17, window_bounds = array<i64: 2048, 64>}]} {
    %get3A = arith.constant 0 : index
    %get3A_0 = arith.constant 0 : index
    %get3A_1 = vector.load %arg1[%get3A, %get3A_0] : memref<2048x64xf32, #tpu.memory_space<vmem>>, vector<2048x64xf32>
    %get3A_2 = arith.constant 0 : index
    %get3A_3 = arith.constant 0 : index
    %get3A_4 = vector.load %arg2[%get3A_2, %get3A_3] : memref<2048x32xf32, #tpu.memory_space<vmem>>, vector<2048x32xf32>
    %get3A_5 = arith.constant 0 : index
    %get3A_6 = arith.constant 0 : index
    %get3A_7 = vector.load %arg3[%get3A_5, %get3A_6] : memref<64x256xf32, #tpu.memory_space<vmem>>, vector<64x256xf32>
    %dot_general3A = arith.constant dense<0.000000e+00> : vector<2048x256xf32>
    %dot_general3A_8 = tpu.matmul %get3A_1, %get3A_7, %dot_general3A {dimension_numbers = #tpu.dot_dimension_numbers<[1], [0], [0], [1], [0, 0, 1, 1], [], []>, transpose_lhs_hint = false} : vector<2048x64xf32>, vector<64x256xf32>, vector<2048x256xf32> -> vector<2048x256xf32>
    %get3A_9 = arith.constant 0 : index
    %get3A_10 = arith.constant 0 : index
    %get3A_11 = vector.load %arg4[%get3A_9, %get3A_10] : memref<32x256xf32, #tpu.memory_space<vmem>>, vector<32x256xf32>
    %dot_general3A_12 = arith.constant dense<0.000000e+00> : vector<2048x256xf32>
    %dot_general3A_13 = tpu.matmul %get3A_4, %get3A_11, %dot_general3A_12 {dimension_numbers = #tpu.dot_dimension_numbers<[1], [0], [0], [1], [0, 0, 1, 1], [], []>, transpose_lhs_hint = false} : vector<2048x32xf32>, vector<32x256xf32>, vector<2048x256xf32> -> vector<2048x256xf32>
    %add3A = arith.addf %dot_general3A_8, %dot_general3A_13 : vector<2048x256xf32>
    %get3A_14 = arith.constant 0 : index
    %get3A_15 = arith.constant 0 : index
    %get3A_16 = vector.load %arg5[%get3A_14, %get3A_15] : memref<1x256xf32, #tpu.memory_space<vmem>>, vector<1x256xf32>
    %add3A_17 = vector.broadcast %get3A_16 : vector<1x256xf32> to vector<2048x256xf32>
    %add3A_18 = arith.addf %add3A, %add3A_17 : vector<2048x256xf32>
    %max3A = arith.constant 0.000000e+00 : f32
    %max3A_19 = vector.broadcast %max3A : f32 to vector<2048x256xf32>
    %max3A_20 = arith.maximumf %add3A_18, %max3A_19 : vector<2048x256xf32>
    %get3A_21 = arith.constant 0 : index
    %get3A_22 = arith.constant 0 : index
    %get3A_23 = vector.load %arg6[%get3A_21, %get3A_22] : memref<1x256xf32, #tpu.memory_space<vmem>>, vector<1x256xf32>
    %get3A_24 = arith.constant 0 : index
    %get3A_25 = arith.constant 0 : index
    %get3A_26 = vector.load %arg9[%get3A_24, %get3A_25] : memref<1x256xf32, #tpu.memory_space<vmem>>, vector<1x256xf32>
    %add3A_27 = arith.constant 1.000000e-03 : f32
    %add3A_28 = vector.broadcast %add3A_27 : f32 to vector<1x256xf32>
    %add3A_29 = arith.addf %get3A_26, %add3A_28 : vector<1x256xf32>
    %sqrt3A = math.sqrt %add3A_29 : vector<1x256xf32>
    %div3A = arith.divf %get3A_23, %sqrt3A : vector<1x256xf32>
    %mul3A = vector.broadcast %div3A : vector<1x256xf32> to vector<2048x256xf32>
    %mul3A_30 = arith.mulf %max3A_20, %mul3A : vector<2048x256xf32>
    %get3A_31 = arith.constant 0 : index
    %get3A_32 = arith.constant 0 : index
    %get3A_33 = vector.load %arg7[%get3A_31, %get3A_32] : memref<1x256xf32, #tpu.memory_space<vmem>>, vector<1x256xf32>
    %get3A_34 = arith.constant 0 : index
    %get3A_35 = arith.constant 0 : index
    %get3A_36 = vector.load %arg8[%get3A_34, %get3A_35] : memref<1x256xf32, #tpu.memory_space<vmem>>, vector<1x256xf32>
    %mul3A_37 = arith.mulf %get3A_36, %div3A : vector<1x256xf32>
    %sub3A = arith.subf %get3A_33, %mul3A_37 : vector<1x256xf32>
    %add3A_38 = vector.broadcast %sub3A : vector<1x256xf32> to vector<2048x256xf32>
    %add3A_39 = arith.addf %mul3A_30, %add3A_38 : vector<2048x256xf32>
    %get3A_40 = arith.constant 0 : index
    %get3A_41 = arith.constant 0 : index
    %get3A_42 = vector.load %arg10[%get3A_40, %get3A_41] : memref<256x128xf32, #tpu.memory_space<vmem>>, vector<256x128xf32>
    %dot_general3A_43 = arith.constant dense<0.000000e+00> : vector<2048x128xf32>
    %dot_general3A_44 = tpu.matmul %add3A_39, %get3A_42, %dot_general3A_43 {dimension_numbers = #tpu.dot_dimension_numbers<[1], [0], [0], [1], [0, 0, 1, 1], [], []>, transpose_lhs_hint = false} : vector<2048x256xf32>, vector<256x128xf32>, vector<2048x128xf32> -> vector<2048x128xf32>
    %get3A_45 = arith.constant 0 : index
    %get3A_46 = arith.constant 0 : index
    %get3A_47 = vector.load %arg11[%get3A_45, %get3A_46] : memref<1x128xf32, #tpu.memory_space<vmem>>, vector<1x128xf32>
    %add3A_48 = vector.broadcast %get3A_47 : vector<1x128xf32> to vector<2048x128xf32>
    %add3A_49 = arith.addf %dot_general3A_44, %add3A_48 : vector<2048x128xf32>
    %max3A_50 = arith.constant 0.000000e+00 : f32
    %max3A_51 = vector.broadcast %max3A_50 : f32 to vector<2048x128xf32>
    %max3A_52 = arith.maximumf %add3A_49, %max3A_51 : vector<2048x128xf32>
    %get3A_53 = arith.constant 0 : index
    %get3A_54 = arith.constant 0 : index
    %get3A_55 = vector.load %arg12[%get3A_53, %get3A_54] : memref<1x128xf32, #tpu.memory_space<vmem>>, vector<1x128xf32>
    %get3A_56 = arith.constant 0 : index
    %get3A_57 = arith.constant 0 : index
    %get3A_58 = vector.load %arg15[%get3A_56, %get3A_57] : memref<1x128xf32, #tpu.memory_space<vmem>>, vector<1x128xf32>
    %add3A_59 = arith.constant 1.000000e-03 : f32
    %add3A_60 = vector.broadcast %add3A_59 : f32 to vector<1x128xf32>
    %add3A_61 = arith.addf %get3A_58, %add3A_60 : vector<1x128xf32>
    %sqrt3A_62 = math.sqrt %add3A_61 : vector<1x128xf32>
    %div3A_63 = arith.divf %get3A_55, %sqrt3A_62 : vector<1x128xf32>
    %mul3A_64 = vector.broadcast %div3A_63 : vector<1x128xf32> to vector<2048x128xf32>
    %mul3A_65 = arith.mulf %max3A_52, %mul3A_64 : vector<2048x128xf32>
    %get3A_66 = arith.constant 0 : index
    %get3A_67 = arith.constant 0 : index
    %get3A_68 = vector.load %arg13[%get3A_66, %get3A_67] : memref<1x128xf32, #tpu.memory_space<vmem>>, vector<1x128xf32>
    %get3A_69 = arith.constant 0 : index
    %get3A_70 = arith.constant 0 : index
    %get3A_71 = vector.load %arg14[%get3A_69, %get3A_70] : memref<1x128xf32, #tpu.memory_space<vmem>>, vector<1x128xf32>
    %mul3A_72 = arith.mulf %get3A_71, %div3A_63 : vector<1x128xf32>
    %sub3A_73 = arith.subf %get3A_68, %mul3A_72 : vector<1x128xf32>
    %add3A_74 = vector.broadcast %sub3A_73 : vector<1x128xf32> to vector<2048x128xf32>
    %add3A_75 = arith.addf %mul3A_65, %add3A_74 : vector<2048x128xf32>
    %get3A_76 = arith.constant 0 : index
    %get3A_77 = arith.constant 0 : index
    %get3A_78 = vector.load %arg16[%get3A_76, %get3A_77] : memref<128x64xf32, #tpu.memory_space<vmem>>, vector<128x64xf32>
    %dot_general3A_79 = arith.constant dense<0.000000e+00> : vector<2048x64xf32>
    %dot_general3A_80 = tpu.matmul %add3A_75, %get3A_78, %dot_general3A_79 {dimension_numbers = #tpu.dot_dimension_numbers<[1], [0], [0], [1], [0, 0, 1, 1], [], []>, transpose_lhs_hint = false} : vector<2048x128xf32>, vector<128x64xf32>, vector<2048x64xf32> -> vector<2048x64xf32>
    %get3A_81 = arith.constant 0 : index
    %get3A_82 = arith.constant 0 : index
    %get3A_83 = vector.load %arg17[%get3A_81, %get3A_82] : memref<1x64xf32, #tpu.memory_space<vmem>>, vector<1x64xf32>
    %add3A_84 = vector.broadcast %get3A_83 : vector<1x64xf32> to vector<2048x64xf32>
    %add3A_85 = arith.addf %dot_general3A_80, %add3A_84 : vector<2048x64xf32>
    %swap3A = arith.constant 0 : index
    %swap3A_86 = arith.constant 0 : index
    %swap3A_87 = vector.load %arg18[%swap3A, %swap3A_86] : memref<2048x64xf32, #tpu.memory_space<vmem>>, vector<2048x64xf32>
    tpu.vector_store %arg18[%swap3A, %swap3A_86], %add3A_85 {strides = array<i32>} : memref<2048x64xf32, #tpu.memory_space<vmem>>, vector<2048x64xf32>,
    return
  }
  func.func @transform_0(%arg0: i32) -> (i32, i32) {
    %c0_i32 = arith.constant 0 : i32
    %c0_i32_0 = arith.constant 0 : i32
    return %arg0, %c0_i32 : i32, i32
  }
  func.func @transform_1(%arg0: i32) -> (i32, i32) {
    %c0_i32 = arith.constant 0 : i32
    %c0_i32_0 = arith.constant 0 : i32
    return %arg0, %c0_i32 : i32, i32
  }
  func.func @transform_2(%arg0: i32) -> (i32, i32) {
    %c0_i32 = arith.constant 0 : i32
    %c0_i32_0 = arith.constant 0 : i32
    %c0_i32_1 = arith.constant 0 : i32
    return %c0_i32, %c0_i32_0 : i32, i32
  }
  func.func @transform_3(%arg0: i32) -> (i32, i32) {
    %c0_i32 = arith.constant 0 : i32
    %c0_i32_0 = arith.constant 0 : i32
    %c0_i32_1 = arith.constant 0 : i32
    return %c0_i32, %c0_i32_0 : i32, i32
  }
  func.func @transform_4(%arg0: i32) -> (i32, i32) {
    %c0_i32 = arith.constant 0 : i32
    %c0_i32_0 = arith.constant 0 : i32
    %c0_i32_1 = arith.constant 0 : i32
    return %c0_i32, %c0_i32_0 : i32, i32
  }
  func.func @transform_5(%arg0: i32) -> (i32, i32) {
    %c0_i32 = arith.constant 0 : i32
    %c0_i32_0 = arith.constant 0 : i32
    %c0_i32_1 = arith.constant 0 : i32
    return %c0_i32, %c0_i32_0 : i32, i32
  }
  func.func @transform_6(%arg0: i32) -> (i32, i32) {
    %c0_i32 = arith.constant 0 : i32
    %c0_i32_0 = arith.constant 0 : i32
    %c0_i32_1 = arith.constant 0 : i32
    return %c0_i32, %c0_i32_0 : i32, i32
  }
  func.func @transform_7(%arg0: i32) -> (i32, i32) {
    %c0_i32 = arith.constant 0 : i32
    %c0_i32_0 = arith.constant 0 : i32
    %c0_i32_1 = arith.constant 0 : i32
    return %c0_i32, %c0_i32_0 : i32, i32
  }
  func.func @transform_8(%arg0: i32) -> (i32, i32) {
    %c0_i32 = arith.constant 0 : i32
    %c0_i32_0 = arith.constant 0 : i32
    %c0_i32_1 = arith.constant 0 : i32
    return %c0_i32, %c0_i32_0 : i32, i32
  }
  func.func @transform_9(%arg0: i32) -> (i32, i32) {
    %c0_i32 = arith.constant 0 : i32
    %c0_i32_0 = arith.constant 0 : i32
    %c0_i32_1 = arith.constant 0 : i32
    return %c0_i32, %c0_i32_0 : i32, i32
  }
  func.func @transform_10(%arg0: i32) -> (i32, i32) {
    %c0_i32 = arith.constant 0 : i32
    %c0_i32_0 = arith.constant 0 : i32
    %c0_i32_1 = arith.constant 0 : i32
    return %c0_i32, %c0_i32_0 : i32, i32
  }
  func.func @transform_11(%arg0: i32) -> (i32, i32) {
    %c0_i32 = arith.constant 0 : i32
    %c0_i32_0 = arith.constant 0 : i32
    %c0_i32_1 = arith.constant 0 : i32
    return %c0_i32, %c0_i32_0 : i32, i32
  }
  func.func @transform_12(%arg0: i32) -> (i32, i32) {
    %c0_i32 = arith.constant 0 : i32
    %c0_i32_0 = arith.constant 0 : i32
    %c0_i32_1 = arith.constant 0 : i32
    return %c0_i32, %c0_i32_0 : i32, i32
  }
  func.func @transform_13(%arg0: i32) -> (i32, i32) {
    %c0_i32 = arith.constant 0 : i32
    %c0_i32_0 = arith.constant 0 : i32
    %c0_i32_1 = arith.constant 0 : i32
    return %c0_i32, %c0_i32_0 : i32, i32
  }
  func.func @transform_14(%arg0: i32) -> (i32, i32) {
    %c0_i32 = arith.constant 0 : i32
    %c0_i32_0 = arith.constant 0 : i32
    %c0_i32_1 = arith.constant 0 : i32
    return %c0_i32, %c0_i32_0 : i32, i32
  }
  func.func @transform_15(%arg0: i32) -> (i32, i32) {
    %c0_i32 = arith.constant 0 : i32
    %c0_i32_0 = arith.constant 0 : i32
    %c0_i32_1 = arith.constant 0 : i32
    return %c0_i32, %c0_i32_0 : i32, i32
  }
  func.func @transform_16(%arg0: i32) -> (i32, i32) {
    %c0_i32 = arith.constant 0 : i32
    %c0_i32_0 = arith.constant 0 : i32
    %c0_i32_1 = arith.constant 0 : i32
    return %c0_i32, %c0_i32_0 : i32, i32
  }
  func.func @transform_17(%arg0: i32) -> (i32, i32) {
    %c0_i32 = arith.constant 0 : i32
    %c0_i32_0 = arith.constant 0 : i32
    return %arg0, %c0_i32 : i32, i32
  }
}

</mosaic_0001>

<sc_bundles>
// kernel: kernel.4.cloned.1.call-start
scs
__scs_entry_jumppad:
0x0: {  	(pc) =	sbr.rel $0x88, $3  }
0x1: {  	(tag) =	ssettag $0x0;
	lr =	simm.s32 $0x1  }
0x2: {  	[smem:$0x3F90] =	sst lr;
	_ =	strace $0xD0000000  }
0x3: {  	_ = 	snop  }
0x4: {  	_ = 	snop  }
0x5: {  	_ = 	snop  }
0x6: {  	_ = 	snop  }
0x7: {  	_ = 	snop  }
__scs_overlays_trampoline_lowered:
0x8: {  	[smem:$0x3F9F] =	sst s0  }
0x9: {  	[smem:$0x3FA0] =	sst s1  }
0xa: {  	[smem:$0x3FA1] =	sst s2  }
0xb: {  	[smem:$0x3FA2] =	sst s3  }
0xc: {  	[smem:$0x3FA3] =	sst s4  }
0xd: {  	[smem:$0x3FA4] =	sst s5  }
0xe: {  	[smem:$0x3FA5] =	sst s6  }
0xf: {  	[smem:$0x3FA6] =	sst s7  }
0x10: {  	[smem:$0x3FA7] =	sst s8  }
0x11: {  	[smem:$0x3FA8] =	sst s9;
	s0 =	simm.s32 @!p0 $0x0  }
0x12: {  	s1 =	sld [smem:$0x3F8E];
	s0 =	simm.s32 @p0 $0x1  }
0x13: {  	[smem:$0x3FA9] =	sst s0;
	s0 =	simm.s32 @!p1 $0x0  }
0x14: {  	s2 =	sld [smem:$0x3F8D];
	s0 =	simm.s32 @p1 $0x1  }
0x15: {  	[smem:$0x3FAA] =	sst s0;
	s0 =	simm.s32 @!p2 $0x0  }
0x16: {  	s3 =	sld [smem:$0x3FDB];
	s0 =	simm.s32 @p2 $0x1  }
0x17: {  	s4 =	simm.s32 $0x1BF5;
	[smem:$0x3FAC] =	sst s0  }
0x18: {  	s0 =	sld [smem:$0x3F8F];
	_ =	swait.ge [sflag:s4], $0x0  }
0x19: {  	s7 =	sld [smem:$0x3F90]  }
0x1a: {  	s8 =	sadd.s32 $0xFFFFE003, lr  }
0x1b: {  	s9 =	sadd.s32 $0xFFFFFEF7, lr;
	s5 =	simm.s32 $0xFFFFFFFF;
	p2 =	slt.u32 s8, $0xFFFFF086  }
0x1c: {  	p1 =	slt.u32 s9, $0xF7A;
	s5 =	simm.s32 @!p2 $0x0  }
0x1d: {  	s5 =	simm.s32 @p1 $0x1;
	p0 =	seq.s32 s7, s2  }
0x1e: {  	s7 =	smul.u32 @!p0 $0xF7A, s2;
	p2 =	seq.s32 @!p0 s5, $0x0  }
0x1f: {  	s9 =	smul.u32 $0xF7A, s1;
	s8 =	simm.s32 @!p0 $0x1BF5;
	p2 =	por !p2, p0  }
0x20: {  	[sflag:s8] =	ssyncset.s32 @!p0 $0xFFFFF086;
	s6 =	sadd.s32 @!p0 s3, s7;
	s7 =	simm.s32 @!p0 $0x108  }
0x21: {  	s3 =	sadd.s32 s3, s9;
	s6 =	sadd.s32 @!p0 $0x88, s6;
	s7 =	simm.s32 @p2 $0x1082  }
0x22: {  	[simem:s7], [sflag:s8] =	dma.local @!p0 [hbm:s6], $0xF7A  }
0x23: {  	s9 =	sor.u32 $0xD0000000, s2;
	s6 =	simm.s32 $0x108;
	_ =	swait.ge @!p0 [sflag:s8], $0x0  }
0x24: {  	s3 =	sadd.s32 $0x88, s3;
	s6 =	simm.s32 @!p1 $0x1082;
	[sflag:s4] =	ssyncset.s32 $0xFFFFF086  }
0x25: {  	[simem:s6], [sflag:s4] =	dma.local [hbm:s3], $0xF7A  }
0x26: {  	[smem:$0x3F90] =	sst s1;
	(tag) =	ssettag s2;
	_ =	strace s9  }
0x27: {  	s1 =	sld [smem:$0x3FA0]  }
0x28: {  	s2 =	sld [smem:$0x3FA1]  }
0x29: {  	s4 =	sld [smem:$0x3FA3]  }
0x2a: {  	p0 =	seq.s32 s5, $0x0;
	s5 =	sld [smem:$0x3FA4]  }
0x2b: {  	s6 =	sld [smem:$0x3FA5]  }
0x2c: {  	s7 =	sld [smem:$0x3FA6]  }
0x2d: {  	s3 =	simm.s32 $0x108;
	s8 =	sld [smem:$0x3FA7]  }
0x2e: {  	s3 =	simm.s32 @!p0 $0x1082;
	s9 =	sld [smem:$0x3FA8]  }
0x2f: {  	lr =	sadd.s32 s0, s3;
	s0 =	sld [smem:$0x3F9F]  }
0x30: {  	s3 =	sld [smem:$0x3FA2]  }
0x31: {  	[smem:$0x3FAB] =	sst s10  }
0x32: {  	s10 =	sld [smem:$0x3FA9];
	_ =	sdelay $0x3  }
0x33: {  	p0 =	seq.s32 s10, $0x1;
	s10 =	sld [smem:$0x3FAB];
	_ =	sdelay $0x3  }
0x34: {  	[smem:$0x3FAB] =	sst s10  }
0x35: {  	s10 =	sld [smem:$0x3FAA];
	_ =	sdelay $0x3  }
0x36: {  	p1 =	seq.s32 s10, $0x1;
	s10 =	sld [smem:$0x3FAB];
	_ =	sdelay $0x3  }
0x37: {  	[smem:$0x3FAB] =	sst s10  }
0x38: {  	s10 =	sld [smem:$0x3FAC]  }
0x39: {  	_ = 	snop;
	(pc) =	sbr.ind lr, $3  }
0x3a: {  	_ = 	snop  }
0x3b: {  	_ = 	snop  }
0x3c: {  	p2 =	seq.s32 s10, $0x1;
	s10 =	sld [smem:$0x3FAB]  }
0x3d: {  	_ =	shalt  }
0x3e: {  	_ =	shalt  }
0x3f: {  	_ =	shalt  }
0x40: {  	_ =	shalt  }
0x41: {  	_ =	shalt  }
0x42: {  	_ =	shalt  }
0x43: {  	_ =	shalt  }
0x44: {  	_ =	shalt  }
0x45: {  	_ =	shalt  }
0x46: {  	_ =	shalt  }
0x47: {  	_ =	shalt  }
0x48: {  	_ =	shalt  }
0x49: {  	_ =	shalt  }
0x4a: {  	_ =	shalt  }
0x4b: {  	_ =	shalt  }
0x4c: {  	_ =	shalt  }
0x4d: {  	_ =	shalt  }
0x4e: {  	_ =	shalt  }
0x4f: {  	_ =	shalt  }
0x50: {  	_ =	shalt  }
0x51: {  	_ =	shalt  }
0x52: {  	_ =	shalt  }
0x53: {  	_ =	shalt  }
0x54: {  	_ =	shalt  }
0x55: {  	_ =	shalt  }
0x56: {  	_ =	shalt  }
0x57: {  	_ =	shalt  }
0x58: {  	_ =	shalt  }
0x59: {  	_ =	shalt  }
0x5a: {  	_ =	shalt  }
0x5b: {  	_ =	shalt  }
0x5c: {  	_ =	shalt  }
0x5d: {  	_ =	shalt  }
0x5e: {  	_ =	shalt  }
0x5f: {  	_ =	shalt  }
0x60: {  	_ =	shalt  }
0x61: {  	_ =	shalt  }
0x62: {  	_ =	shalt  }
0x63: {  	_ =	shalt  }
0x64: {  	_ =	shalt  }
0x65: {  	_ =	shalt  }
0x66: {  	_ =	shalt  }
0x67: {  	_ =	shalt  }
0x68: {  	_ =	shalt  }
0x69: {  	_ =	shalt  }
0x6a: {  	_ =	shalt  }
0x6b: {  	_ =	shalt  }
0x6c: {  	_ =	shalt  }
0x6d: {  	_ =	shalt  }
0x6e: {  	_ =	shalt  }
0x6f: {  	_ =	shalt  }
0x70: {  	_ =	shalt  }
0x71: {  	_ =	shalt  }
0x72: {  	_ =	shalt  }
0x73: {  	_ =	shalt  }
0x74: {  	_ =	shalt  }
0x75: {  	_ =	shalt  }
0x76: {  	_ =	shalt  }
0x77: {  	_ =	shalt  }
0x78: {  	_ =	shalt  }
0x79: {  	_ =	shalt  }
0x7a: {  	_ =	shalt  }
0x7b: {  	_ =	shalt  }
0x7c: {  	_ =	shalt  }
0x7d: {  	_ =	shalt  }
0x7e: {  	_ =	shalt  }
0x7f: {  	_ =	shalt  }
0x80: {  	_ =	shalt  }
0x81: {  	_ =	shalt  }
0x82: {  	_ =	shalt  }
0x83: {  	_ =	shalt  }
0x84: {  	_ =	shalt  }
0x85: {  	_ =	shalt  }
0x86: {  	_ =	shalt  }
0x87: {  	_ =	shalt  }
.Lfunc_end0:
.L_simem_size_0:
called_computation_lowered:
.L_overlay_start_0:
0x88: {  	s2 =	sld [smem:$0x3FD9]  }
0x89: {  	s3 =	sld [smem:$0x3FFE];
	_ =	sdelay $0x1  }
0x8a: {  	s1 =	srdreg.scid  }
0x8b: {  	s0 =	sand.u32 $0x1, s1  }
0x8c: {  	s17 =	sshll.u32 s0, $0xA;
	s2 =	sadd.s32 s3, s2  }
0x8d: {  	s2 =	sadd.s32 s2, s17  }
0x8e: {  	[smem:$0x3FB7] =	sst s2  }
0x8f: {  	_ = 	snop  }
0x90: {  	s2 =	sld [smem:$0x3FD0];
	(tm) =	ssettm $0x1  }
0x91: {  	s18 =	sld [smem:$0x3FFB];
	_ =	sdelay $0x3  }
0x92: {  	_ =	strace s18  }
0x93: {  	s3 =	sld [smem:$0x3FFC];
	_ =	sdelay $0x3  }
0x94: {  	_ =	strace s3  }
0x95: {  	s3 =	sld [smem:$0x3FFD];
	_ =	sdelay $0x3  }
0x96: {  	_ =	strace s3  }
0x97: {  	_ =	strace $0x8FFFFFFF  }
0x98: {  	s19 =	sld [smem:$0x3FDB];
	_ =	sdelay $0x1  }
0x99: {  	s4 =	simm.s32 $_scs_section_size  }
0x9a: {  	s5 =	simm.s32 $_size__tile_overlayer_lowered;
	s6 =	simm.s32 $_tile_overlayer_lowered  }
0x9b: {  	s22 =	simm.s32 $0x1BFF;
	s21 =	sshll.u32 s6, $0x1;
	s3 =	sadd.s32 s4, s19  }
0x9c: {  	s7 =	simm.s32 $0x0;
	s20 =	sshll.u32 s5, $0x1;
	s5 =	sadd.s32 s21, s3  }
0x9d: {  	[timem:s7], [sflag:s22] =	dma.local [hbm:s5], s20  }
0x9e: {  	_ =	swait.ge [sflag:s22], s20  }
0x9f: {  	s4 =	ssub.s32 $0x0, s20;
	[sflag:s22] =	ssyncset.done $0x0  }
0xa0: {  	[sflag:s22] =	ssyncadd.s32 s4;
	_ =	sdelay $0x1  }
0xa1: {  	s23 =	simm.s32 $0x1B8B  }
0xa2: {  	_ =	swait.ge [sflag:s23], $0x1  }
0xa3: {  	[sflag:s23] =	ssyncset.done $0x0  }
0xa4: {  	s25 =	simm.s32 $0x1B8E;
	s24 =	sld [smem:$0x3FFE];
	[sflag:s23] =	ssyncadd.s32 $0xFFFFFFFF  }
0xa5: {  	s26 =	simm.s32 $execute0_lowered;
	[smem:$0x3FD2] =	sst s25  }
0xa6: {  	s5 =	sshll.u32 s26, $0x1;
	_ =	strace $0x80000046;
	[dreg:$0x1] =	wrdreg $0xFFFFFFFF  }
0xa7: {  	s28 =	simm.s32 $_size_execute0_lowered;
	s3 =	sadd.s32 s3, s5;
	[dreg:$0x0] =	wrdreg $0x0  }
0xa8: {  	s5 =	sshll.u32 s28, $0x1;
	[dreg:$0x2] =	wrdreg s3  }
0xa9: {  	[dreg:$0x3] =	wrdreg s5  }
0xaa: {  	[dreg:$0x4] =	wrdreg $0xC0  }
0xab: {  	_ =	task [dreg:s7], $0x5FFFF  }
0xac: {  	[dreg:$0x1] =	wrdreg $0xFFFFFFFF  }
0xad: {  	[dreg:$0x0] =	wrdreg $0x60  }
0xae: {  	[dreg:$0x2] =	wrdreg s2  }
0xaf: {  	[dreg:$0x3] =	wrdreg s24  }
0xb0: {  	[dreg:$0x4] =	wrdreg $0x9  }
0xb1: {  	_ =	task.clear_ibuf [dreg:s7], $0x5FFFF;
	_ =	strace $0x90000046  }
0xb2: {  	s29 =	simm.s32 $0x9;
	_ =	strace $0x80000048  }
0xb3: {  	_ =	swait.ge [sflag:s29], $0x1  }
0xb4: {  	[sflag:s29] =	ssyncadd.s32 $0xFFFFFFFF  }
0xb5: {  	_ =	strace $0x90000048  }
0xb6: {  	_ =	sfence  }
0xb7: {  	s30 =	sld [smem:$0x0];
	_ =	sdelay $0x2  }
0xb8: {  	s31 =	sshll.u32 s1, $0xD;
	s1 =	sshrl.u32 s1, $0x2  }
0xb9: {  	s3 =	sand.u32 $0x4000, s31;
	s1 =	sadd.s32 s1, s30  }
0xba: {  	s0 =	sor.u32 s3, s0;
	s1 =	sshll.u32 s1, $0x11  }
0xbb: {  	s0 =	sor.u32 s1, s0  }
0xbc: {  	s0 =	sadd.s32 $0x8F2B, s0  }
0xbd: {  	[sflag:s0] =	ssyncadd.remote.s32 $0x1  }
0xbe: {  	_ =	sfence.sel $0xFFFF  }
0xbf: {  	[dreg:$0x0] =	wrdreg $0xFFFFFFFF;
	(pc) =	sbr.abs _section_cstart, $3  }
0xc0: {  	[dreg:$0x1] =	wrdreg $0xFFFFFFFF  }
0xc1: {  	_ =	task.clear_ibuf [dreg:s7], $0x2FFFF;
	_ =	strace $0x9FFFFFFF  }
0xc2: {  	(tm) =	ssettm $0x7FFFFFFF  }
0xc3: {  	_ =	shalt  }
tec
execute0_lowered:
.L_overlay_start_1:
0x0: {  	(tag) =	ssettag $0x1  }
0x1: {  	s4 =	rddreg [dreg:$0x0];
	s2 =	srdreg.scid  }
0x2: {  	s3 =	rddreg [dreg:$0x1];
	s5 =	sand.u32 $0x1, s2;
	s2 =	simm.s32 $0x0  }
0x3: {  	s18 =	simm.s32 $0x280;
	[smem:$0x7FF] =	sst s2  }
0x4: {  	s19 =	simm.s32 $0x300;
	_ =	strace $0x80000047;
	[dreg:$0x4] =	wrdreg s18  }
0x5: {  	s20 =	simm.s32 $0x380;
	[dreg:$0x5] =	wrdreg s19  }
0x6: {  	s21 =	simm.s32 $0x480;
	[dreg:$0x6] =	wrdreg s20  }
0x7: {  	s22 =	simm.s32 $0x500;
	[dreg:$0x7] =	wrdreg s21  }
0x8: {  	s23 =	simm.s32 $0x580;
	[dreg:$0x8] =	wrdreg s22  }
0x9: {  	s24 =	simm.s32 $0x600;
	[dreg:$0x9] =	wrdreg s23  }
0xa: {  	s25 =	simm.s32 $0x680;
	[dreg:$0xa] =	wrdreg s24  }
0xb: {  	s26 =	simm.s32 $0x700;
	[dreg:$0xb] =	wrdreg s25  }
0xc: {  	s28 =	simm.s32 $0x780;
	[dreg:$0xc] =	wrdreg s26  }
0xd: {  	s29 =	simm.s32 $0x800;
	[dreg:$0xd] =	wrdreg s28  }
0xe: {  	s30 =	simm.s32 $0x880;
	[dreg:$0xe] =	wrdreg s29  }
0xf: {  	s31 =	simm.s32 $0x900;
	[dreg:$0xf] =	wrdreg s30  }
0x10: {  	s1 =	simm.s32 $0x980;
	[dreg:$0x10] =	wrdreg s31  }
0x11: {  	s8 =	simm.s32 $0xA80;
	[dreg:$0x11] =	wrdreg s1  }
0x12: {  	s9 =	simm.s32 $0xB00;
	[dreg:$0x13] =	wrdreg s8  }
0x13: {  	s10 =	simm.s32 $0xB80;
	[dreg:$0x14] =	wrdreg s9  }
0x14: {  	s11 =	simm.s32 $0xC00;
	[dreg:$0x15] =	wrdreg s10  }
0x15: {  	s12 =	simm.s32 $0xC80;
	[dreg:$0x16] =	wrdreg s11  }
0x16: {  	s13 =	simm.s32 $0xD00;
	[dreg:$0x17] =	wrdreg s12  }
0x17: {  	s0 =	stileid.u32;
	s14 =	simm.s32 $0xD80;
	[dreg:$0x18] =	wrdreg s13  }
0x18: {  	s15 =	simm.s32 $0xE00;
	s16 =	simm.s32 $0xE80;
	[dreg:$0x19] =	wrdreg s14  }
0x19: {  	s17 =	simm.s32 $0xF00;
	s6 =	sshll.u32 s0, $0xE;
	[dreg:$0x1a] =	wrdreg s15  }
0x1a: {  	s6 =	sadd.s32 s6, s3;
	s7 =	sshll.u32 s5, $0xD;
	[dreg:$0x1b] =	wrdreg s16  }
0x1b: {  	s6 =	sadd.s32 s7, s6;
	s7 =	simm.s32 $0xA00;
	[dreg:$0x1c] =	wrdreg s17  }
0x1c: {  	s18 =	simm.s32 $0xF80;
	[dreg:$0x12] =	wrdreg s7  }
0x1d: {  	s19 =	simm.s32 $0x1000;
	[dreg:$0x1d] =	wrdreg s18  }
0x1e: {  	s20 =	simm.s32 $0x1080;
	[dreg:$0x1e] =	wrdreg s19  }
0x1f: {  	s21 =	simm.s32 $0x1100;
	[dreg:$0x1f] =	wrdreg s20  }
0x20: {  	s22 =	simm.s32 $0x1180;
	[smem:$0x7DC] =	sst s21  }
0x21: {  	s23 =	simm.s32 $0x1200;
	[smem:$0x7DD] =	sst s22  }
0x22: {  	s24 =	simm.s32 $0x1280;
	[smem:$0x7DE] =	sst s23  }
0x23: {  	s25 =	simm.s32 $0x1300;
	[smem:$0x7DF] =	sst s24  }
0x24: {  	s26 =	simm.s32 $0x1380;
	[smem:$0x7E0] =	sst s25  }
0x25: {  	s28 =	simm.s32 $0x1400;
	[smem:$0x7E1] =	sst s26  }
0x26: {  	s29 =	simm.s32 $0x1480;
	[smem:$0x7E2] =	sst s28  }
0x27: {  	s30 =	simm.s32 $0x1500;
	[smem:$0x7E3] =	sst s29  }
0x28: {  	s31 =	simm.s32 $0x1580;
	[smem:$0x7E4] =	sst s30  }
0x29: {  	s1 =	simm.s32 $0x1600;
	[smem:$0x7E5] =	sst s31  }
0x2a: {  	s8 =	simm.s32 $0x1700;
	[smem:$0x7E6] =	sst s1  }
0x2b: {  	s9 =	simm.s32 $0x1780;
	[smem:$0x7E8] =	sst s8  }
0x2c: {  	s10 =	simm.s32 $0x1800;
	[smem:$0x7E9] =	sst s9  }
0x2d: {  	s11 =	simm.s32 $0x1880;
	[smem:$0x7EA] =	sst s10  }
0x2e: {  	s12 =	simm.s32 $0x1900;
	[smem:$0x7EB] =	sst s11  }
0x2f: {  	s13 =	simm.s32 $0x1980;
	[smem:$0x7EC] =	sst s12  }
0x30: {  	s15 =	simm.s32 $0x1A00;
	[smem:$0x7ED] =	sst s13  }
0x31: {  	s16 =	simm.s32 $0x1A80;
	[smem:$0x7EE] =	sst s15  }
0x32: {  	s17 =	simm.s32 $0x1B00;
	[smem:$0x7EF] =	sst s16  }
0x33: {  	s6 =	sadd.s32 $0xF44A00, s6;
	[smem:$0x7F0] =	sst s17  }
0x34: {  	s7 =	simm.s32 $0x1680;
	[dreg:$0x3] =	wrdreg s6  }
0x35: {  	s19 =	simm.s32 $0x1B80;
	[smem:$0x7E7] =	sst s7  }
0x36: {  	s20 =	simm.s32 $0x1C00;
	[smem:$0x7F1] =	sst s19  }
0x37: {  	s3 =	sadd.s32 $0x2600, s3;
	s21 =	simm.s32 $0x1C80;
	[smem:$0x7F2] =	sst s20  }
0x38: {  	s14 =	ssub.s32 $0x2, s5;
	s22 =	simm.s32 $0x1D00;
	[smem:$0x7F3] =	sst s21  }
0x39: {  	s5 =	sshll.u32 s5, $0x4;
	s23 =	simm.s32 $0x1D80;
	[smem:$0x7F4] =	sst s22  }
0x3a: {  	s8 =	sshrl.u32 s14, $0x1;
	s24 =	simm.s32 $0x1E00;
	[smem:$0x7F5] =	sst s23  }
0x3b: {  	s18 =	sshll.u32 s0, $0x7;
	s25 =	simm.s32 $0x1E80;
	[smem:$0x7F6] =	sst s24  }
0x3c: {  	s9 =	sshll.u32 s0, $0x5;
	s26 =	simm.s32 $0x1F00;
	[smem:$0x7F7] =	sst s25  }
0x3d: {  	s28 =	simm.s32 $0x1F80;
	s29 =	simm.s32 $0x2000;
	[smem:$0x7F8] =	sst s26  }
0x3e: {  	s30 =	simm.s32 $0x2080;
	s10 =	simm.s32 $0x2100;
	[smem:$0x7F9] =	sst s28  }
0x3f: {  	s31 =	simm.s32 $0x2180;
	s11 =	simm.s32 $0x0;
	[smem:$0x7FA] =	sst s29  }
0x40: {  	s7 =	ssub.s32 s14, s8;
	s8 =	sand.u32 $0x600, s18;
	[smem:$0x7FB] =	sst s30  }
0x41: {  	s5 =	sor.u32 s5, s9;
	s6 =	simm.s32 $0x80;
	[smem:$0x7FC] =	sst s10  }
0x42: {  	s9 =	simm.s32 $0x200;
	[smem:$0x7FD] =	sst s31;
	s10 =	simm.s32 $0x1  }
0x43: {  	s5 =	sand.u32 $0x70, s5;
	s4 =	sadd.s32 s4, s8;
	s8 =	simm.s32 $0x2  }
0x44: {  	s4 =	sadd.s32 s5, s4;
	s5 =	smax.u32 s7, $0x1;
	s7 =	simm.s32 $0x400  }
.LBB2_1:
0x45: {  	[tilespmem:s2], [sflag:$0x2] =	stream.strided.gather [hbm4b:s4+s6], $0x200, s7, s6, $0x38;
	[tilespmem:$0x2200] =	vst v63  }
0x46: {  	_ =	swait.ge [sflag:s8], $0x200  }
0x47: {  	[sflag:s8] =	ssyncset.done $0x0  }
0x48: {  	s12 =	simm.s32 $0x20;
	[sflag:s8] =	ssyncadd.s32 $0xFFFFFE00  }
0x49: {  	v0 =	vld [tilespmem:s12+$0xFFFFFFE0];
	_ =	sdelay $0x4  }
0x4a: {  	v0 =	vshll.u32 v0, $0x4  }
0x4b: {  	(v2sf) =	vpush v0, $0x0;
	_ =	sdelay $0x1  }
0x4c: {  	(v2sf) =	vpush v0, $0x1;
	_ =	sdelay $0x1  }
0x4d: {  	(v2sf) =	vpush v0, $0x2;
	_ =	sdelay $0x2  }
0x4e: {  	(v2sf) =	vpush v0, $0x3;
	_ =	sdelay $0x7  }
0x4f: {  	s13 =	spop (v2sf);
	(v2sf) =	vpush v0, $0x4;
	_ =	sdelay $0x1  }
0x50: {  	s14 =	spop (v2sf);
	(v2sf) =	vpush v0, $0x5;
	_ =	sdelay $0x1  }
0x51: {  	s17 =	spop (v2sf);
	(v2sf) =	vpush v0, $0x6;
	_ =	sdelay $0x2  }
0x52: {  	s19 =	spop (v2sf);
	(v2sf) =	vpush v0, $0x7;
	_ =	sdelay $0x1  }
0x53: {  	s13 =	sand.u32 $0x1FFFFFF0, s13  }
0x54: {  	s13 =	sadd.s32 s3, s13;
	s14 =	sand.u32 $0x1FFFFFF0, s14  }
0x55: {  	[tilespmem:s9], [sflag:$0x1] =	stream.linear.gather [hbm4b:s13+s2], $0x80, $0x38;
	[tilespmem:$0x2200] =	vst v63  }
0x56: {  	s15 =	rddreg [dreg:$0x4];
	s14 =	sadd.s32 s3, s14  }
0x57: {  	[tilespmem:s15], [sflag:$0x1] =	stream.linear.gather [hbm4b:s14+s2], $0x80, $0x38;
	[tilespmem:$0x2200] =	vst v63  }
0x58: {  	s14 =	sand.u32 $0x1FFFFFF0, s17  }
0x59: {  	s16 =	rddreg [dreg:$0x5];
	s14 =	sadd.s32 s3, s14;
	s20 =	spop (v2sf);
	(v2sf) =	vpush v0, $0x8  }
0x5a: {  	[tilespmem:s16], [sflag:$0x1] =	stream.linear.gather [hbm4b:s14+s2], $0x80, $0x38;
	[tilespmem:$0x2200] =	vst v63  }
0x5b: {  	s22 =	spop (v2sf);
	(v2sf) =	vpush v0, $0x9  }
0x5c: {  	s14 =	sand.u32 $0x1FFFFFF0, s19  }
0x5d: {  	s18 =	rddreg [dreg:$0x6];
	s14 =	sadd.s32 s3, s14;
	s24 =	spop (v2sf);
	(v2sf) =	vpush v0, $0xA  }
0x5e: {  	[tilespmem:s18], [sflag:$0x1] =	stream.linear.gather [hbm4b:s14+s2], $0x80, $0x38;
	[tilespmem:$0x2200] =	vst v63  }
0x5f: {  	s13 =	sand.u32 $0x1FFFFFF0, s20  }
0x60: {  	s13 =	sadd.s32 s3, s13;
	s14 =	sand.u32 $0x1FFFFFF0, s22;
	s26 =	spop (v2sf);
	(v2sf) =	vpush v0, $0xB  }
0x61: {  	[tilespmem:s7], [sflag:$0x1] =	stream.linear.gather [hbm4b:s13+s2], $0x80, $0x38;
	[tilespmem:$0x2200] =	vst v63  }
0x62: {  	s21 =	rddreg [dreg:$0x7];
	s14 =	sadd.s32 s3, s14  }
0x63: {  	[tilespmem:s21], [sflag:$0x1] =	stream.linear.gather [hbm4b:s14+s2], $0x80, $0x38;
	[tilespmem:$0x2200] =	vst v63  }
0x64: {  	s14 =	sand.u32 $0x1FFFFFF0, s24  }
0x65: {  	s23 =	rddreg [dreg:$0x8];
	s14 =	sadd.s32 s3, s14  }
0x66: {  	[tilespmem:s23], [sflag:$0x1] =	stream.linear.gather [hbm4b:s14+s2], $0x80, $0x38;
	[tilespmem:$0x2200] =	vst v63  }
0x67: {  	s14 =	sand.u32 $0x1FFFFFF0, s26  }
0x68: {  	s25 =	rddreg [dreg:$0x9];
	s14 =	sadd.s32 s3, s14;
	s29 =	spop (v2sf);
	(v2sf) =	vpush v0, $0xC  }
0x69: {  	[tilespmem:s25], [sflag:$0x1] =	stream.linear.gather [hbm4b:s14+s2], $0x80, $0x38;
	[tilespmem:$0x2200] =	vst v63  }
0x6a: {  	s31 =	spop (v2sf);
	(v2sf) =	vpush v0, $0xD  }
0x6b: {  	s14 =	sand.u32 $0x1FFFFFF0, s29  }
0x6c: {  	s28 =	rddreg [dreg:$0xa];
	s14 =	sadd.s32 s3, s14;
	s1 =	spop (v2sf)  }
0x6d: {  	(v2sf) =	vpush v0, $0xE;
	[tilespmem:s28], [sflag:$0x1] =	stream.linear.gather [hbm4b:s14+s2], $0x80, $0x38;
	[tilespmem:$0x2200] =	vst v63  }
0x6e: {  	s14 =	sand.u32 $0x1FFFFFF0, s31  }
0x6f: {  	s30 =	rddreg [dreg:$0xb];
	s16 =	spop (v2sf);
	(v2sf) =	vpush v0, $0xF;
	s14 =	sadd.s32 s3, s14  }
0x70: {  	[tilespmem:s30], [sflag:$0x1] =	stream.linear.gather [hbm4b:s14+s2], $0x80, $0x38;
	[tilespmem:$0x2200] =	vst v63  }
0x71: {  	s14 =	sand.u32 $0x1FFFFFF0, s1  }
0x72: {  	s0 =	rddreg [dreg:$0xc];
	s14 =	sadd.s32 s3, s14  }
0x73: {  	[tilespmem:s0], [sflag:$0x1] =	stream.linear.gather [hbm4b:s14+s2], $0x80, $0x38;
	[tilespmem:$0x2200] =	vst v63  }
0x74: {  	s14 =	sand.u32 $0x1FFFFFF0, s16  }
0x75: {  	s15 =	rddreg [dreg:$0xd];
	s14 =	sadd.s32 s3, s14  }
0x76: {  	[tilespmem:s15], [sflag:$0x1] =	stream.linear.gather [hbm4b:s14+s2], $0x80, $0x38;
	[tilespmem:$0x2200] =	vst v63  }
0x77: {  	s18 =	spop (v2sf)  }
0x78: {  	s14 =	sand.u32 $0x1FFFFFF0, s18  }
0x79: {  	s17 =	rddreg [dreg:$0xe];
	s20 =	spop (v2sf);
	s14 =	sadd.s32 s3, s14  }
0x7a: {  	[tilespmem:s17], [sflag:$0x1] =	stream.linear.gather [hbm4b:s14+s2], $0x80, $0x38;
	[tilespmem:$0x2200] =	vst v63  }
0x7b: {  	s14 =	sand.u32 $0x1FFFFFF0, s20  }
0x7c: {  	s19 =	rddreg [dreg:$0xf];
	s22 =	spop (v2sf);
	s14 =	sadd.s32 s3, s14  }
0x7d: {  	[tilespmem:s19], [sflag:$0x1] =	stream.linear.gather [hbm4b:s14+s2], $0x80, $0x38;
	[tilespmem:$0x2200] =	vst v63  }
0x7e: {  	s23 =	spop (v2sf);
	s14 =	sand.u32 $0x1FFFFFF0, s22  }
0x7f: {  	s21 =	rddreg [dreg:$0x10];
	s13 =	sand.u32 $0x1FFFFFF0, s23;
	s14 =	sadd.s32 s3, s14  }
0x80: {  	[tilespmem:s21], [sflag:$0x1] =	stream.linear.gather [hbm4b:s14+s2], $0x80, $0x38;
	[tilespmem:$0x2200] =	vst v63  }
0x81: {  	s24 =	rddreg [dreg:$0x11];
	s13 =	sadd.s32 s3, s13  }
0x82: {  	[tilespmem:s24], [sflag:$0x1] =	stream.linear.gather [hbm4b:s13+s2], $0x80, $0x38;
	[tilespmem:$0x2200] =	vst v63  }
0x83: {  	v61 =	vld [tilespmem:s12+$0xFFFFFFF0];
	_ =	sdelay $0x4  }
0x84: {  	v0 =	vshll.u32 v61, $0x4  }
0x85: {  	(v2sf) =	vpush v0, $0x0;
	_ =	sdelay $0x1  }
0x86: {  	(v2sf) =	vpush v0, $0x1;
	_ =	sdelay $0x1  }
0x87: {  	(v2sf) =	vpush v0, $0x2;
	_ =	sdelay $0x2  }
0x88: {  	(v2sf) =	vpush v0, $0x3;
	_ =	sdelay $0x7  }
0x89: {  	s26 =	spop (v2sf);
	(v2sf) =	vpush v0, $0x4;
	_ =	sdelay $0x1  }
0x8a: {  	s29 =	spop (v2sf);
	(v2sf) =	vpush v0, $0x5;
	_ =	sdelay $0x1  }
0x8b: {  	s31 =	spop (v2sf);
	(v2sf) =	vpush v0, $0x6;
	_ =	sdelay $0x1  }
0x8c: {  	s14 =	sand.u32 $0x1FFFFFF0, s26  }
0x8d: {  	s25 =	rddreg [dreg:$0x12];
	s14 =	sadd.s32 s3, s14;
	s1 =	spop (v2sf);
	(v2sf) =	vpush v0, $0x7  }
0x8e: {  	[tilespmem:s25], [sflag:$0x1] =	stream.linear.gather [hbm4b:s14+s2], $0x80, $0x38;
	[tilespmem:$0x2200] =	vst v63  }
0x8f: {  	s14 =	sand.u32 $0x1FFFFFF0, s29  }
0x90: {  	s28 =	rddreg [dreg:$0x13];
	s14 =	sadd.s32 s3, s14  }
0x91: {  	[tilespmem:s28], [sflag:$0x1] =	stream.linear.gather [hbm4b:s14+s2], $0x80, $0x38;
	[tilespmem:$0x2200] =	vst v63  }
0x92: {  	s14 =	sand.u32 $0x1FFFFFF0, s31  }
0x93: {  	s30 =	rddreg [dreg:$0x14];
	s14 =	sadd.s32 s3, s14  }
0x94: {  	[tilespmem:s30], [sflag:$0x1] =	stream.linear.gather [hbm4b:s14+s2], $0x80, $0x38;
	[tilespmem:$0x2200] =	vst v63  }
0x95: {  	s16 =	spop (v2sf);
	(v2sf) =	vpush v0, $0x8  }
0x96: {  	s14 =	sand.u32 $0x1FFFFFF0, s1  }
0x97: {  	s0 =	rddreg [dreg:$0x15];
	s14 =	sadd.s32 s3, s14;
	s18 =	spop (v2sf);
	(v2sf) =	vpush v0, $0x9  }
0x98: {  	[tilespmem:s0], [sflag:$0x1] =	stream.linear.gather [hbm4b:s14+s2], $0x80, $0x38;
	[tilespmem:$0x2200] =	vst v63  }
0x99: {  	s14 =	sand.u32 $0x1FFFFFF0, s16;
	s20 =	spop (v2sf);
	(v2sf) =	vpush v0, $0xA  }
0x9a: {  	s15 =	rddreg [dreg:$0x16];
	s14 =	sadd.s32 s3, s14  }
0x9b: {  	[tilespmem:s15], [sflag:$0x1] =	stream.linear.gather [hbm4b:s14+s2], $0x80, $0x38;
	[tilespmem:$0x2200] =	vst v63  }
0x9c: {  	s22 =	spop (v2sf);
	(v2sf) =	vpush v0, $0xB  }
0x9d: {  	s14 =	sand.u32 $0x1FFFFFF0, s18  }
0x9e: {  	s17 =	rddreg [dreg:$0x17];
	s14 =	sadd.s32 s3, s14  }
0x9f: {  	[tilespmem:s17], [sflag:$0x1] =	stream.linear.gather [hbm4b:s14+s2], $0x80, $0x38;
	[tilespmem:$0x2200] =	vst v63  }
0xa0: {  	s14 =	sand.u32 $0x1FFFFFF0, s20  }
0xa1: {  	s19 =	rddreg [dreg:$0x18];
	s14 =	sadd.s32 s3, s14  }
0xa2: {  	[tilespmem:s19], [sflag:$0x1] =	stream.linear.gather [hbm4b:s14+s2], $0x80, $0x38;
	[tilespmem:$0x2200] =	vst v63  }
0xa3: {  	s14 =	sand.u32 $0x1FFFFFF0, s22  }
0xa4: {  	s21 =	rddreg [dreg:$0x19];
	s14 =	sadd.s32 s3, s14;
	s24 =	spop (v2sf);
	(v2sf) =	vpush v0, $0xC  }
0xa5: {  	[tilespmem:s21], [sflag:$0x1] =	stream.linear.gather [hbm4b:s14+s2], $0x80, $0x38;
	[tilespmem:$0x2200] =	vst v63  }
0xa6: {  	s26 =	spop (v2sf);
	(v2sf) =	vpush v0, $0xD  }
0xa7: {  	s14 =	sand.u32 $0x1FFFFFF0, s24  }
0xa8: {  	s23 =	rddreg [dreg:$0x1a];
	s14 =	sadd.s32 s3, s14;
	s29 =	spop (v2sf)  }
0xa9: {  	(v2sf) =	vpush v0, $0xE;
	[tilespmem:s23], [sflag:$0x1] =	stream.linear.gather [hbm4b:s14+s2], $0x80, $0x38;
	[tilespmem:$0x2200] =	vst v63  }
0xaa: {  	s14 =	sand.u32 $0x1FFFFFF0, s26  }
0xab: {  	s25 =	rddreg [dreg:$0x1b];
	s31 =	spop (v2sf);
	(v2sf) =	vpush v0, $0xF;
	s14 =	sadd.s32 s3, s14  }
0xac: {  	[tilespmem:s25], [sflag:$0x1] =	stream.linear.gather [hbm4b:s14+s2], $0x80, $0x38;
	[tilespmem:$0x2200] =	vst v63  }
0xad: {  	s14 =	sand.u32 $0x1FFFFFF0, s29  }
0xae: {  	s28 =	rddreg [dreg:$0x1c];
	s14 =	sadd.s32 s3, s14  }
0xaf: {  	[tilespmem:s28], [sflag:$0x1] =	stream.linear.gather [hbm4b:s14+s2], $0x80, $0x38;
	[tilespmem:$0x2200] =	vst v63  }
0xb0: {  	s14 =	sand.u32 $0x1FFFFFF0, s31  }
0xb1: {  	s30 =	rddreg [dreg:$0x1d];
	s14 =	sadd.s32 s3, s14  }
0xb2: {  	[tilespmem:s30], [sflag:$0x1] =	stream.linear.gather [hbm4b:s14+s2], $0x80, $0x38;
	[tilespmem:$0x2200] =	vst v63  }
0xb3: {  	s1 =	spop (v2sf)  }
0xb4: {  	s14 =	sand.u32 $0x1FFFFFF0, s1  }
0xb5: {  	s0 =	rddreg [dreg:$0x1e];
	s16 =	spop (v2sf);
	s14 =	sadd.s32 s3, s14  }
0xb6: {  	[tilespmem:s0], [sflag:$0x1] =	stream.linear.gather [hbm4b:s14+s2], $0x80, $0x38;
	[tilespmem:$0x2200] =	vst v63  }
0xb7: {  	s15 =	rddreg [dreg:$0x1f];
	s14 =	sand.u32 $0x1FFFFFF0, s16  }
0xb8: {  	s17 =	sld [smem:$0x7DC];
	s18 =	spop (v2sf);
	s14 =	sadd.s32 s3, s14  }
0xb9: {  	[tilespmem:s15], [sflag:$0x1] =	stream.linear.gather [hbm4b:s14+s2], $0x80, $0x38;
	[tilespmem:$0x2200] =	vst v63  }
0xba: {  	s19 =	spop (v2sf);
	s14 =	sand.u32 $0x1FFFFFF0, s18  }
0xbb: {  	s20 =	sld [smem:$0x7DD];
	s13 =	sand.u32 $0x1FFFFFF0, s19;
	s14 =	sadd.s32 s3, s14  }
0xbc: {  	[tilespmem:s17], [sflag:$0x1] =	stream.linear.gather [hbm4b:s14+s2], $0x80, $0x38;
	[tilespmem:$0x2200] =	vst v63  }
0xbd: {  	s13 =	sadd.s32 s3, s13  }
0xbe: {  	[tilespmem:s20], [sflag:$0x1] =	stream.linear.gather [hbm4b:s13+s2], $0x80, $0x38;
	[tilespmem:$0x2200] =	vst v63  }
0xbf: {  	v62 =	vld [tilespmem:s12+$0x0];
	_ =	sdelay $0x4  }
0xc0: {  	v0 =	vshll.u32 v62, $0x4  }
0xc1: {  	(v2sf) =	vpush v0, $0x0;
	_ =	sdelay $0x1  }
0xc2: {  	(v2sf) =	vpush v0, $0x1;
	_ =	sdelay $0x1  }
0xc3: {  	(v2sf) =	vpush v0, $0x2;
	_ =	sdelay $0x4  }
0xc4: {  	(v2sf) =	vpush v0, $0x3;
	_ =	sdelay $0x5  }
0xc5: {  	s22 =	spop (v2sf);
	(v2sf) =	vpush v0, $0x4;
	_ =	sdelay $0x1  }
0xc6: {  	s24 =	spop (v2sf);
	(v2sf) =	vpush v0, $0x5;
	_ =	sdelay $0x1  }
0xc7: {  	s26 =	spop (v2sf);
	(v2sf) =	vpush v0, $0x6  }
0xc8: {  	s21 =	sld [smem:$0x7DE]  }
0xc9: {  	s14 =	sand.u32 $0x1FFFFFF0, s22  }
0xca: {  	s23 =	sld [smem:$0x7DF];
	s14 =	sadd.s32 s3, s14  }
0xcb: {  	[tilespmem:s21], [sflag:$0x1] =	stream.linear.gather [hbm4b:s14+s2], $0x80, $0x38;
	[tilespmem:$0x2200] =	vst v63  }
0xcc: {  	s14 =	sand.u32 $0x1FFFFFF0, s24;
	s29 =	spop (v2sf);
	(v2sf) =	vpush v0, $0x7  }
0xcd: {  	s25 =	sld [smem:$0x7E0];
	s14 =	sadd.s32 s3, s14  }
0xce: {  	[tilespmem:s23], [sflag:$0x1] =	stream.linear.gather [hbm4b:s14+s2], $0x80, $0x38;
	[tilespmem:$0x2200] =	vst v63  }
0xcf: {  	s14 =	sand.u32 $0x1FFFFFF0, s26  }
0xd0: {  	s14 =	sadd.s32 s3, s14  }
0xd1: {  	[tilespmem:s25], [sflag:$0x1] =	stream.linear.gather [hbm4b:s14+s2], $0x80, $0x38;
	[tilespmem:$0x2200] =	vst v63  }
0xd2: {  	s28 =	sld [smem:$0x7E1];
	s31 =	spop (v2sf);
	(v2sf) =	vpush v0, $0x8  }
0xd3: {  	s14 =	sand.u32 $0x1FFFFFF0, s29  }
0xd4: {  	s14 =	sadd.s32 s3, s14;
	s1 =	spop (v2sf);
	(v2sf) =	vpush v0, $0x9  }
0xd5: {  	[tilespmem:s28], [sflag:$0x1] =	stream.linear.gather [hbm4b:s14+s2], $0x80, $0x38;
	[tilespmem:$0x2200] =	vst v63  }
0xd6: {  	s30 =	sld [smem:$0x7E2];
	s16 =	spop (v2sf);
	(v2sf) =	vpush v0, $0xA  }
0xd7: {  	s14 =	sand.u32 $0x1FFFFFF0, s31  }
0xd8: {  	s0 =	sld [smem:$0x7E3];
	s14 =	sadd.s32 s3, s14  }
0xd9: {  	[tilespmem:s30], [sflag:$0x1] =	stream.linear.gather [hbm4b:s14+s2], $0x80, $0x38;
	[tilespmem:$0x2200] =	vst v63  }
0xda: {  	s14 =	sand.u32 $0x1FFFFFF0, s1  }
0xdb: {  	s15 =	sld [smem:$0x7E4];
	s18 =	spop (v2sf);
	s14 =	sadd.s32 s3, s14  }
0xdc: {  	(v2sf) =	vpush v0, $0xB;
	[tilespmem:s0], [sflag:$0x1] =	stream.linear.gather [hbm4b:s14+s2], $0x80, $0x38;
	[tilespmem:$0x2200] =	vst v63  }
0xdd: {  	s14 =	sand.u32 $0x1FFFFFF0, s16  }
0xde: {  	s17 =	sld [smem:$0x7E5];
	s14 =	sadd.s32 s3, s14  }
0xdf: {  	[tilespmem:s15], [sflag:$0x1] =	stream.linear.gather [hbm4b:s14+s2], $0x80, $0x38;
	[tilespmem:$0x2200] =	vst v63  }
0xe0: {  	s14 =	sand.u32 $0x1FFFFFF0, s18  }
0xe1: {  	s14 =	sadd.s32 s3, s14;
	s20 =	spop (v2sf);
	(v2sf) =	vpush v0, $0xC  }
0xe2: {  	[tilespmem:s17], [sflag:$0x1] =	stream.linear.gather [hbm4b:s14+s2], $0x80, $0x38;
	[tilespmem:$0x2200] =	vst v63  }
0xe3: {  	s19 =	sld [smem:$0x7E6];
	s22 =	spop (v2sf);
	(v2sf) =	vpush v0, $0xD  }
0xe4: {  	s14 =	sand.u32 $0x1FFFFFF0, s20  }
0xe5: {  	s21 =	sld [smem:$0x7E7];
	s14 =	sadd.s32 s3, s14;
	s24 =	spop (v2sf)  }
0xe6: {  	(v2sf) =	vpush v0, $0xE;
	[tilespmem:s19], [sflag:$0x1] =	stream.linear.gather [hbm4b:s14+s2], $0x80, $0x38;
	[tilespmem:$0x2200] =	vst v63  }
0xe7: {  	s14 =	sand.u32 $0x1FFFFFF0, s22  }
0xe8: {  	s23 =	sld [smem:$0x7E8];
	s14 =	sadd.s32 s3, s14  }
0xe9: {  	[tilespmem:s21], [sflag:$0x1] =	stream.linear.gather [hbm4b:s14+s2], $0x80, $0x38;
	[tilespmem:$0x2200] =	vst v63  }
0xea: {  	s14 =	sand.u32 $0x1FFFFFF0, s24  }
0xeb: {  	s25 =	sld [smem:$0x7E9];
	s26 =	spop (v2sf);
	(v2sf) =	vpush v0, $0xF;
	s14 =	sadd.s32 s3, s14  }
0xec: {  	[tilespmem:s23], [sflag:$0x1] =	stream.linear.gather [hbm4b:s14+s2], $0x80, $0x38;
	[tilespmem:$0x2200] =	vst v63  }
0xed: {  	s14 =	sand.u32 $0x1FFFFFF0, s26  }
0xee: {  	s14 =	sadd.s32 s3, s14  }
0xef: {  	[tilespmem:s25], [sflag:$0x1] =	stream.linear.gather [hbm4b:s14+s2], $0x80, $0x38;
	[tilespmem:$0x2200] =	vst v63  }
0xf0: {  	s28 =	sld [smem:$0x7EA];
	s29 =	spop (v2sf)  }
0xf1: {  	s14 =	sand.u32 $0x1FFFFFF0, s29  }
0xf2: {  	s30 =	sld [smem:$0x7EB];
	s31 =	spop (v2sf);
	s14 =	sadd.s32 s3, s14  }
0xf3: {  	[tilespmem:s28], [sflag:$0x1] =	stream.linear.gather [hbm4b:s14+s2], $0x80, $0x38;
	[tilespmem:$0x2200] =	vst v63  }
0xf4: {  	s14 =	sand.u32 $0x1FFFFFF0, s31  }
0xf5: {  	s0 =	sld [smem:$0x7EC];
	s1 =	spop (v2sf);
	s14 =	sadd.s32 s3, s14  }
0xf6: {  	[tilespmem:s30], [sflag:$0x1] =	stream.linear.gather [hbm4b:s14+s2], $0x80, $0x38;
	[tilespmem:$0x2200] =	vst v63  }
0xf7: {  	s14 =	sand.u32 $0x1FFFFFF0, s1  }
0xf8: {  	s14 =	sadd.s32 s3, s14  }
0xf9: {  	[tilespmem:s0], [sflag:$0x1] =	stream.linear.gather [hbm4b:s14+s2], $0x80, $0x38;
	[tilespmem:$0x2200] =	vst v63  }
0xfa: {  	s15 =	sld [smem:$0x7ED];
	s14 =	spop (v2sf)  }
0xfb: {  	s13 =	sand.u32 $0x1FFFFFF0, s14  }
0xfc: {  	s13 =	sadd.s32 s3, s13  }
0xfd: {  	[tilespmem:s15], [sflag:$0x1] =	stream.linear.gather [hbm4b:s13+s2], $0x80, $0x38;
	[tilespmem:$0x2200] =	vst v63  }
0xfe: {  	v63 =	vld [tilespmem:s12+$0x10];
	_ =	sdelay $0x4  }
0xff: {  	v0 =	vshll.u32 v63, $0x4  }
0x100: {  	(v2sf) =	vpush v0, $0x0;
	_ =	sdelay $0x1  }
0x101: {  	(v2sf) =	vpush v0, $0x1;
	_ =	sdelay $0x1  }
0x102: {  	(v2sf) =	vpush v0, $0x2;
	_ =	sdelay $0x2  }
0x103: {  	(v2sf) =	vpush v0, $0x3;
	_ =	sdelay $0x7  }
0x104: {  	s17 =	spop (v2sf);
	(v2sf) =	vpush v0, $0x4;
	_ =	sdelay $0x1  }
0x105: {  	s19 =	spop (v2sf);
	(v2sf) =	vpush v0, $0x5;
	_ =	sdelay $0x1  }
0x106: {  	s21 =	spop (v2sf);
	(v2sf) =	vpush v0, $0x6  }
0x107: {  	s16 =	sld [smem:$0x7EE]  }
0x108: {  	s14 =	sand.u32 $0x1FFFFFF0, s17  }
0x109: {  	s18 =	sld [smem:$0x7EF];
	s14 =	sadd.s32 s3, s14;
	s23 =	spop (v2sf);
	(v2sf) =	vpush v0, $0x7  }
0x10a: {  	[tilespmem:s16], [sflag:$0x1] =	stream.linear.gather [hbm4b:s14+s2], $0x80, $0x38;
	[tilespmem:$0x2200] =	vst v63  }
0x10b: {  	s14 =	sand.u32 $0x1FFFFFF0, s19  }
0x10c: {  	s20 =	sld [smem:$0x7F0];
	s14 =	sadd.s32 s3, s14  }
0x10d: {  	[tilespmem:s18], [sflag:$0x1] =	stream.linear.gather [hbm4b:s14+s2], $0x80, $0x38;
	[tilespmem:$0x2200] =	vst v63  }
0x10e: {  	s14 =	sand.u32 $0x1FFFFFF0, s21  }
0x10f: {  	s14 =	sadd.s32 s3, s14  }
0x110: {  	[tilespmem:s20], [sflag:$0x1] =	stream.linear.gather [hbm4b:s14+s2], $0x80, $0x38;
	[tilespmem:$0x2200] =	vst v63  }
0x111: {  	s22 =	sld [smem:$0x7F1];
	s25 =	spop (v2sf);
	(v2sf) =	vpush v0, $0x8  }
0x112: {  	s14 =	sand.u32 $0x1FFFFFF0, s23  }
0x113: {  	s24 =	sld [smem:$0x7F2];
	s14 =	sadd.s32 s3, s14;
	s28 =	spop (v2sf);
	(v2sf) =	vpush v0, $0x9  }
0x114: {  	[tilespmem:s22], [sflag:$0x1] =	stream.linear.gather [hbm4b:s14+s2], $0x80, $0x38;
	[tilespmem:$0x2200] =	vst v63  }
0x115: {  	s14 =	sand.u32 $0x1FFFFFF0, s25;
	s30 =	spop (v2sf);
	(v2sf) =	vpush v0, $0xA  }
0x116: {  	s14 =	sadd.s32 s3, s14  }
0x117: {  	[tilespmem:s24], [sflag:$0x1] =	stream.linear.gather [hbm4b:s14+s2], $0x80, $0x38;
	[tilespmem:$0x2200] =	vst v63  }
0x118: {  	s26 =	sld [smem:$0x7F3];
	s0 =	spop (v2sf);
	(v2sf) =	vpush v0, $0xB  }
0x119: {  	s14 =	sand.u32 $0x1FFFFFF0, s28  }
0x11a: {  	s29 =	sld [smem:$0x7F4];
	s14 =	sadd.s32 s3, s14  }
0x11b: {  	[tilespmem:s26], [sflag:$0x1] =	stream.linear.gather [hbm4b:s14+s2], $0x80, $0x38;
	[tilespmem:$0x2200] =	vst v63  }
0x11c: {  	s14 =	sand.u32 $0x1FFFFFF0, s30  }
0x11d: {  	s31 =	sld [smem:$0x7F5];
	s14 =	sadd.s32 s3, s14  }
0x11e: {  	[tilespmem:s29], [sflag:$0x1] =	stream.linear.gather [hbm4b:s14+s2], $0x80, $0x38;
	[tilespmem:$0x2200] =	vst v63  }
0x11f: {  	s14 =	sand.u32 $0x1FFFFFF0, s0  }
0x120: {  	s14 =	sadd.s32 s3, s14;
	s15 =	spop (v2sf);
	(v2sf) =	vpush v0, $0xC  }
0x121: {  	[tilespmem:s31], [sflag:$0x1] =	stream.linear.gather [hbm4b:s14+s2], $0x80, $0x38;
	[tilespmem:$0x2200] =	vst v63  }
0x122: {  	s1 =	sld [smem:$0x7F6];
	s17 =	spop (v2sf);
	(v2sf) =	vpush v0, $0xD  }
0x123: {  	s14 =	sand.u32 $0x1FFFFFF0, s15  }
0x124: {  	s16 =	sld [smem:$0x7F7];
	s14 =	sadd.s32 s3, s14;
	s19 =	spop (v2sf)  }
0x125: {  	(v2sf) =	vpush v0, $0xE;
	[tilespmem:s1], [sflag:$0x1] =	stream.linear.gather [hbm4b:s14+s2], $0x80, $0x38;
	[tilespmem:$0x2200] =	vst v63  }
0x126: {  	s14 =	sand.u32 $0x1FFFFFF0, s17  }
0x127: {  	s18 =	sld [smem:$0x7F8];
	s21 =	spop (v2sf);
	(v2sf) =	vpush v0, $0xF;
	s14 =	sadd.s32 s3, s14  }
0x128: {  	[tilespmem:s16], [sflag:$0x1] =	stream.linear.gather [hbm4b:s14+s2], $0x80, $0x38;
	[tilespmem:$0x2200] =	vst v63  }
0x129: {  	s14 =	sand.u32 $0x1FFFFFF0, s19  }
0x12a: {  	s20 =	sld [smem:$0x7F9];
	s14 =	sadd.s32 s3, s14  }
0x12b: {  	[tilespmem:s18], [sflag:$0x1] =	stream.linear.gather [hbm4b:s14+s2], $0x80, $0x38;
	[tilespmem:$0x2200] =	vst v63  }
0x12c: {  	s14 =	sand.u32 $0x1FFFFFF0, s21  }
0x12d: {  	s14 =	sadd.s32 s3, s14  }
0x12e: {  	[tilespmem:s20], [sflag:$0x1] =	stream.linear.gather [hbm4b:s14+s2], $0x80, $0x38;
	[tilespmem:$0x2200] =	vst v63  }
0x12f: {  	s22 =	sld [smem:$0x7FA];
	s23 =	spop (v2sf)  }
0x130: {  	s14 =	sand.u32 $0x1FFFFFF0, s23  }
0x131: {  	s24 =	sld [smem:$0x7FB];
	s25 =	spop (v2sf);
	s14 =	sadd.s32 s3, s14  }
0x132: {  	[tilespmem:s22], [sflag:$0x1] =	stream.linear.gather [hbm4b:s14+s2], $0x80, $0x38;
	[tilespmem:$0x2200] =	vst v63  }
0x133: {  	s14 =	sand.u32 $0x1FFFFFF0, s25  }
0x134: {  	s26 =	sld [smem:$0x7FC];
	s28 =	spop (v2sf);
	s14 =	sadd.s32 s3, s14  }
0x135: {  	[tilespmem:s24], [sflag:$0x1] =	stream.linear.gather [hbm4b:s14+s2], $0x80, $0x38;
	[tilespmem:$0x2200] =	vst v63  }
0x136: {  	s29 =	spop (v2sf);
	s14 =	sand.u32 $0x1FFFFFF0, s28  }
0x137: {  	s30 =	sld [smem:$0x7FD];
	s13 =	sand.u32 $0x1FFFFFF0, s29;
	s14 =	sadd.s32 s3, s14  }
0x138: {  	[tilespmem:s26], [sflag:$0x1] =	stream.linear.gather [hbm4b:s14+s2], $0x80, $0x38;
	[tilespmem:$0x2200] =	vst v63  }
0x139: {  	s13 =	sadd.s32 s3, s13  }
0x13a: {  	[tilespmem:s30], [sflag:$0x1] =	stream.linear.gather [hbm4b:s13+s2], $0x80, $0x38;
	[tilespmem:$0x2200] =	vst v63  }
0x13b: {  	_ =	swait.ge [sflag:s10], $0x80  }
0x13c: {  	[sflag:s10] =	ssyncset.done $0x0  }
0x13d: {  	[sflag:s10] =	ssyncadd.s32 $0xFFFFFF80  }
0x13e: {  	_ =	swait.ge [sflag:s10], $0x80  }
0x13f: {  	[sflag:s10] =	ssyncset.done $0x0  }
0x140: {  	[sflag:s10] =	ssyncadd.s32 $0xFFFFFF80  }
0x141: {  	_ =	swait.ge [sflag:s10], $0x80  }
0x142: {  	[sflag:s10] =	ssyncset.done $0x0  }
0x143: {  	[sflag:s10] =	ssyncadd.s32 $0xFFFFFF80  }
0x144: {  	_ =	swait.ge [sflag:s10], $0x80  }
0x145: {  	[sflag:s10] =	ssyncset.done $0x0  }
0x146: {  	[sflag:s10] =	ssyncadd.s32 $0xFFFFFF80  }
0x147: {  	_ =	swait.ge [sflag:s10], $0x80  }
0x148: {  	[sflag:s10] =	ssyncset.done $0x0  }
0x149: {  	[sflag:s10] =	ssyncadd.s32 $0xFFFFFF80  }
0x14a: {  	_ =	swait.ge [sflag:s10], $0x80  }
0x14b: {  	[sflag:s10] =	ssyncset.done $0x0  }
0x14c: {  	[sflag:s10] =	ssyncadd.s32 $0xFFFFFF80  }
0x14d: {  	_ =	swait.ge [sflag:s10], $0x80  }
0x14e: {  	[sflag:s10] =	ssyncset.done $0x0  }
0x14f: {  	[sflag:s10] =	ssyncadd.s32 $0xFFFFFF80  }
0x150: {  	_ =	swait.ge [sflag:s10], $0x80  }
0x151: {  	[sflag:s10] =	ssyncset.done $0x0  }
0x152: {  	[sflag:s10] =	ssyncadd.s32 $0xFFFFFF80  }
0x153: {  	_ =	swait.ge [sflag:s10], $0x80  }
0x154: {  	[sflag:s10] =	ssyncset.done $0x0  }
0x155: {  	[sflag:s10] =	ssyncadd.s32 $0xFFFFFF80  }
0x156: {  	_ =	swait.ge [sflag:s10], $0x80  }
0x157: {  	[sflag:s10] =	ssyncset.done $0x0  }
0x158: {  	[sflag:s10] =	ssyncadd.s32 $0xFFFFFF80  }
0x159: {  	_ =	swait.ge [sflag:s10], $0x80  }
0x15a: {  	[sflag:s10] =	ssyncset.done $0x0  }
0x15b: {  	[sflag:s10] =	ssyncadd.s32 $0xFFFFFF80  }
0x15c: {  	_ =	swait.ge [sflag:s10], $0x80  }
0x15d: {  	[sflag:s10] =	ssyncset.done $0x0  }
0x15e: {  	[sflag:s10] =	ssyncadd.s32 $0xFFFFFF80  }
0x15f: {  	_ =	swait.ge [sflag:s10], $0x80  }
0x160: {  	[sflag:s10] =	ssyncset.done $0x0  }
0x161: {  	[sflag:s10] =	ssyncadd.s32 $0xFFFFFF80  }
0x162: {  	_ =	swait.ge [sflag:s10], $0x80  }
0x163: {  	[sflag:s10] =	ssyncset.done $0x0  }
0x164: {  	[sflag:s10] =	ssyncadd.s32 $0xFFFFFF80  }
0x165: {  	_ =	swait.ge [sflag:s10], $0x80  }
0x166: {  	[sflag:s10] =	ssyncset.done $0x0  }
0x167: {  	[sflag:s10] =	ssyncadd.s32 $0xFFFFFF80  }
0x168: {  	_ =	swait.ge [sflag:s10], $0x80  }
0x169: {  	[sflag:s10] =	ssyncset.done $0x0  }
0x16a: {  	[sflag:s10] =	ssyncadd.s32 $0xFFFFFF80  }
0x16b: {  	_ =	swait.ge [sflag:s10], $0x80  }
0x16c: {  	[sflag:s10] =	ssyncset.done $0x0  }
0x16d: {  	[sflag:s10] =	ssyncadd.s32 $0xFFFFFF80  }
0x16e: {  	_ =	swait.ge [sflag:s10], $0x80  }
0x16f: {  	[sflag:s10] =	ssyncset.done $0x0  }
0x170: {  	[sflag:s10] =	ssyncadd.s32 $0xFFFFFF80  }
0x171: {  	_ =	swait.ge [sflag:s10], $0x80  }
0x172: {  	[sflag:s10] =	ssyncset.done $0x0  }
0x173: {  	[sflag:s10] =	ssyncadd.s32 $0xFFFFFF80  }
0x174: {  	_ =	swait.ge [sflag:s10], $0x80  }
0x175: {  	[sflag:s10] =	ssyncset.done $0x0  }
0x176: {  	[sflag:s10] =	ssyncadd.s32 $0xFFFFFF80  }
0x177: {  	_ =	swait.ge [sflag:s10], $0x80  }
0x178: {  	[sflag:s10] =	ssyncset.done $0x0  }
0x179: {  	[sflag:s10] =	ssyncadd.s32 $0xFFFFFF80  }
0x17a: {  	_ =	swait.ge [sflag:s10], $0x80  }
0x17b: {  	[sflag:s10] =	ssyncset.done $0x0  }
0x17c: {  	[sflag:s10] =	ssyncadd.s32 $0xFFFFFF80  }
0x17d: {  	_ =	swait.ge [sflag:s10], $0x80  }
0x17e: {  	[sflag:s10] =	ssyncset.done $0x0  }
0x17f: {  	[sflag:s10] =	ssyncadd.s32 $0xFFFFFF80  }
0x180: {  	_ =	swait.ge [sflag:s10], $0x80  }
0x181: {  	[sflag:s10] =	ssyncset.done $0x0  }
0x182: {  	[sflag:s10] =	ssyncadd.s32 $0xFFFFFF80  }
0x183: {  	_ =	swait.ge [sflag:s10], $0x80  }
0x184: {  	[sflag:s10] =	ssyncset.done $0x0  }
0x185: {  	[sflag:s10] =	ssyncadd.s32 $0xFFFFFF80  }
0x186: {  	_ =	swait.ge [sflag:s10], $0x80  }
0x187: {  	[sflag:s10] =	ssyncset.done $0x0  }
0x188: {  	[sflag:s10] =	ssyncadd.s32 $0xFFFFFF80  }
0x189: {  	_ =	swait.ge [sflag:s10], $0x80  }
0x18a: {  	[sflag:s10] =	ssyncset.done $0x0  }
0x18b: {  	[sflag:s10] =	ssyncadd.s32 $0xFFFFFF80  }
0x18c: {  	_ =	swait.ge [sflag:s10], $0x80  }
0x18d: {  	[sflag:s10] =	ssyncset.done $0x0  }
0x18e: {  	[sflag:s10] =	ssyncadd.s32 $0xFFFFFF80  }
0x18f: {  	_ =	swait.ge [sflag:s10], $0x80  }
0x190: {  	[sflag:s10] =	ssyncset.done $0x0  }
0x191: {  	[sflag:s10] =	ssyncadd.s32 $0xFFFFFF80  }
0x192: {  	_ =	swait.ge [sflag:s10], $0x80  }
0x193: {  	[sflag:s10] =	ssyncset.done $0x0  }
0x194: {  	[sflag:s10] =	ssyncadd.s32 $0xFFFFFF80  }
0x195: {  	_ =	swait.ge [sflag:s10], $0x80  }
0x196: {  	[sflag:s10] =	ssyncset.done $0x0  }
0x197: {  	[sflag:s10] =	ssyncadd.s32 $0xFFFFFF80  }
0x198: {  	_ =	swait.ge [sflag:s10], $0x80  }
0x199: {  	[sflag:s10] =	ssyncset.done $0x0  }
0x19a: {  	[sflag:s10] =	ssyncadd.s32 $0xFFFFFF80  }
0x19b: {  	_ =	swait.ge [sflag:s10], $0x80  }
0x19c: {  	[sflag:s10] =	ssyncset.done $0x0  }
0x19d: {  	[sflag:s10] =	ssyncadd.s32 $0xFFFFFF80  }
0x19e: {  	_ =	swait.ge [sflag:s10], $0x80  }
0x19f: {  	[sflag:s10] =	ssyncset.done $0x0  }
0x1a0: {  	[sflag:s10] =	ssyncadd.s32 $0xFFFFFF80  }
0x1a1: {  	_ =	swait.ge [sflag:s10], $0x80  }
0x1a2: {  	[sflag:s10] =	ssyncset.done $0x0  }
0x1a3: {  	[sflag:s10] =	ssyncadd.s32 $0xFFFFFF80  }
0x1a4: {  	_ =	swait.ge [sflag:s10], $0x80  }
0x1a5: {  	[sflag:s10] =	ssyncset.done $0x0  }
0x1a6: {  	[sflag:s10] =	ssyncadd.s32 $0xFFFFFF80  }
0x1a7: {  	_ =	swait.ge [sflag:s10], $0x80  }
0x1a8: {  	[sflag:s10] =	ssyncset.done $0x0  }
0x1a9: {  	[sflag:s10] =	ssyncadd.s32 $0xFFFFFF80  }
0x1aa: {  	_ =	swait.ge [sflag:s10], $0x80  }
0x1ab: {  	[sflag:s10] =	ssyncset.done $0x0  }
0x1ac: {  	[sflag:s10] =	ssyncadd.s32 $0xFFFFFF80  }
0x1ad: {  	_ =	swait.ge [sflag:s10], $0x80  }
0x1ae: {  	[sflag:s10] =	ssyncset.done $0x0  }
0x1af: {  	[sflag:s10] =	ssyncadd.s32 $0xFFFFFF80  }
0x1b0: {  	_ =	swait.ge [sflag:s10], $0x80  }
0x1b1: {  	[sflag:s10] =	ssyncset.done $0x0  }
0x1b2: {  	[sflag:s10] =	ssyncadd.s32 $0xFFFFFF80  }
0x1b3: {  	_ =	swait.ge [sflag:s10], $0x80  }
0x1b4: {  	[sflag:s10] =	ssyncset.done $0x0  }
0x1b5: {  	[sflag:s10] =	ssyncadd.s32 $0xFFFFFF80  }
0x1b6: {  	_ =	swait.ge [sflag:s10], $0x80  }
0x1b7: {  	[sflag:s10] =	ssyncset.done $0x0  }
0x1b8: {  	[sflag:s10] =	ssyncadd.s32 $0xFFFFFF80  }
0x1b9: {  	_ =	swait.ge [sflag:s10], $0x80  }
0x1ba: {  	[sflag:s10] =	ssyncset.done $0x0  }
0x1bb: {  	[sflag:s10] =	ssyncadd.s32 $0xFFFFFF80  }
0x1bc: {  	_ =	swait.ge [sflag:s10], $0x80  }
0x1bd: {  	[sflag:s10] =	ssyncset.done $0x0  }
0x1be: {  	[sflag:s10] =	ssyncadd.s32 $0xFFFFFF80  }
0x1bf: {  	_ =	swait.ge [sflag:s10], $0x80  }
0x1c0: {  	[sflag:s10] =	ssyncset.done $0x0  }
0x1c1: {  	[sflag:s10] =	ssyncadd.s32 $0xFFFFFF80  }
0x1c2: {  	_ =	swait.ge [sflag:s10], $0x80  }
0x1c3: {  	[sflag:s10] =	ssyncset.done $0x0  }
0x1c4: {  	[sflag:s10] =	ssyncadd.s32 $0xFFFFFF80  }
0x1c5: {  	_ =	swait.ge [sflag:s10], $0x80  }
0x1c6: {  	[sflag:s10] =	ssyncset.done $0x0  }
0x1c7: {  	[sflag:s10] =	ssyncadd.s32 $0xFFFFFF80  }
0x1c8: {  	_ =	swait.ge [sflag:s10], $0x80  }
0x1c9: {  	[sflag:s10] =	ssyncset.done $0x0  }
0x1ca: {  	[sflag:s10] =	ssyncadd.s32 $0xFFFFFF80  }
0x1cb: {  	_ =	swait.ge [sflag:s10], $0x80  }
0x1cc: {  	[sflag:s10] =	ssyncset.done $0x0  }
0x1cd: {  	[sflag:s10] =	ssyncadd.s32 $0xFFFFFF80  }
0x1ce: {  	_ =	swait.ge [sflag:s10], $0x80  }
0x1cf: {  	[sflag:s10] =	ssyncset.done $0x0  }
0x1d0: {  	[sflag:s10] =	ssyncadd.s32 $0xFFFFFF80  }
0x1d1: {  	_ =	swait.ge [sflag:s10], $0x80  }
0x1d2: {  	[sflag:s10] =	ssyncset.done $0x0  }
0x1d3: {  	[sflag:s10] =	ssyncadd.s32 $0xFFFFFF80  }
0x1d4: {  	_ =	swait.ge [sflag:s10], $0x80  }
0x1d5: {  	[sflag:s10] =	ssyncset.done $0x0  }
0x1d6: {  	[sflag:s10] =	ssyncadd.s32 $0xFFFFFF80  }
0x1d7: {  	_ =	swait.ge [sflag:s10], $0x80  }
0x1d8: {  	[sflag:s10] =	ssyncset.done $0x0  }
0x1d9: {  	[sflag:s10] =	ssyncadd.s32 $0xFFFFFF80  }
0x1da: {  	_ =	swait.ge [sflag:s10], $0x80  }
0x1db: {  	[sflag:s10] =	ssyncset.done $0x0  }
0x1dc: {  	[sflag:s10] =	ssyncadd.s32 $0xFFFFFF80  }
0x1dd: {  	_ =	swait.ge [sflag:s10], $0x80  }
0x1de: {  	[sflag:s10] =	ssyncset.done $0x0  }
0x1df: {  	[sflag:s10] =	ssyncadd.s32 $0xFFFFFF80  }
0x1e0: {  	_ =	swait.ge [sflag:s10], $0x80  }
0x1e1: {  	[sflag:s10] =	ssyncset.done $0x0  }
0x1e2: {  	[sflag:s10] =	ssyncadd.s32 $0xFFFFFF80  }
0x1e3: {  	_ =	swait.ge [sflag:s10], $0x80  }
0x1e4: {  	[sflag:s10] =	ssyncset.done $0x0  }
0x1e5: {  	[sflag:s10] =	ssyncadd.s32 $0xFFFFFF80  }
0x1e6: {  	_ =	swait.ge [sflag:s10], $0x80  }
0x1e7: {  	[sflag:s10] =	ssyncset.done $0x0  }
0x1e8: {  	[sflag:s10] =	ssyncadd.s32 $0xFFFFFF80  }
0x1e9: {  	_ =	swait.ge [sflag:s10], $0x80  }
0x1ea: {  	[sflag:s10] =	ssyncset.done $0x0  }
0x1eb: {  	[sflag:s10] =	ssyncadd.s32 $0xFFFFFF80  }
0x1ec: {  	_ =	swait.ge [sflag:s10], $0x80  }
0x1ed: {  	[sflag:s10] =	ssyncset.done $0x0  }
0x1ee: {  	[sflag:s10] =	ssyncadd.s32 $0xFFFFFF80  }
0x1ef: {  	_ =	swait.ge [sflag:s10], $0x80  }
0x1f0: {  	[sflag:s10] =	ssyncset.done $0x0  }
0x1f1: {  	[sflag:s10] =	ssyncadd.s32 $0xFFFFFF80  }
0x1f2: {  	_ =	swait.ge [sflag:s10], $0x80  }
0x1f3: {  	[sflag:s10] =	ssyncset.done $0x0  }
0x1f4: {  	[sflag:s10] =	ssyncadd.s32 $0xFFFFFF80  }
0x1f5: {  	_ =	swait.ge [sflag:s10], $0x80  }
0x1f6: {  	[sflag:s10] =	ssyncset.done $0x0  }
0x1f7: {  	[sflag:s10] =	ssyncadd.s32 $0xFFFFFF80  }
0x1f8: {  	_ =	swait.ge [sflag:s10], $0x80  }
0x1f9: {  	s31 =	rddreg [dreg:$0x3];
	[sflag:s10] =	ssyncset.done $0x0  }
0x1fa: {  	[sflag:s10] =	ssyncadd.s32 $0xFFFFFF80;
	s13 =	sadd.s32 $0x0, s31  }
0x1fb: {  	[hbm4b:s13+s2] =	stream.linear.scatter [tilespmem:s9], [sflag:$0x2], $0x2000, $0x38;
	[tilespmem:$0x2200] =	vst v63  }
0x1fc: {  	_ =	swait.ge [sflag:s8], $0x2000  }
0x1fd: {  	s13 =	simm.s32 $0x400;
	[sflag:s8] =	ssyncset.done $0x0  }
.LBB2_2:
0x1fe: {  	[sflag:s8] =	ssyncadd.s32 $0xFFFFE000;
	s12 =	sadd.s32 $0x40, s12  }
0x1ff: {  	v0 =	vld [tilespmem:s12+$0xFFFFFFE0];
	_ =	sdelay $0x4  }
0x200: {  	v0 =	vshll.u32 v0, $0x4  }
0x201: {  	(v2sf) =	vpush v0, $0x0  }
0x202: {  	(v2sf) =	vpush v0, $0x1  }
0x203: {  	(v2sf) =	vpush v0, $0x2;
	_ =	sdelay $0x1  }
0x204: {  	(v2sf) =	vpush v0, $0x3  }
0x205: {  	s16 =	rddreg [dreg:$0xf]  }
0x206: {  	s17 =	rddreg [dreg:$0xe];
	(v2sf) =	vpush v0, $0x4  }
0x207: {  	s18 =	rddreg [dreg:$0xd]  }
0x208: {  	s19 =	rddreg [dreg:$0xc];
	(v2sf) =	vpush v0, $0x5  }
0x209: {  	s20 =	rddreg [dreg:$0xb]  }
0x20a: {  	s21 =	rddreg [dreg:$0xa];
	(v2sf) =	vpush v0, $0x6  }
0x20b: {  	s22 =	rddreg [dreg:$0x9]  }
0x20c: {  	s23 =	rddreg [dreg:$0x8];
	(v2sf) =	vpush v0, $0x7  }
0x20d: {  	s24 =	rddreg [dreg:$0x7]  }
0x20e: {  	s25 =	rddreg [dreg:$0x6];
	(v2sf) =	vpush v0, $0x8  }
0x20f: {  	s26 =	rddreg [dreg:$0x5];
	s28 =	spop (v2sf)  }
0x210: {  	s29 =	rddreg [dreg:$0x4];
	s28 =	sand.u32 $0x1FFFFFF0, s28;
	s30 =	spop (v2sf);
	(v2sf) =	vpush v0, $0x9  }
0x211: {  	s28 =	sadd.s32 s3, s28;
	s30 =	sand.u32 $0x1FFFFFF0, s30;
	s31 =	spop (v2sf)  }
0x212: {  	(v2sf) =	vpush v0, $0xA;
	[tilespmem:s9], [sflag:$0x1] =	stream.linear.gather [hbm4b:s28+s2], $0x80, $0x38;
	[tilespmem:$0x2200] =	vst v63  }
0x213: {  	s28 =	sadd.s32 s3, s30;
	s0 =	sand.u32 $0x1FFFFFF0, s31;
	s1 =	spop (v2sf)  }
0x214: {  	(v2sf) =	vpush v0, $0xB;
	[tilespmem:s29], [sflag:$0x1] =	stream.linear.gather [hbm4b:s28+s2], $0x80, $0x38;
	[tilespmem:$0x2200] =	vst v63  }
0x215: {  	s0 =	sadd.s32 s3, s0;
	s1 =	sand.u32 $0x1FFFFFF0, s1;
	s31 =	spop (v2sf)  }
0x216: {  	(v2sf) =	vpush v0, $0xC;
	[tilespmem:s26], [sflag:$0x1] =	stream.linear.gather [hbm4b:s0+s2], $0x80, $0x38;
	[tilespmem:$0x2200] =	vst v63  }
0x217: {  	s30 =	spop (v2sf);
	s0 =	sadd.s32 s3, s1;
	s1 =	sand.u32 $0x1FFFFFF0, s31  }
0x218: {  	(v2sf) =	vpush v0, $0xD;
	[tilespmem:s25], [sflag:$0x1] =	stream.linear.gather [hbm4b:s0+s2], $0x80, $0x38;
	[tilespmem:$0x2200] =	vst v63  }
0x219: {  	s31 =	sadd.s32 s3, s1;
	s1 =	spop (v2sf);
	s0 =	sand.u32 $0x1FFFFFF0, s30  }
0x21a: {  	(v2sf) =	vpush v0, $0xE;
	[tilespmem:s7], [sflag:$0x1] =	stream.linear.gather [hbm4b:s31+s2], $0x80, $0x38;
	[tilespmem:$0x2200] =	vst v63  }
0x21b: {  	s29 =	sand.u32 $0x1FFFFFF0, s1;
	s30 =	spop (v2sf);
	s26 =	sadd.s32 s3, s0  }
0x21c: {  	(v2sf) =	vpush v0, $0xF;
	[tilespmem:s24], [sflag:$0x1] =	stream.linear.gather [hbm4b:s26+s2], $0x80, $0x38;
	[tilespmem:$0x2200] =	vst v63  }
0x21d: {  	s0 =	sand.u32 $0x1FFFFFF0, s30;
	s1 =	spop (v2sf);
	s31 =	sadd.s32 s3, s29  }
0x21e: {  	[tilespmem:s23], [sflag:$0x1] =	stream.linear.gather [hbm4b:s31+s2], $0x80, $0x38;
	[tilespmem:$0x2200] =	vst v63  }
0x21f: {  	s28 =	sadd.s32 s3, s0;
	s29 =	sand.u32 $0x1FFFFFF0, s1;
	s30 =	spop (v2sf)  }
0x220: {  	[tilespmem:s22], [sflag:$0x1] =	stream.linear.gather [hbm4b:s28+s2], $0x80, $0x38;
	[tilespmem:$0x2200] =	vst v63  }
0x221: {  	s31 =	sadd.s32 s3, s29;
	s0 =	sand.u32 $0x1FFFFFF0, s30;
	s1 =	spop (v2sf)  }
0x222: {  	[tilespmem:s21], [sflag:$0x1] =	stream.linear.gather [hbm4b:s31+s2], $0x80, $0x38;
	[tilespmem:$0x2200] =	vst v63  }
0x223: {  	s23 =	sadd.s32 s3, s0;
	s25 =	sand.u32 $0x1FFFFFF0, s1;
	s26 =	spop (v2sf)  }
0x224: {  	[tilespmem:s20], [sflag:$0x1] =	stream.linear.gather [hbm4b:s23+s2], $0x80, $0x38;
	[tilespmem:$0x2200] =	vst v63  }
0x225: {  	s28 =	sadd.s32 s3, s25;
	s29 =	sand.u32 $0x1FFFFFF0, s26;
	s30 =	spop (v2sf)  }
0x226: {  	[tilespmem:s19], [sflag:$0x1] =	stream.linear.gather [hbm4b:s28+s2], $0x80, $0x38;
	[tilespmem:$0x2200] =	vst v63  }
0x227: {  	s31 =	sadd.s32 s3, s29;
	s0 =	sand.u32 $0x1FFFFFF0, s30;
	s1 =	spop (v2sf)  }
0x228: {  	[tilespmem:s18], [sflag:$0x1] =	stream.linear.gather [hbm4b:s31+s2], $0x80, $0x38;
	[tilespmem:$0x2200] =	vst v63  }
0x229: {  	s22 =	sadd.s32 s3, s0;
	s23 =	sand.u32 $0x1FFFFFF0, s1;
	s24 =	spop (v2sf)  }
0x22a: {  	[tilespmem:s17], [sflag:$0x1] =	stream.linear.gather [hbm4b:s22+s2], $0x80, $0x38;
	[tilespmem:$0x2200] =	vst v63  }
0x22b: {  	s25 =	sadd.s32 s3, s23;
	s26 =	sand.u32 $0x1FFFFFF0, s24;
	s28 =	spop (v2sf)  }
0x22c: {  	[tilespmem:s16], [sflag:$0x1] =	stream.linear.gather [hbm4b:s25+s2], $0x80, $0x38;
	[tilespmem:$0x2200] =	vst v63  }
0x22d: {  	s15 =	rddreg [dreg:$0x10];
	s29 =	sadd.s32 s3, s26;
	s30 =	sand.u32 $0x1FFFFFF0, s28  }
0x22e: {  	[tilespmem:s15], [sflag:$0x1] =	stream.linear.gather [hbm4b:s29+s2], $0x80, $0x38;
	[tilespmem:$0x2200] =	vst v63  }
0x22f: {  	s31 =	rddreg [dreg:$0x11];
	s0 =	sadd.s32 s3, s30  }
0x230: {  	[tilespmem:s31], [sflag:$0x1] =	stream.linear.gather [hbm4b:s0+s2], $0x80, $0x38;
	[tilespmem:$0x2200] =	vst v63  }
0x231: {  	v61 =	vld [tilespmem:s12+$0xFFFFFFF0];
	_ =	sdelay $0x4  }
0x232: {  	v0 =	vshll.u32 v61, $0x4  }
0x233: {  	(v2sf) =	vpush v0, $0x0  }
0x234: {  	(v2sf) =	vpush v0, $0x1  }
0x235: {  	s21 =	rddreg [dreg:$0x1a];
	(v2sf) =	vpush v0, $0x2  }
0x236: {  	s20 =	rddreg [dreg:$0x1b]  }
0x237: {  	s23 =	rddreg [dreg:$0x18];
	(v2sf) =	vpush v0, $0x3  }
0x238: {  	s19 =	rddreg [dreg:$0x1c]  }
0x239: {  	s24 =	rddreg [dreg:$0x17];
	(v2sf) =	vpush v0, $0x4  }
0x23a: {  	s18 =	rddreg [dreg:$0x1d]  }
0x23b: {  	s26 =	rddreg [dreg:$0x15];
	(v2sf) =	vpush v0, $0x5  }
0x23c: {  	s28 =	rddreg [dreg:$0x14]  }
0x23d: {  	s17 =	rddreg [dreg:$0x1e];
	(v2sf) =	vpush v0, $0x6  }
0x23e: {  	s22 =	rddreg [dreg:$0x19]  }
0x23f: {  	s16 =	rddreg [dreg:$0x1f];
	(v2sf) =	vpush v0, $0x7  }
0x240: {  	s25 =	rddreg [dreg:$0x16]  }
0x241: {  	s15 =	sld [smem:$0x7DC];
	(v2sf) =	vpush v0, $0x8  }
0x242: {  	s29 =	rddreg [dreg:$0x12];
	s1 =	spop (v2sf)  }
0x243: {  	s31 =	rddreg [dreg:$0x13];
	s30 =	sand.u32 $0x1FFFFFF0, s1;
	s0 =	spop (v2sf);
	(v2sf) =	vpush v0, $0x9  }
0x244: {  	s30 =	sadd.s32 s3, s30;
	s0 =	sand.u32 $0x1FFFFFF0, s0;
	s1 =	spop (v2sf)  }
0x245: {  	(v2sf) =	vpush v0, $0xA;
	[tilespmem:s29], [sflag:$0x1] =	stream.linear.gather [hbm4b:s30+s2], $0x80, $0x38;
	[tilespmem:$0x2200] =	vst v63  }
0x246: {  	s0 =	sadd.s32 s3, s0;
	s1 =	sand.u32 $0x1FFFFFF0, s1;
	s30 =	spop (v2sf)  }
0x247: {  	(v2sf) =	vpush v0, $0xB;
	[tilespmem:s31], [sflag:$0x1] =	stream.linear.gather [hbm4b:s0+s2], $0x80, $0x38;
	[tilespmem:$0x2200] =	vst v63  }
0x248: {  	s1 =	sadd.s32 s3, s1;
	s30 =	sand.u32 $0x1FFFFFF0, s30;
	s31 =	spop (v2sf)  }
0x249: {  	(v2sf) =	vpush v0, $0xC;
	[tilespmem:s28], [sflag:$0x1] =	stream.linear.gather [hbm4b:s1+s2], $0x80, $0x38;
	[tilespmem:$0x2200] =	vst v63  }
0x24a: {  	s1 =	sadd.s32 s3, s30;
	s30 =	sand.u32 $0x1FFFFFF0, s31;
	s31 =	spop (v2sf)  }
0x24b: {  	(v2sf) =	vpush v0, $0xD;
	[tilespmem:s26], [sflag:$0x1] =	stream.linear.gather [hbm4b:s1+s2], $0x80, $0x38;
	[tilespmem:$0x2200] =	vst v63  }
0x24c: {  	s29 =	sadd.s32 s3, s30;
	s30 =	sand.u32 $0x1FFFFFF0, s31;
	s31 =	spop (v2sf)  }
0x24d: {  	(v2sf) =	vpush v0, $0xE;
	[tilespmem:s25], [sflag:$0x1] =	stream.linear.gather [hbm4b:s29+s2], $0x80, $0x38;
	[tilespmem:$0x2200] =	vst v63  }
0x24e: {  	s26 =	sand.u32 $0x1FFFFFF0, s31;
	s28 =	spop (v2sf);
	s25 =	sadd.s32 s3, s30  }
0x24f: {  	(v2sf) =	vpush v0, $0xF;
	[tilespmem:s24], [sflag:$0x1] =	stream.linear.gather [hbm4b:s25+s2], $0x80, $0x38;
	[tilespmem:$0x2200] =	vst v63  }
0x250: {  	s31 =	spop (v2sf);
	s29 =	sadd.s32 s3, s26;
	s30 =	sand.u32 $0x1FFFFFF0, s28  }
0x251: {  	[tilespmem:s23], [sflag:$0x1] =	stream.linear.gather [hbm4b:s29+s2], $0x80, $0x38;
	[tilespmem:$0x2200] =	vst v63  }
0x252: {  	s26 =	sand.u32 $0x1FFFFFF0, s31;
	s25 =	sadd.s32 s3, s30;
	s28 =	spop (v2sf)  }
0x253: {  	[tilespmem:s22], [sflag:$0x1] =	stream.linear.gather [hbm4b:s25+s2], $0x80, $0x38;
	[tilespmem:$0x2200] =	vst v63  }
0x254: {  	s29 =	sadd.s32 s3, s26;
	s30 =	sand.u32 $0x1FFFFFF0, s28;
	s31 =	spop (v2sf)  }
0x255: {  	[tilespmem:s21], [sflag:$0x1] =	stream.linear.gather [hbm4b:s29+s2], $0x80, $0x38;
	[tilespmem:$0x2200] =	vst v63  }
0x256: {  	s23 =	sand.u32 $0x1FFFFFF0, s31;
	s24 =	spop (v2sf);
	s21 =	sadd.s32 s3, s30  }
0x257: {  	[tilespmem:s20], [sflag:$0x1] =	stream.linear.gather [hbm4b:s21+s2], $0x80, $0x38;
	[tilespmem:$0x2200] =	vst v63  }
0x258: {  	s25 =	sadd.s32 s3, s23;
	s26 =	sand.u32 $0x1FFFFFF0, s24;
	s28 =	spop (v2sf)  }
0x259: {  	[tilespmem:s19], [sflag:$0x1] =	stream.linear.gather [hbm4b:s25+s2], $0x80, $0x38;
	[tilespmem:$0x2200] =	vst v63  }
0x25a: {  	s29 =	sadd.s32 s3, s26;
	s30 =	sand.u32 $0x1FFFFFF0, s28;
	s31 =	spop (v2sf)  }
0x25b: {  	[tilespmem:s18], [sflag:$0x1] =	stream.linear.gather [hbm4b:s29+s2], $0x80, $0x38;
	[tilespmem:$0x2200] =	vst v63  }
0x25c: {  	s20 =	sand.u32 $0x1FFFFFF0, s31;
	s21 =	spop (v2sf);
	s18 =	sadd.s32 s3, s30  }
0x25d: {  	[tilespmem:s17], [sflag:$0x1] =	stream.linear.gather [hbm4b:s18+s2], $0x80, $0x38;
	[tilespmem:$0x2200] =	vst v63  }
0x25e: {  	s22 =	sadd.s32 s3, s20;
	s23 =	sand.u32 $0x1FFFFFF0, s21;
	s24 =	spop (v2sf)  }
0x25f: {  	[tilespmem:s16], [sflag:$0x1] =	stream.linear.gather [hbm4b:s22+s2], $0x80, $0x38;
	[tilespmem:$0x2200] =	vst v63  }
0x260: {  	s28 =	sld [smem:$0x7DD];
	s25 =	sadd.s32 s3, s23;
	s26 =	sand.u32 $0x1FFFFFF0, s24  }
0x261: {  	[tilespmem:s15], [sflag:$0x1] =	stream.linear.gather [hbm4b:s25+s2], $0x80, $0x38;
	[tilespmem:$0x2200] =	vst v63  }
0x262: {  	s29 =	sadd.s32 s3, s26  }
0x263: {  	[tilespmem:s28], [sflag:$0x1] =	stream.linear.gather [hbm4b:s29+s2], $0x80, $0x38;
	[tilespmem:$0x2200] =	vst v63  }
0x264: {  	v62 =	vld [tilespmem:s12+$0x0];
	_ =	sdelay $0x4  }
0x265: {  	v0 =	vshll.u32 v62, $0x4  }
0x266: {  	(v2sf) =	vpush v0, $0x0  }
0x267: {  	(v2sf) =	vpush v0, $0x1  }
0x268: {  	s0 =	sld [smem:$0x7E3];
	(v2sf) =	vpush v0, $0x2  }
0x269: {  	s1 =	sld [smem:$0x7E2]  }
0x26a: {  	s19 =	sld [smem:$0x7E8];
	(v2sf) =	vpush v0, $0x3  }
0x26b: {  	s20 =	sld [smem:$0x7E7]  }
0x26c: {  	s21 =	sld [smem:$0x7E6];
	(v2sf) =	vpush v0, $0x4  }
0x26d: {  	s23 =	sld [smem:$0x7E4]  }
0x26e: {  	s24 =	sld [smem:$0x7E1];
	(v2sf) =	vpush v0, $0x5  }
0x26f: {  	s26 =	sld [smem:$0x7DE]  }
0x270: {  	s17 =	sld [smem:$0x7EA];
	(v2sf) =	vpush v0, $0x6  }
0x271: {  	s18 =	sld [smem:$0x7E9]  }
0x272: {  	s16 =	sld [smem:$0x7EB];
	(v2sf) =	vpush v0, $0x7  }
0x273: {  	s22 =	sld [smem:$0x7E5]  }
0x274: {  	s15 =	sld [smem:$0x7EC];
	(v2sf) =	vpush v0, $0x8  }
0x275: {  	s25 =	sld [smem:$0x7E0];
	s30 =	spop (v2sf)  }
0x276: {  	s29 =	sld [smem:$0x7DF];
	s28 =	sand.u32 $0x1FFFFFF0, s30;
	s31 =	spop (v2sf);
	(v2sf) =	vpush v0, $0x9  }
0x277: {  	s28 =	sadd.s32 s3, s28;
	s30 =	sand.u32 $0x1FFFFFF0, s31;
	s31 =	spop (v2sf)  }
0x278: {  	(v2sf) =	vpush v0, $0xA;
	[tilespmem:s26], [sflag:$0x1] =	stream.linear.gather [hbm4b:s28+s2], $0x80, $0x38;
	[tilespmem:$0x2200] =	vst v63  }
0x279: {  	s26 =	sadd.s32 s3, s30;
	s28 =	sand.u32 $0x1FFFFFF0, s31;
	s31 =	spop (v2sf)  }
0x27a: {  	(v2sf) =	vpush v0, $0xB;
	[tilespmem:s29], [sflag:$0x1] =	stream.linear.gather [hbm4b:s26+s2], $0x80, $0x38;
	[tilespmem:$0x2200] =	vst v63  }
0x27b: {  	s30 =	sand.u32 $0x1FFFFFF0, s31;
	s31 =	spop (v2sf);
	s26 =	sadd.s32 s3, s28  }
0x27c: {  	(v2sf) =	vpush v0, $0xC;
	[tilespmem:s25], [sflag:$0x1] =	stream.linear.gather [hbm4b:s26+s2], $0x80, $0x38;
	[tilespmem:$0x2200] =	vst v63  }
0x27d: {  	s26 =	sadd.s32 s3, s30;
	s30 =	sand.u32 $0x1FFFFFF0, s31;
	s31 =	spop (v2sf)  }
0x27e: {  	(v2sf) =	vpush v0, $0xD;
	[tilespmem:s24], [sflag:$0x1] =	stream.linear.gather [hbm4b:s26+s2], $0x80, $0x38;
	[tilespmem:$0x2200] =	vst v63  }
0x27f: {  	s29 =	sadd.s32 s3, s30;
	s30 =	sand.u32 $0x1FFFFFF0, s31;
	s31 =	spop (v2sf)  }
0x280: {  	(v2sf) =	vpush v0, $0xE;
	[tilespmem:s1], [sflag:$0x1] =	stream.linear.gather [hbm4b:s29+s2], $0x80, $0x38;
	[tilespmem:$0x2200] =	vst v63  }
0x281: {  	s25 =	sadd.s32 s3, s30;
	s26 =	sand.u32 $0x1FFFFFF0, s31;
	s28 =	spop (v2sf)  }
0x282: {  	(v2sf) =	vpush v0, $0xF;
	[tilespmem:s0], [sflag:$0x1] =	stream.linear.gather [hbm4b:s25+s2], $0x80, $0x38;
	[tilespmem:$0x2200] =	vst v63  }
0x283: {  	s30 =	sand.u32 $0x1FFFFFF0, s28;
	s31 =	spop (v2sf);
	s29 =	sadd.s32 s3, s26  }
0x284: {  	[tilespmem:s23], [sflag:$0x1] =	stream.linear.gather [hbm4b:s29+s2], $0x80, $0x38;
	[tilespmem:$0x2200] =	vst v63  }
0x285: {  	s26 =	sand.u32 $0x1FFFFFF0, s31;
	s25 =	sadd.s32 s3, s30;
	s28 =	spop (v2sf)  }
0x286: {  	[tilespmem:s22], [sflag:$0x1] =	stream.linear.gather [hbm4b:s25+s2], $0x80, $0x38;
	[tilespmem:$0x2200] =	vst v63  }
0x287: {  	s29 =	sadd.s32 s3, s26;
	s30 =	sand.u32 $0x1FFFFFF0, s28;
	s31 =	spop (v2sf)  }
0x288: {  	[tilespmem:s21], [sflag:$0x1] =	stream.linear.gather [hbm4b:s29+s2], $0x80, $0x38;
	[tilespmem:$0x2200] =	vst v63  }
0x289: {  	s23 =	sand.u32 $0x1FFFFFF0, s31;
	s24 =	spop (v2sf);
	s21 =	sadd.s32 s3, s30  }
0x28a: {  	[tilespmem:s20], [sflag:$0x1] =	stream.linear.gather [hbm4b:s21+s2], $0x80, $0x38;
	[tilespmem:$0x2200] =	vst v63  }
0x28b: {  	s25 =	sadd.s32 s3, s23;
	s26 =	sand.u32 $0x1FFFFFF0, s24;
	s28 =	spop (v2sf)  }
0x28c: {  	[tilespmem:s19], [sflag:$0x1] =	stream.linear.gather [hbm4b:s25+s2], $0x80, $0x38;
	[tilespmem:$0x2200] =	vst v63  }
0x28d: {  	s29 =	sadd.s32 s3, s26;
	s30 =	sand.u32 $0x1FFFFFF0, s28;
	s31 =	spop (v2sf)  }
0x28e: {  	[tilespmem:s18], [sflag:$0x1] =	stream.linear.gather [hbm4b:s29+s2], $0x80, $0x38;
	[tilespmem:$0x2200] =	vst v63  }
0x28f: {  	s20 =	sand.u32 $0x1FFFFFF0, s31;
	s21 =	spop (v2sf);
	s18 =	sadd.s32 s3, s30  }
0x290: {  	[tilespmem:s17], [sflag:$0x1] =	stream.linear.gather [hbm4b:s18+s2], $0x80, $0x38;
	[tilespmem:$0x2200] =	vst v63  }
0x291: {  	s22 =	sadd.s32 s3, s20;
	s23 =	sand.u32 $0x1FFFFFF0, s21;
	s24 =	spop (v2sf)  }
0x292: {  	[tilespmem:s16], [sflag:$0x1] =	stream.linear.gather [hbm4b:s22+s2], $0x80, $0x38;
	[tilespmem:$0x2200] =	vst v63  }
0x293: {  	s28 =	sld [smem:$0x7ED];
	s25 =	sadd.s32 s3, s23;
	s26 =	sand.u32 $0x1FFFFFF0, s24  }
0x294: {  	[tilespmem:s15], [sflag:$0x1] =	stream.linear.gather [hbm4b:s25+s2], $0x80, $0x38;
	[tilespmem:$0x2200] =	vst v63  }
0x295: {  	s29 =	sadd.s32 s3, s26  }
0x296: {  	[tilespmem:s28], [sflag:$0x1] =	stream.linear.gather [hbm4b:s29+s2], $0x80, $0x38;
	[tilespmem:$0x2200] =	vst v63  }
0x297: {  	v63 =	vld [tilespmem:s12+$0x10];
	_ =	sdelay $0x4  }
0x298: {  	v0 =	vshll.u32 v63, $0x4  }
0x299: {  	(v2sf) =	vpush v0, $0x0  }
0x29a: {  	(v2sf) =	vpush v0, $0x1  }
0x29b: {  	s1 =	sld [smem:$0x7F2];
	(v2sf) =	vpush v0, $0x2  }
0x29c: {  	s0 =	sld [smem:$0x7F3]  }
0x29d: {  	s19 =	sld [smem:$0x7F8];
	(v2sf) =	vpush v0, $0x3  }
0x29e: {  	s20 =	sld [smem:$0x7F7]  }
0x29f: {  	s21 =	sld [smem:$0x7F6];
	(v2sf) =	vpush v0, $0x4  }
0x2a0: {  	s23 =	sld [smem:$0x7F4]  }
0x2a1: {  	s24 =	sld [smem:$0x7F1];
	(v2sf) =	vpush v0, $0x5  }
0x2a2: {  	s26 =	sld [smem:$0x7EE]  }
0x2a3: {  	s17 =	sld [smem:$0x7FA];
	(v2sf) =	vpush v0, $0x6  }
0x2a4: {  	s18 =	sld [smem:$0x7F9]  }
0x2a5: {  	s16 =	sld [smem:$0x7FB];
	(v2sf) =	vpush v0, $0x7  }
0x2a6: {  	s22 =	sld [smem:$0x7F5]  }
0x2a7: {  	s15 =	sld [smem:$0x7FC];
	(v2sf) =	vpush v0, $0x8  }
0x2a8: {  	s25 =	sld [smem:$0x7F0];
	s30 =	spop (v2sf)  }
0x2a9: {  	s29 =	sld [smem:$0x7EF];
	s28 =	sand.u32 $0x1FFFFFF0, s30;
	s31 =	spop (v2sf);
	(v2sf) =	vpush v0, $0x9  }
0x2aa: {  	s28 =	sadd.s32 s3, s28;
	s30 =	sand.u32 $0x1FFFFFF0, s31;
	s31 =	spop (v2sf)  }
0x2ab: {  	(v2sf) =	vpush v0, $0xA;
	[tilespmem:s26], [sflag:$0x1] =	stream.linear.gather [hbm4b:s28+s2], $0x80, $0x38;
	[tilespmem:$0x2200] =	vst v63  }
0x2ac: {  	s26 =	sadd.s32 s3, s30;
	s28 =	sand.u32 $0x1FFFFFF0, s31;
	s31 =	spop (v2sf)  }
0x2ad: {  	(v2sf) =	vpush v0, $0xB;
	[tilespmem:s29], [sflag:$0x1] =	stream.linear.gather [hbm4b:s26+s2], $0x80, $0x38;
	[tilespmem:$0x2200] =	vst v63  }
0x2ae: {  	s30 =	sand.u32 $0x1FFFFFF0, s31;
	s31 =	spop (v2sf);
	s26 =	sadd.s32 s3, s28  }
0x2af: {  	(v2sf) =	vpush v0, $0xC;
	[tilespmem:s25], [sflag:$0x1] =	stream.linear.gather [hbm4b:s26+s2], $0x80, $0x38;
	[tilespmem:$0x2200] =	vst v63  }
0x2b0: {  	s26 =	sadd.s32 s3, s30;
	s30 =	sand.u32 $0x1FFFFFF0, s31;
	s31 =	spop (v2sf)  }
0x2b1: {  	(v2sf) =	vpush v0, $0xD;
	[tilespmem:s24], [sflag:$0x1] =	stream.linear.gather [hbm4b:s26+s2], $0x80, $0x38;
	[tilespmem:$0x2200] =	vst v63  }
0x2b2: {  	s29 =	sadd.s32 s3, s30;
	s30 =	sand.u32 $0x1FFFFFF0, s31;
	s31 =	spop (v2sf)  }
0x2b3: {  	(v2sf) =	vpush v0, $0xE;
	[tilespmem:s1], [sflag:$0x1] =	stream.linear.gather [hbm4b:s29+s2], $0x80, $0x38;
	[tilespmem:$0x2200] =	vst v63  }
0x2b4: {  	s25 =	sadd.s32 s3, s30;
	s26 =	sand.u32 $0x1FFFFFF0, s31;
	s28 =	spop (v2sf)  }
0x2b5: {  	(v2sf) =	vpush v0, $0xF;
	[tilespmem:s0], [sflag:$0x1] =	stream.linear.gather [hbm4b:s25+s2], $0x80, $0x38;
	[tilespmem:$0x2200] =	vst v63  }
0x2b6: {  	s30 =	sand.u32 $0x1FFFFFF0, s28;
	s31 =	spop (v2sf);
	s29 =	sadd.s32 s3, s26  }
0x2b7: {  	[tilespmem:s23], [sflag:$0x1] =	stream.linear.gather [hbm4b:s29+s2], $0x80, $0x38;
	[tilespmem:$0x2200] =	vst v63  }
0x2b8: {  	s26 =	sand.u32 $0x1FFFFFF0, s31;
	s25 =	sadd.s32 s3, s30;
	s28 =	spop (v2sf)  }
0x2b9: {  	[tilespmem:s22], [sflag:$0x1] =	stream.linear.gather [hbm4b:s25+s2], $0x80, $0x38;
	[tilespmem:$0x2200] =	vst v63  }
0x2ba: {  	s29 =	sadd.s32 s3, s26;
	s30 =	sand.u32 $0x1FFFFFF0, s28;
	s31 =	spop (v2sf)  }
0x2bb: {  	[tilespmem:s21], [sflag:$0x1] =	stream.linear.gather [hbm4b:s29+s2], $0x80, $0x38;
	[tilespmem:$0x2200] =	vst v63  }
0x2bc: {  	s23 =	sand.u32 $0x1FFFFFF0, s31;
	s24 =	spop (v2sf);
	s21 =	sadd.s32 s3, s30  }
0x2bd: {  	[tilespmem:s20], [sflag:$0x1] =	stream.linear.gather [hbm4b:s21+s2], $0x80, $0x38;
	[tilespmem:$0x2200] =	vst v63  }
0x2be: {  	s25 =	sadd.s32 s3, s23;
	s26 =	sand.u32 $0x1FFFFFF0, s24;
	s28 =	spop (v2sf)  }
0x2bf: {  	[tilespmem:s19], [sflag:$0x1] =	stream.linear.gather [hbm4b:s25+s2], $0x80, $0x38;
	[tilespmem:$0x2200] =	vst v63  }
0x2c0: {  	s29 =	sadd.s32 s3, s26;
	s30 =	sand.u32 $0x1FFFFFF0, s28;
	s31 =	spop (v2sf)  }
0x2c1: {  	[tilespmem:s18], [sflag:$0x1] =	stream.linear.gather [hbm4b:s29+s2], $0x80, $0x38;
	[tilespmem:$0x2200] =	vst v63  }
0x2c2: {  	s20 =	sadd.s32 s3, s30;
	s21 =	sand.u32 $0x1FFFFFF0, s31;
	s22 =	spop (v2sf)  }
0x2c3: {  	[tilespmem:s17], [sflag:$0x1] =	stream.linear.gather [hbm4b:s20+s2], $0x80, $0x38;
	[tilespmem:$0x2200] =	vst v63  }
0x2c4: {  	s23 =	sadd.s32 s3, s21;
	s24 =	sand.u32 $0x1FFFFFF0, s22;
	s25 =	spop (v2sf)  }
0x2c5: {  	[tilespmem:s16], [sflag:$0x1] =	stream.linear.gather [hbm4b:s23+s2], $0x80, $0x38;
	[tilespmem:$0x2200] =	vst v63  }
0x2c6: {  	s26 =	sadd.s32 s3, s24;
	s28 =	sand.u32 $0x1FFFFFF0, s25;
	s29 =	sld [smem:$0x7FD]  }
0x2c7: {  	[tilespmem:s15], [sflag:$0x1] =	stream.linear.gather [hbm4b:s26+s2], $0x80, $0x38;
	[tilespmem:$0x2200] =	vst v63  }
0x2c8: {  	s30 =	sadd.s32 s3, s28  }
0x2c9: {  	[tilespmem:s29], [sflag:$0x1] =	stream.linear.gather [hbm4b:s30+s2], $0x80, $0x38;
	[tilespmem:$0x2200] =	vst v63  }
0x2ca: {  	_ =	swait.ge [sflag:s10], $0x80  }
0x2cb: {  	[sflag:s10] =	ssyncset.done $0x0  }
0x2cc: {  	[sflag:s10] =	ssyncadd.s32 $0xFFFFFF80  }
0x2cd: {  	_ =	swait.ge [sflag:s10], $0x80  }
0x2ce: {  	[sflag:s10] =	ssyncset.done $0x0  }
0x2cf: {  	[sflag:s10] =	ssyncadd.s32 $0xFFFFFF80  }
0x2d0: {  	_ =	swait.ge [sflag:s10], $0x80  }
0x2d1: {  	[sflag:s10] =	ssyncset.done $0x0  }
0x2d2: {  	[sflag:s10] =	ssyncadd.s32 $0xFFFFFF80  }
0x2d3: {  	_ =	swait.ge [sflag:s10], $0x80  }
0x2d4: {  	[sflag:s10] =	ssyncset.done $0x0  }
0x2d5: {  	[sflag:s10] =	ssyncadd.s32 $0xFFFFFF80  }
0x2d6: {  	_ =	swait.ge [sflag:s10], $0x80  }
0x2d7: {  	[sflag:s10] =	ssyncset.done $0x0  }
0x2d8: {  	[sflag:s10] =	ssyncadd.s32 $0xFFFFFF80  }
0x2d9: {  	_ =	swait.ge [sflag:s10], $0x80  }
0x2da: {  	[sflag:s10] =	ssyncset.done $0x0  }
0x2db: {  	[sflag:s10] =	ssyncadd.s32 $0xFFFFFF80  }
0x2dc: {  	_ =	swait.ge [sflag:s10], $0x80  }
0x2dd: {  	[sflag:s10] =	ssyncset.done $0x0  }
0x2de: {  	[sflag:s10] =	ssyncadd.s32 $0xFFFFFF80  }
0x2df: {  	_ =	swait.ge [sflag:s10], $0x80  }
0x2e0: {  	[sflag:s10] =	ssyncset.done $0x0  }
0x2e1: {  	[sflag:s10] =	ssyncadd.s32 $0xFFFFFF80  }
0x2e2: {  	_ =	swait.ge [sflag:s10], $0x80  }
0x2e3: {  	[sflag:s10] =	ssyncset.done $0x0  }
0x2e4: {  	[sflag:s10] =	ssyncadd.s32 $0xFFFFFF80  }
0x2e5: {  	_ =	swait.ge [sflag:s10], $0x80  }
0x2e6: {  	[sflag:s10] =	ssyncset.done $0x0  }
0x2e7: {  	[sflag:s10] =	ssyncadd.s32 $0xFFFFFF80  }
0x2e8: {  	_ =	swait.ge [sflag:s10], $0x80  }
0x2e9: {  	[sflag:s10] =	ssyncset.done $0x0  }
0x2ea: {  	[sflag:s10] =	ssyncadd.s32 $0xFFFFFF80  }
0x2eb: {  	_ =	swait.ge [sflag:s10], $0x80  }
0x2ec: {  	[sflag:s10] =	ssyncset.done $0x0  }
0x2ed: {  	[sflag:s10] =	ssyncadd.s32 $0xFFFFFF80  }
0x2ee: {  	_ =	swait.ge [sflag:s10], $0x80  }
0x2ef: {  	[sflag:s10] =	ssyncset.done $0x0  }
0x2f0: {  	[sflag:s10] =	ssyncadd.s32 $0xFFFFFF80  }
0x2f1: {  	_ =	swait.ge [sflag:s10], $0x80  }
0x2f2: {  	[sflag:s10] =	ssyncset.done $0x0  }
0x2f3: {  	[sflag:s10] =	ssyncadd.s32 $0xFFFFFF80  }
0x2f4: {  	_ =	swait.ge [sflag:s10], $0x80  }
0x2f5: {  	[sflag:s10] =	ssyncset.done $0x0  }
0x2f6: {  	[sflag:s10] =	ssyncadd.s32 $0xFFFFFF80  }
0x2f7: {  	_ =	swait.ge [sflag:s10], $0x80  }
0x2f8: {  	[sflag:s10] =	ssyncset.done $0x0  }
0x2f9: {  	[sflag:s10] =	ssyncadd.s32 $0xFFFFFF80  }
0x2fa: {  	_ =	swait.ge [sflag:s10], $0x80  }
0x2fb: {  	[sflag:s10] =	ssyncset.done $0x0  }
0x2fc: {  	[sflag:s10] =	ssyncadd.s32 $0xFFFFFF80  }
0x2fd: {  	_ =	swait.ge [sflag:s10], $0x80  }
0x2fe: {  	[sflag:s10] =	ssyncset.done $0x0  }
0x2ff: {  	[sflag:s10] =	ssyncadd.s32 $0xFFFFFF80  }
0x300: {  	_ =	swait.ge [sflag:s10], $0x80  }
0x301: {  	[sflag:s10] =	ssyncset.done $0x0  }
0x302: {  	[sflag:s10] =	ssyncadd.s32 $0xFFFFFF80  }
0x303: {  	_ =	swait.ge [sflag:s10], $0x80  }
0x304: {  	[sflag:s10] =	ssyncset.done $0x0  }
0x305: {  	[sflag:s10] =	ssyncadd.s32 $0xFFFFFF80  }
0x306: {  	_ =	swait.ge [sflag:s10], $0x80  }
0x307: {  	[sflag:s10] =	ssyncset.done $0x0  }
0x308: {  	[sflag:s10] =	ssyncadd.s32 $0xFFFFFF80  }
0x309: {  	_ =	swait.ge [sflag:s10], $0x80  }
0x30a: {  	[sflag:s10] =	ssyncset.done $0x0  }
0x30b: {  	[sflag:s10] =	ssyncadd.s32 $0xFFFFFF80  }
0x30c: {  	_ =	swait.ge [sflag:s10], $0x80  }
0x30d: {  	[sflag:s10] =	ssyncset.done $0x0  }
0x30e: {  	[sflag:s10] =	ssyncadd.s32 $0xFFFFFF80  }
0x30f: {  	_ =	swait.ge [sflag:s10], $0x80  }
0x310: {  	[sflag:s10] =	ssyncset.done $0x0  }
0x311: {  	[sflag:s10] =	ssyncadd.s32 $0xFFFFFF80  }
0x312: {  	_ =	swait.ge [sflag:s10], $0x80  }
0x313: {  	[sflag:s10] =	ssyncset.done $0x0  }
0x314: {  	[sflag:s10] =	ssyncadd.s32 $0xFFFFFF80  }
0x315: {  	_ =	swait.ge [sflag:s10], $0x80  }
0x316: {  	[sflag:s10] =	ssyncset.done $0x0  }
0x317: {  	[sflag:s10] =	ssyncadd.s32 $0xFFFFFF80  }
0x318: {  	_ =	swait.ge [sflag:s10], $0x80  }
0x319: {  	[sflag:s10] =	ssyncset.done $0x0  }
0x31a: {  	[sflag:s10] =	ssyncadd.s32 $0xFFFFFF80  }
0x31b: {  	_ =	swait.ge [sflag:s10], $0x80  }
0x31c: {  	[sflag:s10] =	ssyncset.done $0x0  }
0x31d: {  	[sflag:s10] =	ssyncadd.s32 $0xFFFFFF80  }
0x31e: {  	_ =	swait.ge [sflag:s10], $0x80  }
0x31f: {  	[sflag:s10] =	ssyncset.done $0x0  }
0x320: {  	[sflag:s10] =	ssyncadd.s32 $0xFFFFFF80  }
0x321: {  	_ =	swait.ge [sflag:s10], $0x80  }
0x322: {  	[sflag:s10] =	ssyncset.done $0x0  }
0x323: {  	[sflag:s10] =	ssyncadd.s32 $0xFFFFFF80  }
0x324: {  	_ =	swait.ge [sflag:s10], $0x80  }
0x325: {  	[sflag:s10] =	ssyncset.done $0x0  }
0x326: {  	[sflag:s10] =	ssyncadd.s32 $0xFFFFFF80  }
0x327: {  	_ =	swait.ge [sflag:s10], $0x80  }
0x328: {  	[sflag:s10] =	ssyncset.done $0x0  }
0x329: {  	[sflag:s10] =	ssyncadd.s32 $0xFFFFFF80  }
0x32a: {  	_ =	swait.ge [sflag:s10], $0x80  }
0x32b: {  	[sflag:s10] =	ssyncset.done $0x0  }
0x32c: {  	[sflag:s10] =	ssyncadd.s32 $0xFFFFFF80  }
0x32d: {  	_ =	swait.ge [sflag:s10], $0x80  }
0x32e: {  	[sflag:s10] =	ssyncset.done $0x0  }
0x32f: {  	[sflag:s10] =	ssyncadd.s32 $0xFFFFFF80  }
0x330: {  	_ =	swait.ge [sflag:s10], $0x80  }
0x331: {  	[sflag:s10] =	ssyncset.done $0x0  }
0x332: {  	[sflag:s10] =	ssyncadd.s32 $0xFFFFFF80  }
0x333: {  	_ =	swait.ge [sflag:s10], $0x80  }
0x334: {  	[sflag:s10] =	ssyncset.done $0x0  }
0x335: {  	[sflag:s10] =	ssyncadd.s32 $0xFFFFFF80  }
0x336: {  	_ =	swait.ge [sflag:s10], $0x80  }
0x337: {  	[sflag:s10] =	ssyncset.done $0x0  }
0x338: {  	[sflag:s10] =	ssyncadd.s32 $0xFFFFFF80  }
0x339: {  	_ =	swait.ge [sflag:s10], $0x80  }
0x33a: {  	[sflag:s10] =	ssyncset.done $0x0  }
0x33b: {  	[sflag:s10] =	ssyncadd.s32 $0xFFFFFF80  }
0x33c: {  	_ =	swait.ge [sflag:s10], $0x80  }
0x33d: {  	[sflag:s10] =	ssyncset.done $0x0  }
0x33e: {  	[sflag:s10] =	ssyncadd.s32 $0xFFFFFF80  }
0x33f: {  	_ =	swait.ge [sflag:s10], $0x80  }
0x340: {  	[sflag:s10] =	ssyncset.done $0x0  }
0x341: {  	[sflag:s10] =	ssyncadd.s32 $0xFFFFFF80  }
0x342: {  	_ =	swait.ge [sflag:s10], $0x80  }
0x343: {  	[sflag:s10] =	ssyncset.done $0x0  }
0x344: {  	[sflag:s10] =	ssyncadd.s32 $0xFFFFFF80  }
0x345: {  	_ =	swait.ge [sflag:s10], $0x80  }
0x346: {  	[sflag:s10] =	ssyncset.done $0x0  }
0x347: {  	[sflag:s10] =	ssyncadd.s32 $0xFFFFFF80  }
0x348: {  	_ =	swait.ge [sflag:s10], $0x80  }
0x349: {  	[sflag:s10] =	ssyncset.done $0x0  }
0x34a: {  	[sflag:s10] =	ssyncadd.s32 $0xFFFFFF80  }
0x34b: {  	_ =	swait.ge [sflag:s10], $0x80  }
0x34c: {  	[sflag:s10] =	ssyncset.done $0x0  }
0x34d: {  	[sflag:s10] =	ssyncadd.s32 $0xFFFFFF80  }
0x34e: {  	_ =	swait.ge [sflag:s10], $0x80  }
0x34f: {  	[sflag:s10] =	ssyncset.done $0x0  }
0x350: {  	[sflag:s10] =	ssyncadd.s32 $0xFFFFFF80  }
0x351: {  	_ =	swait.ge [sflag:s10], $0x80  }
0x352: {  	[sflag:s10] =	ssyncset.done $0x0  }
0x353: {  	[sflag:s10] =	ssyncadd.s32 $0xFFFFFF80  }
0x354: {  	_ =	swait.ge [sflag:s10], $0x80  }
0x355: {  	[sflag:s10] =	ssyncset.done $0x0  }
0x356: {  	[sflag:s10] =	ssyncadd.s32 $0xFFFFFF80  }
0x357: {  	_ =	swait.ge [sflag:s10], $0x80  }
0x358: {  	[sflag:s10] =	ssyncset.done $0x0  }
0x359: {  	[sflag:s10] =	ssyncadd.s32 $0xFFFFFF80  }
0x35a: {  	_ =	swait.ge [sflag:s10], $0x80  }
0x35b: {  	[sflag:s10] =	ssyncset.done $0x0  }
0x35c: {  	[sflag:s10] =	ssyncadd.s32 $0xFFFFFF80  }
0x35d: {  	_ =	swait.ge [sflag:s10], $0x80  }
0x35e: {  	[sflag:s10] =	ssyncset.done $0x0  }
0x35f: {  	[sflag:s10] =	ssyncadd.s32 $0xFFFFFF80  }
0x360: {  	_ =	swait.ge [sflag:s10], $0x80  }
0x361: {  	[sflag:s10] =	ssyncset.done $0x0  }
0x362: {  	[sflag:s10] =	ssyncadd.s32 $0xFFFFFF80  }
0x363: {  	_ =	swait.ge [sflag:s10], $0x80  }
0x364: {  	[sflag:s10] =	ssyncset.done $0x0  }
0x365: {  	[sflag:s10] =	ssyncadd.s32 $0xFFFFFF80  }
0x366: {  	_ =	swait.ge [sflag:s10], $0x80  }
0x367: {  	[sflag:s10] =	ssyncset.done $0x0  }
0x368: {  	[sflag:s10] =	ssyncadd.s32 $0xFFFFFF80  }
0x369: {  	_ =	swait.ge [sflag:s10], $0x80  }
0x36a: {  	[sflag:s10] =	ssyncset.done $0x0  }
0x36b: {  	[sflag:s10] =	ssyncadd.s32 $0xFFFFFF80  }
0x36c: {  	_ =	swait.ge [sflag:s10], $0x80  }
0x36d: {  	[sflag:s10] =	ssyncset.done $0x0  }
0x36e: {  	[sflag:s10] =	ssyncadd.s32 $0xFFFFFF80  }
0x36f: {  	_ =	swait.ge [sflag:s10], $0x80  }
0x370: {  	[sflag:s10] =	ssyncset.done $0x0  }
0x371: {  	[sflag:s10] =	ssyncadd.s32 $0xFFFFFF80  }
0x372: {  	_ =	swait.ge [sflag:s10], $0x80  }
0x373: {  	[sflag:s10] =	ssyncset.done $0x0  }
0x374: {  	[sflag:s10] =	ssyncadd.s32 $0xFFFFFF80  }
0x375: {  	_ =	swait.ge [sflag:s10], $0x80  }
0x376: {  	[sflag:s10] =	ssyncset.done $0x0  }
0x377: {  	[sflag:s10] =	ssyncadd.s32 $0xFFFFFF80  }
0x378: {  	_ =	swait.ge [sflag:s10], $0x80  }
0x379: {  	[sflag:s10] =	ssyncset.done $0x0  }
0x37a: {  	[sflag:s10] =	ssyncadd.s32 $0xFFFFFF80  }
0x37b: {  	_ =	swait.ge [sflag:s10], $0x80  }
0x37c: {  	[sflag:s10] =	ssyncset.done $0x0  }
0x37d: {  	[sflag:s10] =	ssyncadd.s32 $0xFFFFFF80  }
0x37e: {  	_ =	swait.ge [sflag:s10], $0x80  }
0x37f: {  	[sflag:s10] =	ssyncset.done $0x0  }
0x380: {  	[sflag:s10] =	ssyncadd.s32 $0xFFFFFF80  }
0x381: {  	_ =	swait.ge [sflag:s10], $0x80  }
0x382: {  	[sflag:s10] =	ssyncset.done $0x0  }
0x383: {  	[sflag:s10] =	ssyncadd.s32 $0xFFFFFF80  }
0x384: {  	_ =	swait.ge [sflag:s10], $0x80  }
0x385: {  	[sflag:s10] =	ssyncset.done $0x0  }
0x386: {  	[sflag:s10] =	ssyncadd.s32 $0xFFFFFF80  }
0x387: {  	p0 =	sne.s32 s13, $0x1C00;
	s14 =	smov.u32 s13;
	_ =	swait.ge [sflag:s10], $0x80  }
.Ltmp0:
0x388: {  	s31 =	rddreg [dreg:$0x3];
	[sflag:s10] =	ssyncset.done $0x0;
	(pc) =	sbr.rel @p0 .LBB2_2-.Ltmp0, $4  }
0x389: {  	[sflag:s10] =	ssyncadd.s32 $0xFFFFFF80;
	s0 =	sadd.s32 s14, s31  }
0x38a: {  	[hbm4b:s0+s2] =	stream.linear.scatter [tilespmem:s9], [sflag:$0x2], $0x2000, $0x38;
	[tilespmem:$0x2200] =	vst v63  }
0x38b: {  	_ =	swait.ge [sflag:s8], $0x2000  }
0x38c: {  	s13 =	sadd.s32 $0x400, s13;
	[sflag:s8] =	ssyncset.done $0x0  }
0x38d: {  	s11 =	sadd.s32 $0x1, s11  }
0x38e: {  	p0 =	sne.s32 s11, s5  }
.Ltmp1:
0x38f: {  	_ = 	snop;
	(pc) =	sbr.rel @p0 .LBB2_1-.Ltmp1, $2  }
0x390: {  	_ =	sdelay $0x2  }
0x391: {  	[sflag:s8] =	ssyncadd.s32 $0xFFFFE000  }
0x392: {  	_ =	sfence.sel $0x180000  }
0x393: {  	[bflag:$0x0] =	sbarrier.arrive $0xFFFF  }
0x394: {  	_ =	strace $0x90000047  }
0x395: {  	s0 =	stileid.u32;
	[bflag:$0x2] =	sbarrier.arrive $0xFFFF  }
0x396: {  	p0 =	sne.s32 s0, $0x0;
	s0 =	rddreg [dreg:$0x2]  }
0x397: {  	s0 =	sadd.s32 @!p0 $0x100000, s0  }
0x398: {  	[sflag:s0] =	ssyncadd.tile.s32 @!p0 $0x1;
	_ =	shalt  }
.Lfunc_end2:
_tile_overlayer_lowered:
.L_overlay_start_2:
0x399: {  	(tag) =	ssettag $0x2  }
0x39a: {  	s0 =	rddreg [dreg:$0x0];
	s2 =	stileid.u32  }
0x39b: {  	s1 =	rddreg [dreg:$0x1];
	p0 =	sne.s32 s2, $0x0  }
0x39c: {  	s3 =	rddreg [dreg:$0x2];
	[bflag:$0x3] =	sbarrier.arrive $0xFFFF;
	s2 =	simm.s32 @!p0 $0x1C02  }
0x39d: {  	[timem:s3], [sflag:s2] =	dma.local @!p0 [hbm:s0], s1  }
0x39e: {  	s0 =	simm.s32 @!p0 $0x2  }
0x39f: {  	_ =	swait.ge @!p0 [sflag:s0], s1  }
0x3a0: {  	s1 =	ssub.s32 @!p0 $0x0, s1;
	[sflag:s0] =	ssyncset.done @!p0 $0x0  }
0x3a1: {  	[sflag:s0] =	ssyncadd.s32 @!p0 s1  }
0x3a2: {  	[bflag:$0x3] =	sbarrier.arrive $0xFFFF  }
0x3a3: {  	_ =	shalt  }

</sc_bundles>
